<compile_context>
chip_gen: v7x
topology: tpu7x:2x2x1
jax: 0.10.2.dev20260603
libtpu: 0.0.44.dev20260713+nightly
codegen_flags: <defaults>
</compile_context>

<pallas_src>
import functools

import jax
import jax.numpy as jnp
from jax import lax
from jax.experimental import pallas as pl
from jax.experimental.pallas import tpu as pltpu
from jax.experimental.pallas import tpu_sc as plsc

N = 10000
E = 320000
D = 128
LEAKY = 0.2
NC = 2
NS = 16
L = 16
NW = NC * NS

NPAD = 10240
EROWS = 80
EC = EROWS * 128
EP = NW * EC
ROWS_PER_SUB = NPAD // NS

_MESH = plsc.VectorSubcoreMesh(
    core_axis_name="c", subcore_axis_name="s", num_cores=NC, num_subcores=NS)


def _tc_prep_body(x_ref, w_ref, al_ref, ar_ref, wh_ref, el_ref, er_ref):
    wh = lax.dot_general(x_ref[...], w_ref[...], (((1,), (1,)), ((), ())),
                         preferred_element_type=jnp.float32)
    wh_ref[...] = wh
    el_ref[...] = jnp.sum(wh * al_ref[...], axis=1, keepdims=True)
    er_ref[...] = jnp.sum(wh * ar_ref[...], axis=1, keepdims=True)


def _tc_prep(x, W, al, ar):
    blk = 1000
    return pl.pallas_call(
        _tc_prep_body,
        grid=(N // blk,),
        in_specs=[
            pl.BlockSpec((blk, D), lambda i: (i, 0)),
            pl.BlockSpec((D, D), lambda i: (0, 0)),
            pl.BlockSpec((1, D), lambda i: (0, 0)),
            pl.BlockSpec((1, D), lambda i: (0, 0)),
        ],
        out_specs=[
            pl.BlockSpec((blk, D), lambda i: (i, 0)),
            pl.BlockSpec((blk, 1), lambda i: (i, 0)),
            pl.BlockSpec((blk, 1), lambda i: (i, 0)),
        ],
        out_shape=[
            jax.ShapeDtypeStruct((N, D), jnp.float32),
            jax.ShapeDtypeStruct((N, 1), jnp.float32),
            jax.ShapeDtypeStruct((N, 1), jnp.float32),
        ],
    )(x, W, al, ar)


@functools.partial(
    pl.kernel,
    out_type=[
        jax.ShapeDtypeStruct((NW * EROWS, 128), jnp.float32),
        jax.ShapeDtypeStruct((NC, NPAD), jnp.float32),
    ],
    mesh=_MESH,
    compiler_params=pltpu.CompilerParams(needs_layout_passes=False),
    scratch_types=[
        pltpu.VMEM((N,), jnp.float32),
        pltpu.VMEM((N,), jnp.float32),
        pltpu.VMEM((EROWS, 128), jnp.int32),
        pltpu.VMEM((EROWS, 128), jnp.int32),
        pltpu.VMEM((EROWS, 128), jnp.float32),
        pltpu.VMEM((ROWS_PER_SUB,), jnp.float32),
        pltpu.VMEM_SHARED((NPAD,), jnp.float32),
    ],
)
def _sc_edge(el_hbm, er_hbm, src_hbm, dst_hbm, ex_hbm, spart_hbm,
             el_v, er_v, src_v, dst_v, ex_v, z_v, s_sh):
    cid = lax.axis_index("c")
    sid = lax.axis_index("s")
    wid = cid * NS + sid
    base = wid * EROWS

    def zbody(i, _):
        z_v[pl.ds(i * L, L)] = jnp.zeros((L,), jnp.float32)
        return 0
    lax.fori_loop(0, ROWS_PER_SUB // L, zbody, 0)
    pltpu.sync_copy(z_v, s_sh.at[pl.ds(sid * ROWS_PER_SUB, ROWS_PER_SUB)])

    pltpu.sync_copy(el_hbm, el_v)
    pltpu.sync_copy(er_hbm, er_v)
    pltpu.sync_copy(src_hbm.at[pl.ds(base, EROWS)], src_v)
    pltpu.sync_copy(dst_hbm.at[pl.ds(base, EROWS)], dst_v)

    def body(k, _):
        j = k // 8
        c = (k % 8) * L
        sidx = src_v[j, pl.ds(c, L)]
        didx = dst_v[j, pl.ds(c, L)]
        e = plsc.load_gather(el_v, [sidx]) + plsc.load_gather(er_v, [didx])
        e = jnp.where(e > 0, e, LEAKY * e)
        ex_v[j, pl.ds(c, L)] = jnp.exp(e)
        return 0
    lax.fori_loop(0, EROWS * 8, body, 0)

    pltpu.sync_copy(ex_v, ex_hbm.at[pl.ds(base, EROWS)])
    plsc.subcore_barrier()
    def sbody(j, _):
        pltpu.sync_copy(ex_v.at[j], s_sh.at[dst_v.at[j]], add=True)
        return 0
    lax.fori_loop(0, EROWS, sbody, 0)
    plsc.subcore_barrier()

    @pl.when(sid == 0)
    def _():
        pltpu.sync_copy(s_sh, spart_hbm.at[cid])


def _tc_sinv_body(sp_ref, sinv_ref):
    s = sp_ref[0, :] + sp_ref[1, :]
    sinv_ref[...] = (1.0 / (s + 1e-12))[None, :]


def _tc_sinv(spart):
    return pl.pallas_call(
        _tc_sinv_body,
        out_shape=jax.ShapeDtypeStruct((1, NPAD), jnp.float32),
    )(spart)


@functools.partial(
    pl.kernel,
    out_type=jax.ShapeDtypeStruct((NC, NPAD, D), jnp.float32),
    mesh=_MESH,
    compiler_params=pltpu.CompilerParams(needs_layout_passes=False),
    scratch_types=[
        pltpu.VMEM((NPAD,), jnp.float32),
        pltpu.VMEM((EROWS, 128), jnp.int32),
        pltpu.VMEM((EROWS, 128), jnp.int32),
        pltpu.VMEM((EROWS, 128), jnp.float32),
        pltpu.VMEM((L, D), jnp.float32),
        pltpu.VMEM_SHARED((NPAD, D), jnp.float32),
        pltpu.SemaphoreType.DMA,
    ],
)
def _sc_agg(wh_hbm, ex_hbm, sinv_hbm, src_hbm, dst_hbm, zrows_hbm, opart_hbm,
            sinv_v, src_v, dst_v, ex_v, rows_v, o_sh, gsem):
    cid = lax.axis_index("c")
    sid = lax.axis_index("s")
    wid = cid * NS + sid
    base = wid * EROWS

    for kk in range(ROWS_PER_SUB // 128):
        pltpu.sync_copy(
            zrows_hbm, o_sh.at[pl.ds(sid * ROWS_PER_SUB + kk * 128, 128)])

    pltpu.sync_copy(sinv_hbm, sinv_v)
    pltpu.sync_copy(src_hbm.at[pl.ds(base, EROWS)], src_v)
    pltpu.sync_copy(dst_hbm.at[pl.ds(base, EROWS)], dst_v)
    pltpu.sync_copy(ex_hbm.at[pl.ds(base, EROWS)], ex_v)

    plsc.subcore_barrier()

    def body(k, _):
        j = k // 8
        c = (k % 8) * L
        sidx = src_v[j, pl.ds(c, L)]
        didx = dst_v[j, pl.ds(c, L)]
        pltpu.async_copy(wh_hbm.at[sidx], rows_v, gsem).wait()
        alpha = ex_v[j, pl.ds(c, L)] * plsc.load_gather(sinv_v, [didx])
        for r in range(L):
            a = alpha[r]
            for cc in range(D // L):
                rows_v[r, pl.ds(cc * L, L)] = rows_v[r, pl.ds(cc * L, L)] * a
        pltpu.sync_copy(rows_v, o_sh.at[didx], add=True)
        return 0
    lax.fori_loop(0, EROWS * 8, body, 0)

    plsc.subcore_barrier()
    pltpu.sync_copy(o_sh.at[pl.ds(sid * ROWS_PER_SUB, ROWS_PER_SUB)],
                    opart_hbm.at[cid, pl.ds(sid * ROWS_PER_SUB, ROWS_PER_SUB)])


def _tc_finish_body(p0_ref, p1_ref, b_ref, out_ref):
    out_ref[...] = p0_ref[...] + p1_ref[...] + b_ref[...]


def _tc_finish(p0, p1, b):
    blk = 1000
    return pl.pallas_call(
        _tc_finish_body,
        grid=(N // blk,),
        in_specs=[
            pl.BlockSpec((blk, D), lambda i: (i, 0)),
            pl.BlockSpec((blk, D), lambda i: (i, 0)),
            pl.BlockSpec((1, D), lambda i: (0, 0)),
        ],
        out_specs=pl.BlockSpec((blk, D), lambda i: (i, 0)),
        out_shape=jax.ShapeDtypeStruct((N, D), jnp.float32),
    )(p0, p1, b)


def kernel(x, edge_index, W, a_l, a_r, b):
    src = edge_index[0]
    dst = edge_index[1]
    npad = EP - E
    srcp = jnp.concatenate(
        [src, jnp.zeros((npad,), jnp.int32)]).reshape(NW * EROWS, 128)
    dstp = jnp.concatenate(
        [dst, N + (jnp.arange(npad, dtype=jnp.int32) % (NPAD - N))]
    ).reshape(NW * EROWS, 128)

    wh, el, er = _tc_prep(x, W, a_l.reshape(1, D), a_r.reshape(1, D))
    ex, spart = _sc_edge(el.reshape(N), er.reshape(N), srcp, dstp)
    sinv = _tc_sinv(spart).reshape(NPAD)
    zrows = jnp.zeros((128, D), jnp.float32)
    opart = _sc_agg(wh, ex, sinv, srcp, dstp, zrows)
    return _tc_finish(opart[0, :N], opart[1, :N], b.reshape(1, D))

# --- scband reference (transcript-rebuilt; emitter-appended) ---
"""Pipeline reference for scband-graph-attention-head-30159260352616 (READ-ONLY COPY).

The authoritative reference and input builder live on the scoring server;
editing this copy changes nothing except your own understanding.
"""

import jax, jax.numpy as jnp
import numpy as np

N = 10000
E = 320000
D_IN = 128
D_OUT = 128
LEAKY_ALPHA = 0.2


def setup_inputs(seed: int = 0) -> dict:
    key = jax.random.key(seed)
    k1, k2, k3, k4, k5, k6 = jax.random.split(key, 6)
    x = jax.random.normal(k1, (N, D_IN), dtype=jnp.float32)
    edge_index = jax.random.randint(k2, (2, E), 0, N, dtype=jnp.int32)
    # Linear weight W: [out_features, in_features], xavier-uniform-ish
    limit_w = np.sqrt(6.0 / (D_IN + D_OUT)) * 1.414
    W = jax.random.uniform(k3, (D_OUT, D_IN), dtype=jnp.float32, minval=-limit_w, maxval=limit_w)
    bound = np.sqrt(6.0 / (D_OUT + 1.0))
    a_l = jax.random.uniform(k4, (D_OUT,), dtype=jnp.float32, minval=-bound, maxval=bound)
    a_r = jax.random.uniform(k5, (D_OUT,), dtype=jnp.float32, minval=-bound, maxval=bound)
    b = jnp.zeros((D_OUT,), dtype=jnp.float32)
    return {"x": x, "edge_index": edge_index, "W": W, "a_l": a_l, "a_r": a_r, "b": b}


def reference(x, edge_index, W, a_l, a_r, b):
    src = edge_index[0]
    dst = edge_index[1]
    # Wh = self.W(x)  (Linear without bias)
    Wh = x @ W.T
    # attention logits per edge (fp32)
    e = (Wh[src] * a_l).sum(axis=1) + (Wh[dst] * a_r).sum(axis=1)
    # LeakyReLU
    e = jnp.where(e > 0, e, LEAKY_ALPHA * e)
    # numerically stable segment softmax over dst
    m = jax.ops.segment_max(e, dst, num_segments=N)
    m = jnp.where(jnp.isneginf(m), 0.0, m)
    ex = jnp.exp(e - m[dst])
    s = jax.ops.segment_sum(ex, dst, num_segments=N)
    alpha = ex / (s[dst] + 1e-12)
    # eval mode: no dropout
    # aggregate messages
    out = jnp.zeros((N, D_OUT), dtype=jnp.float32).at[dst].add(alpha[:, None] * Wh[src])
    out = out + b
    return out

if __name__ == "__main__":
    import jax
    _d = setup_inputs()
    print(jax.jit(kernel)(*tuple(_d.values())))

</pallas_src>

<mosaic_0001>
#map = affine_map<(d0, d1) -> (0)>
#map1 = affine_map<(d0, d1) -> (0, 0)>
module attributes {stable_mosaic.version = 14 : i64} {
  func.func @_sc_edge(%arg0: i32, %arg1: i32, %arg2: memref<10000xf32, #tpu.memory_space<hbm>>, %arg3: memref<10000xf32, #tpu.memory_space<hbm>>, %arg4: memref<2560x128xi32, #tpu.memory_space<hbm>>, %arg5: memref<2560x128xi32, #tpu.memory_space<hbm>>, %arg6: memref<2560x128xf32, #tpu.memory_space<hbm>>, %arg7: memref<2x10240xf32, #tpu.memory_space<hbm>>, %arg8: memref<10000xf32, #tpu.memory_space<vmem>>, %arg9: memref<10000xf32, #tpu.memory_space<vmem>>, %arg10: memref<80x128xi32, #tpu.memory_space<vmem>>, %arg11: memref<80x128xi32, #tpu.memory_space<vmem>>, %arg12: memref<80x128xf32, #tpu.memory_space<vmem>>, %arg13: memref<640xf32, #tpu.memory_space<vmem>>, %arg14: memref<10240xf32, #tpu.memory_space<vmem_shared>>) attributes {dimension_semantics = [#tpu.dimension_semantics<core_parallel>, #tpu.dimension_semantics<subcore_parallel>], iteration_bounds = array<i64: 2, 16>, scalar_prefetch = 0 : i64, scratch_operands = 7 : i64, tpu.core_type = #tpu.core_type<sc_vector_subcore>, window_params = [{transform_indices = #map}, {transform_indices = #map}, {transform_indices = #map1}, {transform_indices = #map1}, {transform_indices = #map1}, {transform_indices = #map1}]} {
    %mul3A = arith.constant 16 : i32
    %mul3A_0 = arith.muli %arg0, %mul3A : i32
    %add3A = arith.addi %mul3A_0, %arg1 : i32
    %mul3A_1 = arith.constant 80 : i32
    %mul3A_2 = arith.muli %add3A, %mul3A_1 : i32
    %scan3A = arith.constant 0 : i32
    %scan3A_3 = arith.constant 0 : i32
    %scan3A_4 = arith.constant 40 : i32
    %scan3A_5 = arith.addi %scan3A_3, %scan3A_4 : i32
    %scan3A_6 = arith.constant 1 : i32
    %scan3A_7 = scf.for %scan3A_28 = %scan3A_3 to %scan3A_5 step %scan3A_6 iter_args(%scan3A_29 = %scan3A) -> (i32)  : i32 {
      %broadcast_in_dim3A = arith.constant 0.000000e+00 : f32
      %broadcast_in_dim3A_30 = vector.broadcast %broadcast_in_dim3A : f32 to vector<16xf32>
      %mul3A_31 = arith.constant 16 : i32
      %mul3A_32 = arith.muli %scan3A_28, %mul3A_31 : i32
      %swap3A = arith.index_cast %mul3A_32 : i32 to index
      %swap3A_33 = tpu.vector_load %arg13[%swap3A] {strides = array<i32>} : memref<640xf32, #tpu.memory_space<vmem>>, vector<16xf32>,
      tpu.vector_store %arg13[%swap3A], %broadcast_in_dim3A_30 {strides = array<i32>} : memref<640xf32, #tpu.memory_space<vmem>>, vector<16xf32>,
      %scan3A_34 = arith.constant 0 : i32
      scf.yield %scan3A_34 : i32
    }
    %scan3A_8 = arith.constant 40 : i32
    %mul3A_9 = arith.constant 640 : i32
    %mul3A_10 = arith.muli %arg1, %mul3A_9 : i32
    "tpu.region"() ({
      %run_scoped3A = tpu.sem_alloc : memref<!tpu.dma_semaphore, #tpu.memory_space<semaphore_mem>>
      %dma_start3A = tpu.memref_slice %arg14[%mul3A_10] : memref<10240xf32, #tpu.memory_space<vmem_shared>> -> memref<640xf32, #tpu.memory_space<vmem_shared>>
      %dma_start3A_28 = tpu.memref_slice %arg14[%mul3A_10] : memref<10240xf32, #tpu.memory_space<vmem_shared>> -> memref<640xf32, #tpu.memory_space<vmem_shared>>
      tpu.enqueue_dma source(%arg13 : memref<640xf32, #tpu.memory_space<vmem>>) target(%dma_start3A_28 : memref<640xf32, #tpu.memory_space<vmem_shared>>) target_semaphore(%run_scoped3A : memref<!tpu.dma_semaphore, #tpu.memory_space<semaphore_mem>>)
      %dma_wait3A = tpu.memref_slice %arg14[%mul3A_10] : memref<10240xf32, #tpu.memory_space<vmem_shared>> -> memref<640xf32, #tpu.memory_space<vmem_shared>>
      %dma_wait3A_29 = tpu.memref_slice %arg14[%mul3A_10] : memref<10240xf32, #tpu.memory_space<vmem_shared>> -> memref<640xf32, #tpu.memory_space<vmem_shared>>
      tpu.wait_dma2 semaphore(%run_scoped3A : memref<!tpu.dma_semaphore, #tpu.memory_space<semaphore_mem>>) src(%arg13 : memref<640xf32, #tpu.memory_space<vmem>>) dst(%dma_wait3A_29 : memref<640xf32, #tpu.memory_space<vmem_shared>>)
      tpu.yield
    }) : () -> ()
    "tpu.region"() ({
      %run_scoped3A = tpu.sem_alloc : memref<!tpu.dma_semaphore, #tpu.memory_space<semaphore_mem>>
      tpu.enqueue_dma source(%arg2 : memref<10000xf32, #tpu.memory_space<hbm>>) target(%arg8 : memref<10000xf32, #tpu.memory_space<vmem>>) target_semaphore(%run_scoped3A : memref<!tpu.dma_semaphore, #tpu.memory_space<semaphore_mem>>)
      tpu.wait_dma2 semaphore(%run_scoped3A : memref<!tpu.dma_semaphore, #tpu.memory_space<semaphore_mem>>) src(%arg2 : memref<10000xf32, #tpu.memory_space<hbm>>) dst(%arg8 : memref<10000xf32, #tpu.memory_space<vmem>>)
      tpu.yield
    }) : () -> ()
    "tpu.region"() ({
      %run_scoped3A = tpu.sem_alloc : memref<!tpu.dma_semaphore, #tpu.memory_space<semaphore_mem>>
      tpu.enqueue_dma source(%arg3 : memref<10000xf32, #tpu.memory_space<hbm>>) target(%arg9 : memref<10000xf32, #tpu.memory_space<vmem>>) target_semaphore(%run_scoped3A : memref<!tpu.dma_semaphore, #tpu.memory_space<semaphore_mem>>)
      tpu.wait_dma2 semaphore(%run_scoped3A : memref<!tpu.dma_semaphore, #tpu.memory_space<semaphore_mem>>) src(%arg3 : memref<10000xf32, #tpu.memory_space<hbm>>) dst(%arg9 : memref<10000xf32, #tpu.memory_space<vmem>>)
      tpu.yield
    }) : () -> ()
    "tpu.region"() ({
      %run_scoped3A = tpu.sem_alloc : memref<!tpu.dma_semaphore, #tpu.memory_space<semaphore_mem>>
      %dma_start3A = arith.constant 0 : i32
      %dma_start3A_28 = tpu.memref_slice %arg4[%mul3A_2, %dma_start3A] : memref<2560x128xi32, #tpu.memory_space<hbm>> -> memref<80x128xi32, #tpu.memory_space<hbm>>
      %dma_start3A_29 = arith.constant 0 : i32
      %dma_start3A_30 = tpu.memref_slice %arg4[%mul3A_2, %dma_start3A_29] : memref<2560x128xi32, #tpu.memory_space<hbm>> -> memref<80x128xi32, #tpu.memory_space<hbm>>
      tpu.enqueue_dma source(%dma_start3A_30 : memref<80x128xi32, #tpu.memory_space<hbm>>) target(%arg10 : memref<80x128xi32, #tpu.memory_space<vmem>>) target_semaphore(%run_scoped3A : memref<!tpu.dma_semaphore, #tpu.memory_space<semaphore_mem>>)
      %dma_wait3A = arith.constant 0 : i32
      %dma_wait3A_31 = tpu.memref_slice %arg4[%mul3A_2, %dma_wait3A] : memref<2560x128xi32, #tpu.memory_space<hbm>> -> memref<80x128xi32, #tpu.memory_space<hbm>>
      %dma_wait3A_32 = arith.constant 0 : i32
      %dma_wait3A_33 = tpu.memref_slice %arg4[%mul3A_2, %dma_wait3A_32] : memref<2560x128xi32, #tpu.memory_space<hbm>> -> memref<80x128xi32, #tpu.memory_space<hbm>>
      tpu.wait_dma2 semaphore(%run_scoped3A : memref<!tpu.dma_semaphore, #tpu.memory_space<semaphore_mem>>) src(%dma_wait3A_33 : memref<80x128xi32, #tpu.memory_space<hbm>>) dst(%arg10 : memref<80x128xi32, #tpu.memory_space<vmem>>)
      tpu.yield
    }) : () -> ()
    "tpu.region"() ({
      %run_scoped3A = tpu.sem_alloc : memref<!tpu.dma_semaphore, #tpu.memory_space<semaphore_mem>>
      %dma_start3A = arith.constant 0 : i32
      %dma_start3A_28 = tpu.memref_slice %arg5[%mul3A_2, %dma_start3A] : memref<2560x128xi32, #tpu.memory_space<hbm>> -> memref<80x128xi32, #tpu.memory_space<hbm>>
      %dma_start3A_29 = arith.constant 0 : i32
      %dma_start3A_30 = tpu.memref_slice %arg5[%mul3A_2, %dma_start3A_29] : memref<2560x128xi32, #tpu.memory_space<hbm>> -> memref<80x128xi32, #tpu.memory_space<hbm>>
      tpu.enqueue_dma source(%dma_start3A_30 : memref<80x128xi32, #tpu.memory_space<hbm>>) target(%arg11 : memref<80x128xi32, #tpu.memory_space<vmem>>) target_semaphore(%run_scoped3A : memref<!tpu.dma_semaphore, #tpu.memory_space<semaphore_mem>>)
      %dma_wait3A = arith.constant 0 : i32
      %dma_wait3A_31 = tpu.memref_slice %arg5[%mul3A_2, %dma_wait3A] : memref<2560x128xi32, #tpu.memory_space<hbm>> -> memref<80x128xi32, #tpu.memory_space<hbm>>
      %dma_wait3A_32 = arith.constant 0 : i32
      %dma_wait3A_33 = tpu.memref_slice %arg5[%mul3A_2, %dma_wait3A_32] : memref<2560x128xi32, #tpu.memory_space<hbm>> -> memref<80x128xi32, #tpu.memory_space<hbm>>
      tpu.wait_dma2 semaphore(%run_scoped3A : memref<!tpu.dma_semaphore, #tpu.memory_space<semaphore_mem>>) src(%dma_wait3A_33 : memref<80x128xi32, #tpu.memory_space<hbm>>) dst(%arg11 : memref<80x128xi32, #tpu.memory_space<vmem>>)
      tpu.yield
    }) : () -> ()
    %scan3A_11 = arith.constant 0 : i32
    %scan3A_12 = arith.constant 0 : i32
    %scan3A_13 = arith.constant 640 : i32
    %scan3A_14 = arith.addi %scan3A_12, %scan3A_13 : i32
    %scan3A_15 = arith.constant 1 : i32
    %scan3A_16 = scf.for %scan3A_28 = %scan3A_12 to %scan3A_14 step %scan3A_15 iter_args(%scan3A_29 = %scan3A_11) -> (i32)  : i32 {
      %jit3A = arith.constant 8 : i32
      %div3A = arith.divsi %scan3A_28, %jit3A : i32
      %sign3A = arith.constant 0 : i32
      %sign3A_30 = arith.cmpi sgt, %scan3A_28, %sign3A : i32
      %sign3A_31 = arith.extui %sign3A_30 : i1 to i32
      %sign3A_32 = arith.constant 0 : i32
      %sign3A_33 = arith.cmpi slt, %scan3A_28, %sign3A_32 : i32
      %sign3A_34 = arith.extui %sign3A_33 : i1 to i32
      %sign3A_35 = arith.subi %sign3A_31, %sign3A_34 : i32
      %sign3A_36 = arith.constant 0 : i32
      %sign3A_37 = arith.cmpi sgt, %jit3A, %sign3A_36 : i32
      %sign3A_38 = arith.extui %sign3A_37 : i1 to i32
      %sign3A_39 = arith.constant 0 : i32
      %sign3A_40 = arith.cmpi slt, %jit3A, %sign3A_39 : i32
      %sign3A_41 = arith.extui %sign3A_40 : i1 to i32
      %sign3A_42 = arith.subi %sign3A_38, %sign3A_41 : i32
      %ne3A = arith.cmpi ne, %sign3A_35, %sign3A_42 : i32
      %rem3A = arith.remsi %scan3A_28, %jit3A : i32
      %ne3A_43 = arith.constant 0 : i32
      %ne3A_44 = arith.cmpi ne, %rem3A, %ne3A_43 : i32
      %and3A = arith.andi %ne3A, %ne3A_44 : i1
      %sub3A = arith.constant 1 : i32
      %sub3A_45 = arith.subi %div3A, %sub3A : i32
      %select_n3A = arith.select %and3A, %sub3A_45, %div3A : i32
      %jit3A_46 = arith.constant 8 : i32
      %eq3A_47 = arith.constant 0 : i32
      %eq3A_48 = arith.cmpi eq, %jit3A_46, %eq3A_47 : i32
      %jit3A_49 = arith.constant 1 : i32
      %select_n3A_50 = arith.select %eq3A_48, %jit3A_49, %jit3A_46 : i32
      %rem3A_51 = arith.remsi %scan3A_28, %select_n3A_50 : i32
      %ne3A_52 = arith.constant 0 : i32
      %ne3A_53 = arith.cmpi ne, %rem3A_51, %ne3A_52 : i32
      %lt3A = arith.constant 0 : i32
      %lt3A_54 = arith.cmpi slt, %rem3A_51, %lt3A : i32
      %lt3A_55 = arith.constant 0 : i32
      %lt3A_56 = arith.cmpi slt, %select_n3A_50, %lt3A_55 : i32
      %ne3A_57 = arith.xori %lt3A_54, %lt3A_56 : i1
      %and3A_58 = arith.andi %ne3A_57, %ne3A_53 : i1
      %add3A_59 = arith.addi %rem3A_51, %select_n3A_50 : i32
      %select_n3A_60 = arith.select %and3A_58, %add3A_59, %rem3A_51 : i32
      %mul3A_61 = arith.constant 16 : i32
      %mul3A_62 = arith.muli %select_n3A_60, %mul3A_61 : i32
      %get3A = arith.index_cast %select_n3A : i32 to index
      %get3A_63 = arith.index_cast %mul3A_62 : i32 to index
      %get3A_64 = tpu.vector_load %arg10[%get3A, %get3A_63] {strides = array<i32>} : memref<80x128xi32, #tpu.memory_space<vmem>>, vector<16xi32>,
      %get3A_65 = arith.index_cast %select_n3A : i32 to index
      %get3A_66 = arith.index_cast %mul3A_62 : i32 to index
      %get3A_67 = tpu.vector_load %arg11[%get3A_65, %get3A_66] {strides = array<i32>} : memref<80x128xi32, #tpu.memory_space<vmem>>, vector<16xi32>,
      %gather3A = tpu.vector_load_idx %arg8[%get3A_64] : memref<10000xf32, #tpu.memory_space<vmem>>[vector<16xi32>], vector<16xf32>,
      %gather3A_68 = tpu.vector_load_idx %arg9[%get3A_67] : memref<10000xf32, #tpu.memory_space<vmem>>[vector<16xi32>], vector<16xf32>,
      %add3A_69 = arith.addf %gather3A, %gather3A_68 : vector<16xf32>
      %gt3A = arith.constant 0.000000e+00 : f32
      %gt3A_70 = vector.broadcast %gt3A : f32 to vector<16xf32>
      %gt3A_71 = arith.cmpf ogt, %add3A_69, %gt3A_70 : vector<16xf32>
      %mul3A_72 = arith.constant 2.000000e-01 : f32
      %mul3A_73 = vector.broadcast %mul3A_72 : f32 to vector<16xf32>
      %mul3A_74 = arith.mulf %mul3A_73, %add3A_69 : vector<16xf32>
      %select_n3A_75 = arith.select %gt3A_71, %add3A_69, %mul3A_74 : vector<16xi1>, vector<16xf32>
      %exp3A = math.exp %select_n3A_75 : vector<16xf32>
      %swap3A = arith.index_cast %select_n3A : i32 to index
      %swap3A_76 = arith.index_cast %mul3A_62 : i32 to index
      %swap3A_77 = tpu.vector_load %arg12[%swap3A, %swap3A_76] {strides = array<i32>} : memref<80x128xf32, #tpu.memory_space<vmem>>, vector<16xf32>,
      tpu.vector_store %arg12[%swap3A, %swap3A_76], %exp3A {strides = array<i32>} : memref<80x128xf32, #tpu.memory_space<vmem>>, vector<16xf32>,
      %scan3A_78 = arith.constant 0 : i32
      scf.yield %scan3A_78 : i32
    }
    %scan3A_17 = arith.constant 640 : i32
    "tpu.region"() ({
      %run_scoped3A = tpu.sem_alloc : memref<!tpu.dma_semaphore, #tpu.memory_space<semaphore_mem>>
      %dma_start3A = arith.constant 0 : i32
      %dma_start3A_28 = tpu.memref_slice %arg6[%mul3A_2, %dma_start3A] : memref<2560x128xf32, #tpu.memory_space<hbm>> -> memref<80x128xf32, #tpu.memory_space<hbm>>
      %dma_start3A_29 = arith.constant 0 : i32
      %dma_start3A_30 = tpu.memref_slice %arg6[%mul3A_2, %dma_start3A_29] : memref<2560x128xf32, #tpu.memory_space<hbm>> -> memref<80x128xf32, #tpu.memory_space<hbm>>
      tpu.enqueue_dma source(%arg12 : memref<80x128xf32, #tpu.memory_space<vmem>>) target(%dma_start3A_30 : memref<80x128xf32, #tpu.memory_space<hbm>>) target_semaphore(%run_scoped3A : memref<!tpu.dma_semaphore, #tpu.memory_space<semaphore_mem>>)
      %dma_wait3A = arith.constant 0 : i32
      %dma_wait3A_31 = tpu.memref_slice %arg6[%mul3A_2, %dma_wait3A] : memref<2560x128xf32, #tpu.memory_space<hbm>> -> memref<80x128xf32, #tpu.memory_space<hbm>>
      %dma_wait3A_32 = arith.constant 0 : i32
      %dma_wait3A_33 = tpu.memref_slice %arg6[%mul3A_2, %dma_wait3A_32] : memref<2560x128xf32, #tpu.memory_space<hbm>> -> memref<80x128xf32, #tpu.memory_space<hbm>>
      tpu.wait_dma2 semaphore(%run_scoped3A : memref<!tpu.dma_semaphore, #tpu.memory_space<semaphore_mem>>) src(%arg12 : memref<80x128xf32, #tpu.memory_space<vmem>>) dst(%dma_wait3A_33 : memref<80x128xf32, #tpu.memory_space<hbm>>)
      tpu.yield
    }) : () -> ()
    %barrier3A = arith.constant 0 : index
    tpu.barrier barrier_id(%barrier3A)
    %scan3A_18 = arith.constant 0 : i32
    %scan3A_19 = arith.constant 0 : i32
    %scan3A_20 = arith.constant 80 : i32
    %scan3A_21 = arith.addi %scan3A_19, %scan3A_20 : i32
    %scan3A_22 = arith.constant 1 : i32
    %scan3A_23 = scf.for %scan3A_28 = %scan3A_19 to %scan3A_21 step %scan3A_22 iter_args(%scan3A_29 = %scan3A_18) -> (i32)  : i32 {
      "tpu.region"() ({
        %run_scoped3A = tpu.sem_alloc : memref<!tpu.dma_semaphore, #tpu.memory_space<semaphore_mem>>
        %dma_start3A = arith.constant 0 : i32
        %dma_start3A_31 = tpu.memref_slice %arg12[%scan3A_28, %dma_start3A] : memref<80x128xf32, #tpu.memory_space<vmem>> -> memref<1x128xf32, #tpu.memory_space<vmem>>
        %dma_start3A_32 = tpu.memref_squeeze %dma_start3A_31 : memref<1x128xf32, #tpu.memory_space<vmem>> -> memref<128xf32, #tpu.memory_space<vmem>>
        %dma_start3A_33 = arith.constant 0 : i32
        %dma_start3A_34 = tpu.memref_slice %arg11[%scan3A_28, %dma_start3A_33] : memref<80x128xi32, #tpu.memory_space<vmem>> -> memref<1x128xi32, #tpu.memory_space<vmem>>
        %dma_start3A_35 = tpu.memref_squeeze %dma_start3A_34 : memref<1x128xi32, #tpu.memory_space<vmem>> -> memref<128xi32, #tpu.memory_space<vmem>>
        %dma_start3A_36 = arith.constant 0 : i32
        %dma_start3A_37 = tpu.memref_slice %arg14[%dma_start3A_36] : memref<10240xf32, #tpu.memory_space<vmem_shared>> -> memref<10240xf32, #tpu.memory_space<vmem_shared>>
        tpu.enqueue_indirect_dma source(%dma_start3A_32 : memref<128xf32, #tpu.memory_space<vmem>>) target(%dma_start3A_37 : memref<10240xf32, #tpu.memory_space<vmem_shared>>) offsets(%dma_start3A_35 : memref<128xi32, #tpu.memory_space<vmem>>) semaphore(%run_scoped3A : memref<!tpu.dma_semaphore, #tpu.memory_space<semaphore_mem>>) {add = true}
        %dma_wait3A = arith.constant 0 : i32
        %dma_wait3A_38 = tpu.memref_slice %arg12[%scan3A_28, %dma_wait3A] : memref<80x128xf32, #tpu.memory_space<vmem>> -> memref<1x128xf32, #tpu.memory_space<vmem>>
        %dma_wait3A_39 = tpu.memref_squeeze %dma_wait3A_38 : memref<1x128xf32, #tpu.memory_space<vmem>> -> memref<128xf32, #tpu.memory_space<vmem>>
        %dma_wait3A_40 = arith.constant 0 : i32
        %dma_wait3A_41 = tpu.memref_slice %arg11[%scan3A_28, %dma_wait3A_40] : memref<80x128xi32, #tpu.memory_space<vmem>> -> memref<1x128xi32, #tpu.memory_space<vmem>>
        %dma_wait3A_42 = tpu.memref_squeeze %dma_wait3A_41 : memref<1x128xi32, #tpu.memory_space<vmem>> -> memref<128xi32, #tpu.memory_space<vmem>>
        %dma_wait3A_43 = arith.constant 0 : i32
        %dma_wait3A_44 = tpu.memref_slice %arg14[%dma_wait3A_43] : memref<10240xf32, #tpu.memory_space<vmem_shared>> -> memref<10240xf32, #tpu.memory_space<vmem_shared>>
        tpu.wait_indirect_dma semaphore(%run_scoped3A : memref<!tpu.dma_semaphore, #tpu.memory_space<semaphore_mem>>) src(%dma_wait3A_39 : memref<128xf32, #tpu.memory_space<vmem>>) dst(%dma_wait3A_44 : memref<10240xf32, #tpu.memory_space<vmem_shared>>)
        tpu.yield
      }) : () -> ()
      %scan3A_30 = arith.constant 0 : i32
      scf.yield %scan3A_30 : i32
    }
    %scan3A_24 = arith.constant 80 : i32
    %barrier3A_25 = arith.constant 0 : index
    tpu.barrier barrier_id(%barrier3A_25)
    %eq3A = arith.constant 0 : i32
    %eq3A_26 = arith.cmpi eq, %arg1, %eq3A : i32
    %convert_element_type3A = arith.extui %eq3A_26 : i1 to i32
    %cond3A = arith.constant 0 : i32
    %cond3A_27 = arith.cmpi ne, %convert_element_type3A, %cond3A : i32
    scf.if %cond3A_27 {
      "tpu.region"() ({
        %run_scoped3A = tpu.sem_alloc : memref<!tpu.dma_semaphore, #tpu.memory_space<semaphore_mem>>
        %dma_start3A = arith.constant 0 : i32
        %dma_start3A_28 = tpu.memref_slice %arg7[%arg0, %dma_start3A] : memref<2x10240xf32, #tpu.memory_space<hbm>> -> memref<1x10240xf32, #tpu.memory_space<hbm>>
        %dma_start3A_29 = tpu.memref_squeeze %dma_start3A_28 : memref<1x10240xf32, #tpu.memory_space<hbm>> -> memref<10240xf32, #tpu.memory_space<hbm>>
        tpu.enqueue_dma source(%arg14 : memref<10240xf32, #tpu.memory_space<vmem_shared>>) target(%dma_start3A_29 : memref<10240xf32, #tpu.memory_space<hbm>>) target_semaphore(%run_scoped3A : memref<!tpu.dma_semaphore, #tpu.memory_space<semaphore_mem>>)
        %dma_wait3A = arith.constant 0 : i32
        %dma_wait3A_30 = tpu.memref_slice %arg7[%arg0, %dma_wait3A] : memref<2x10240xf32, #tpu.memory_space<hbm>> -> memref<1x10240xf32, #tpu.memory_space<hbm>>
        %dma_wait3A_31 = tpu.memref_squeeze %dma_wait3A_30 : memref<1x10240xf32, #tpu.memory_space<hbm>> -> memref<10240xf32, #tpu.memory_space<hbm>>
        tpu.wait_dma2 semaphore(%run_scoped3A : memref<!tpu.dma_semaphore, #tpu.memory_space<semaphore_mem>>) src(%arg14 : memref<10240xf32, #tpu.memory_space<vmem_shared>>) dst(%dma_wait3A_31 : memref<10240xf32, #tpu.memory_space<hbm>>)
        tpu.yield
      }) : () -> ()
    } else {
    }
    return
  }
}

#map = affine_map<(d0, d1) -> (0, 0)>
#map1 = affine_map<(d0, d1) -> (0)>
#map2 = affine_map<(d0, d1) -> (0, 0, 0)>
module attributes {stable_mosaic.version = 14 : i64} {
  func.func @_sc_agg(%arg0: i32, %arg1: i32, %arg2: memref<10000x128xf32, #tpu.memory_space<hbm>>, %arg3: memref<2560x128xf32, #tpu.memory_space<hbm>>, %arg4: memref<10240xf32, #tpu.memory_space<hbm>>, %arg5: memref<2560x128xi32, #tpu.memory_space<hbm>>, %arg6: memref<2560x128xi32, #tpu.memory_space<hbm>>, %arg7: memref<128x128xf32, #tpu.memory_space<hbm>>, %arg8: memref<2x10240x128xf32, #tpu.memory_space<hbm>>, %arg9: memref<10240xf32, #tpu.memory_space<vmem>>, %arg10: memref<80x128xi32, #tpu.memory_space<vmem>>, %arg11: memref<80x128xi32, #tpu.memory_space<vmem>>, %arg12: memref<80x128xf32, #tpu.memory_space<vmem>>, %arg13: memref<16x128xf32, #tpu.memory_space<vmem>>, %arg14: memref<10240x128xf32, #tpu.memory_space<vmem_shared>>, %arg15: memref<!tpu.dma_semaphore, #tpu.memory_space<semaphore_mem>>) attributes {dimension_semantics = [#tpu.dimension_semantics<core_parallel>, #tpu.dimension_semantics<subcore_parallel>], iteration_bounds = array<i64: 2, 16>, scalar_prefetch = 0 : i64, scratch_operands = 7 : i64, tpu.core_type = #tpu.core_type<sc_vector_subcore>, window_params = [{transform_indices = #map}, {transform_indices = #map}, {transform_indices = #map1}, {transform_indices = #map}, {transform_indices = #map}, {transform_indices = #map}, {transform_indices = #map2}]} {
    %mul3A = arith.constant 16 : i32
    %mul3A_0 = arith.muli %arg0, %mul3A : i32
    %add3A = arith.addi %mul3A_0, %arg1 : i32
    %mul3A_1 = arith.constant 80 : i32
    %mul3A_2 = arith.muli %add3A, %mul3A_1 : i32
    %mul3A_3 = arith.constant 640 : i32
    %mul3A_4 = arith.muli %arg1, %mul3A_3 : i32
    %add3A_5 = arith.constant 0 : i32
    %add3A_6 = arith.addi %mul3A_4, %add3A_5 : i32
    "tpu.region"() ({
      %run_scoped3A = tpu.sem_alloc : memref<!tpu.dma_semaphore, #tpu.memory_space<semaphore_mem>>
      %dma_start3A = arith.constant 0 : i32
      %dma_start3A_34 = tpu.memref_slice %arg14[%add3A_6, %dma_start3A] : memref<10240x128xf32, #tpu.memory_space<vmem_shared>> -> memref<128x128xf32, #tpu.memory_space<vmem_shared>>
      tpu.enqueue_dma source(%arg7 : memref<128x128xf32, #tpu.memory_space<hbm>>) target(%dma_start3A_34 : memref<128x128xf32, #tpu.memory_space<vmem_shared>>) target_semaphore(%run_scoped3A : memref<!tpu.dma_semaphore, #tpu.memory_space<semaphore_mem>>)
      %dma_wait3A = arith.constant 0 : i32
      %dma_wait3A_35 = tpu.memref_slice %arg14[%add3A_6, %dma_wait3A] : memref<10240x128xf32, #tpu.memory_space<vmem_shared>> -> memref<128x128xf32, #tpu.memory_space<vmem_shared>>
      tpu.wait_dma2 semaphore(%run_scoped3A : memref<!tpu.dma_semaphore, #tpu.memory_space<semaphore_mem>>) src(%arg7 : memref<128x128xf32, #tpu.memory_space<hbm>>) dst(%dma_wait3A_35 : memref<128x128xf32, #tpu.memory_space<vmem_shared>>)
      tpu.yield
    }) : () -> ()
    %mul3A_7 = arith.constant 640 : i32
    %mul3A_8 = arith.muli %arg1, %mul3A_7 : i32
    %add3A_9 = arith.constant 128 : i32
    %add3A_10 = arith.addi %mul3A_8, %add3A_9 : i32
    "tpu.region"() ({
      %run_scoped3A = tpu.sem_alloc : memref<!tpu.dma_semaphore, #tpu.memory_space<semaphore_mem>>
      %dma_start3A = arith.constant 0 : i32
      %dma_start3A_34 = tpu.memref_slice %arg14[%add3A_10, %dma_start3A] : memref<10240x128xf32, #tpu.memory_space<vmem_shared>> -> memref<128x128xf32, #tpu.memory_space<vmem_shared>>
      tpu.enqueue_dma source(%arg7 : memref<128x128xf32, #tpu.memory_space<hbm>>) target(%dma_start3A_34 : memref<128x128xf32, #tpu.memory_space<vmem_shared>>) target_semaphore(%run_scoped3A : memref<!tpu.dma_semaphore, #tpu.memory_space<semaphore_mem>>)
      %dma_wait3A = arith.constant 0 : i32
      %dma_wait3A_35 = tpu.memref_slice %arg14[%add3A_10, %dma_wait3A] : memref<10240x128xf32, #tpu.memory_space<vmem_shared>> -> memref<128x128xf32, #tpu.memory_space<vmem_shared>>
      tpu.wait_dma2 semaphore(%run_scoped3A : memref<!tpu.dma_semaphore, #tpu.memory_space<semaphore_mem>>) src(%arg7 : memref<128x128xf32, #tpu.memory_space<hbm>>) dst(%dma_wait3A_35 : memref<128x128xf32, #tpu.memory_space<vmem_shared>>)
      tpu.yield
    }) : () -> ()
    %mul3A_11 = arith.constant 640 : i32
    %mul3A_12 = arith.muli %arg1, %mul3A_11 : i32
    %add3A_13 = arith.constant 256 : i32
    %add3A_14 = arith.addi %mul3A_12, %add3A_13 : i32
    "tpu.region"() ({
      %run_scoped3A = tpu.sem_alloc : memref<!tpu.dma_semaphore, #tpu.memory_space<semaphore_mem>>
      %dma_start3A = arith.constant 0 : i32
      %dma_start3A_34 = tpu.memref_slice %arg14[%add3A_14, %dma_start3A] : memref<10240x128xf32, #tpu.memory_space<vmem_shared>> -> memref<128x128xf32, #tpu.memory_space<vmem_shared>>
      tpu.enqueue_dma source(%arg7 : memref<128x128xf32, #tpu.memory_space<hbm>>) target(%dma_start3A_34 : memref<128x128xf32, #tpu.memory_space<vmem_shared>>) target_semaphore(%run_scoped3A : memref<!tpu.dma_semaphore, #tpu.memory_space<semaphore_mem>>)
      %dma_wait3A = arith.constant 0 : i32
      %dma_wait3A_35 = tpu.memref_slice %arg14[%add3A_14, %dma_wait3A] : memref<10240x128xf32, #tpu.memory_space<vmem_shared>> -> memref<128x128xf32, #tpu.memory_space<vmem_shared>>
      tpu.wait_dma2 semaphore(%run_scoped3A : memref<!tpu.dma_semaphore, #tpu.memory_space<semaphore_mem>>) src(%arg7 : memref<128x128xf32, #tpu.memory_space<hbm>>) dst(%dma_wait3A_35 : memref<128x128xf32, #tpu.memory_space<vmem_shared>>)
      tpu.yield
    }) : () -> ()
    %mul3A_15 = arith.constant 640 : i32
    %mul3A_16 = arith.muli %arg1, %mul3A_15 : i32
    %add3A_17 = arith.constant 384 : i32
    %add3A_18 = arith.addi %mul3A_16, %add3A_17 : i32
    "tpu.region"() ({
      %run_scoped3A = tpu.sem_alloc : memref<!tpu.dma_semaphore, #tpu.memory_space<semaphore_mem>>
      %dma_start3A = arith.constant 0 : i32
      %dma_start3A_34 = tpu.memref_slice %arg14[%add3A_18, %dma_start3A] : memref<10240x128xf32, #tpu.memory_space<vmem_shared>> -> memref<128x128xf32, #tpu.memory_space<vmem_shared>>
      tpu.enqueue_dma source(%arg7 : memref<128x128xf32, #tpu.memory_space<hbm>>) target(%dma_start3A_34 : memref<128x128xf32, #tpu.memory_space<vmem_shared>>) target_semaphore(%run_scoped3A : memref<!tpu.dma_semaphore, #tpu.memory_space<semaphore_mem>>)
      %dma_wait3A = arith.constant 0 : i32
      %dma_wait3A_35 = tpu.memref_slice %arg14[%add3A_18, %dma_wait3A] : memref<10240x128xf32, #tpu.memory_space<vmem_shared>> -> memref<128x128xf32, #tpu.memory_space<vmem_shared>>
      tpu.wait_dma2 semaphore(%run_scoped3A : memref<!tpu.dma_semaphore, #tpu.memory_space<semaphore_mem>>) src(%arg7 : memref<128x128xf32, #tpu.memory_space<hbm>>) dst(%dma_wait3A_35 : memref<128x128xf32, #tpu.memory_space<vmem_shared>>)
      tpu.yield
    }) : () -> ()
    %mul3A_19 = arith.constant 640 : i32
    %mul3A_20 = arith.muli %arg1, %mul3A_19 : i32
    %add3A_21 = arith.constant 512 : i32
    %add3A_22 = arith.addi %mul3A_20, %add3A_21 : i32
    "tpu.region"() ({
      %run_scoped3A = tpu.sem_alloc : memref<!tpu.dma_semaphore, #tpu.memory_space<semaphore_mem>>
      %dma_start3A = arith.constant 0 : i32
      %dma_start3A_34 = tpu.memref_slice %arg14[%add3A_22, %dma_start3A] : memref<10240x128xf32, #tpu.memory_space<vmem_shared>> -> memref<128x128xf32, #tpu.memory_space<vmem_shared>>
      tpu.enqueue_dma source(%arg7 : memref<128x128xf32, #tpu.memory_space<hbm>>) target(%dma_start3A_34 : memref<128x128xf32, #tpu.memory_space<vmem_shared>>) target_semaphore(%run_scoped3A : memref<!tpu.dma_semaphore, #tpu.memory_space<semaphore_mem>>)
      %dma_wait3A = arith.constant 0 : i32
      %dma_wait3A_35 = tpu.memref_slice %arg14[%add3A_22, %dma_wait3A] : memref<10240x128xf32, #tpu.memory_space<vmem_shared>> -> memref<128x128xf32, #tpu.memory_space<vmem_shared>>
      tpu.wait_dma2 semaphore(%run_scoped3A : memref<!tpu.dma_semaphore, #tpu.memory_space<semaphore_mem>>) src(%arg7 : memref<128x128xf32, #tpu.memory_space<hbm>>) dst(%dma_wait3A_35 : memref<128x128xf32, #tpu.memory_space<vmem_shared>>)
      tpu.yield
    }) : () -> ()
    "tpu.region"() ({
      %run_scoped3A = tpu.sem_alloc : memref<!tpu.dma_semaphore, #tpu.memory_space<semaphore_mem>>
      tpu.enqueue_dma source(%arg4 : memref<10240xf32, #tpu.memory_space<hbm>>) target(%arg9 : memref<10240xf32, #tpu.memory_space<vmem>>) target_semaphore(%run_scoped3A : memref<!tpu.dma_semaphore, #tpu.memory_space<semaphore_mem>>)
      tpu.wait_dma2 semaphore(%run_scoped3A : memref<!tpu.dma_semaphore, #tpu.memory_space<semaphore_mem>>) src(%arg4 : memref<10240xf32, #tpu.memory_space<hbm>>) dst(%arg9 : memref<10240xf32, #tpu.memory_space<vmem>>)
      tpu.yield
    }) : () -> ()
    "tpu.region"() ({
      %run_scoped3A = tpu.sem_alloc : memref<!tpu.dma_semaphore, #tpu.memory_space<semaphore_mem>>
      %dma_start3A = arith.constant 0 : i32
      %dma_start3A_34 = tpu.memref_slice %arg5[%mul3A_2, %dma_start3A] : memref<2560x128xi32, #tpu.memory_space<hbm>> -> memref<80x128xi32, #tpu.memory_space<hbm>>
      %dma_start3A_35 = arith.constant 0 : i32
      %dma_start3A_36 = tpu.memref_slice %arg5[%mul3A_2, %dma_start3A_35] : memref<2560x128xi32, #tpu.memory_space<hbm>> -> memref<80x128xi32, #tpu.memory_space<hbm>>
      tpu.enqueue_dma source(%dma_start3A_36 : memref<80x128xi32, #tpu.memory_space<hbm>>) target(%arg10 : memref<80x128xi32, #tpu.memory_space<vmem>>) target_semaphore(%run_scoped3A : memref<!tpu.dma_semaphore, #tpu.memory_space<semaphore_mem>>)
      %dma_wait3A = arith.constant 0 : i32
      %dma_wait3A_37 = tpu.memref_slice %arg5[%mul3A_2, %dma_wait3A] : memref<2560x128xi32, #tpu.memory_space<hbm>> -> memref<80x128xi32, #tpu.memory_space<hbm>>
      %dma_wait3A_38 = arith.constant 0 : i32
      %dma_wait3A_39 = tpu.memref_slice %arg5[%mul3A_2, %dma_wait3A_38] : memref<2560x128xi32, #tpu.memory_space<hbm>> -> memref<80x128xi32, #tpu.memory_space<hbm>>
      tpu.wait_dma2 semaphore(%run_scoped3A : memref<!tpu.dma_semaphore, #tpu.memory_space<semaphore_mem>>) src(%dma_wait3A_39 : memref<80x128xi32, #tpu.memory_space<hbm>>) dst(%arg10 : memref<80x128xi32, #tpu.memory_space<vmem>>)
      tpu.yield
    }) : () -> ()
    "tpu.region"() ({
      %run_scoped3A = tpu.sem_alloc : memref<!tpu.dma_semaphore, #tpu.memory_space<semaphore_mem>>
      %dma_start3A = arith.constant 0 : i32
      %dma_start3A_34 = tpu.memref_slice %arg6[%mul3A_2, %dma_start3A] : memref<2560x128xi32, #tpu.memory_space<hbm>> -> memref<80x128xi32, #tpu.memory_space<hbm>>
      %dma_start3A_35 = arith.constant 0 : i32
      %dma_start3A_36 = tpu.memref_slice %arg6[%mul3A_2, %dma_start3A_35] : memref<2560x128xi32, #tpu.memory_space<hbm>> -> memref<80x128xi32, #tpu.memory_space<hbm>>
      tpu.enqueue_dma source(%dma_start3A_36 : memref<80x128xi32, #tpu.memory_space<hbm>>) target(%arg11 : memref<80x128xi32, #tpu.memory_space<vmem>>) target_semaphore(%run_scoped3A : memref<!tpu.dma_semaphore, #tpu.memory_space<semaphore_mem>>)
      %dma_wait3A = arith.constant 0 : i32
      %dma_wait3A_37 = tpu.memref_slice %arg6[%mul3A_2, %dma_wait3A] : memref<2560x128xi32, #tpu.memory_space<hbm>> -> memref<80x128xi32, #tpu.memory_space<hbm>>
      %dma_wait3A_38 = arith.constant 0 : i32
      %dma_wait3A_39 = tpu.memref_slice %arg6[%mul3A_2, %dma_wait3A_38] : memref<2560x128xi32, #tpu.memory_space<hbm>> -> memref<80x128xi32, #tpu.memory_space<hbm>>
      tpu.wait_dma2 semaphore(%run_scoped3A : memref<!tpu.dma_semaphore, #tpu.memory_space<semaphore_mem>>) src(%dma_wait3A_39 : memref<80x128xi32, #tpu.memory_space<hbm>>) dst(%arg11 : memref<80x128xi32, #tpu.memory_space<vmem>>)
      tpu.yield
    }) : () -> ()
    "tpu.region"() ({
      %run_scoped3A = tpu.sem_alloc : memref<!tpu.dma_semaphore, #tpu.memory_space<semaphore_mem>>
      %dma_start3A = arith.constant 0 : i32
      %dma_start3A_34 = tpu.memref_slice %arg3[%mul3A_2, %dma_start3A] : memref<2560x128xf32, #tpu.memory_space<hbm>> -> memref<80x128xf32, #tpu.memory_space<hbm>>
      %dma_start3A_35 = arith.constant 0 : i32
      %dma_start3A_36 = tpu.memref_slice %arg3[%mul3A_2, %dma_start3A_35] : memref<2560x128xf32, #tpu.memory_space<hbm>> -> memref<80x128xf32, #tpu.memory_space<hbm>>
      tpu.enqueue_dma source(%dma_start3A_36 : memref<80x128xf32, #tpu.memory_space<hbm>>) target(%arg12 : memref<80x128xf32, #tpu.memory_space<vmem>>) target_semaphore(%run_scoped3A : memref<!tpu.dma_semaphore, #tpu.memory_space<semaphore_mem>>)
      %dma_wait3A = arith.constant 0 : i32
      %dma_wait3A_37 = tpu.memref_slice %arg3[%mul3A_2, %dma_wait3A] : memref<2560x128xf32, #tpu.memory_space<hbm>> -> memref<80x128xf32, #tpu.memory_space<hbm>>
      %dma_wait3A_38 = arith.constant 0 : i32
      %dma_wait3A_39 = tpu.memref_slice %arg3[%mul3A_2, %dma_wait3A_38] : memref<2560x128xf32, #tpu.memory_space<hbm>> -> memref<80x128xf32, #tpu.memory_space<hbm>>
      tpu.wait_dma2 semaphore(%run_scoped3A : memref<!tpu.dma_semaphore, #tpu.memory_space<semaphore_mem>>) src(%dma_wait3A_39 : memref<80x128xf32, #tpu.memory_space<hbm>>) dst(%arg12 : memref<80x128xf32, #tpu.memory_space<vmem>>)
      tpu.yield
    }) : () -> ()
    %barrier3A = arith.constant 0 : index
    tpu.barrier barrier_id(%barrier3A)
    %scan3A = arith.constant 0 : i32
    %scan3A_23 = arith.constant 0 : i32
    %scan3A_24 = arith.constant 640 : i32
    %scan3A_25 = arith.addi %scan3A_23, %scan3A_24 : i32
    %scan3A_26 = arith.constant 1 : i32
    %scan3A_27 = scf.for %scan3A_34 = %scan3A_23 to %scan3A_25 step %scan3A_26 iter_args(%scan3A_35 = %scan3A) -> (i32)  : i32 {
      %jit3A = arith.constant 8 : i32
      %div3A = arith.divsi %scan3A_34, %jit3A : i32
      %sign3A = arith.constant 0 : i32
      %sign3A_36 = arith.cmpi sgt, %scan3A_34, %sign3A : i32
      %sign3A_37 = arith.extui %sign3A_36 : i1 to i32
      %sign3A_38 = arith.constant 0 : i32
      %sign3A_39 = arith.cmpi slt, %scan3A_34, %sign3A_38 : i32
      %sign3A_40 = arith.extui %sign3A_39 : i1 to i32
      %sign3A_41 = arith.subi %sign3A_37, %sign3A_40 : i32
      %sign3A_42 = arith.constant 0 : i32
      %sign3A_43 = arith.cmpi sgt, %jit3A, %sign3A_42 : i32
      %sign3A_44 = arith.extui %sign3A_43 : i1 to i32
      %sign3A_45 = arith.constant 0 : i32
      %sign3A_46 = arith.cmpi slt, %jit3A, %sign3A_45 : i32
      %sign3A_47 = arith.extui %sign3A_46 : i1 to i32
      %sign3A_48 = arith.subi %sign3A_44, %sign3A_47 : i32
      %ne3A = arith.cmpi ne, %sign3A_41, %sign3A_48 : i32
      %rem3A = arith.remsi %scan3A_34, %jit3A : i32
      %ne3A_49 = arith.constant 0 : i32
      %ne3A_50 = arith.cmpi ne, %rem3A, %ne3A_49 : i32
      %and3A = arith.andi %ne3A, %ne3A_50 : i1
      %sub3A = arith.constant 1 : i32
      %sub3A_51 = arith.subi %div3A, %sub3A : i32
      %select_n3A = arith.select %and3A, %sub3A_51, %div3A : i32
      %jit3A_52 = arith.constant 8 : i32
      %eq3A = arith.constant 0 : i32
      %eq3A_53 = arith.cmpi eq, %jit3A_52, %eq3A : i32
      %jit3A_54 = arith.constant 1 : i32
      %select_n3A_55 = arith.select %eq3A_53, %jit3A_54, %jit3A_52 : i32
      %rem3A_56 = arith.remsi %scan3A_34, %select_n3A_55 : i32
      %ne3A_57 = arith.constant 0 : i32
      %ne3A_58 = arith.cmpi ne, %rem3A_56, %ne3A_57 : i32
      %lt3A = arith.constant 0 : i32
      %lt3A_59 = arith.cmpi slt, %rem3A_56, %lt3A : i32
      %lt3A_60 = arith.constant 0 : i32
      %lt3A_61 = arith.cmpi slt, %select_n3A_55, %lt3A_60 : i32
      %ne3A_62 = arith.xori %lt3A_59, %lt3A_61 : i1
      %and3A_63 = arith.andi %ne3A_62, %ne3A_58 : i1
      %add3A_64 = arith.addi %rem3A_56, %select_n3A_55 : i32
      %select_n3A_65 = arith.select %and3A_63, %add3A_64, %rem3A_56 : i32
      %mul3A_66 = arith.constant 16 : i32
      %mul3A_67 = arith.muli %select_n3A_65, %mul3A_66 : i32
      %get3A = arith.index_cast %select_n3A : i32 to index
      %get3A_68 = arith.index_cast %mul3A_67 : i32 to index
      %get3A_69 = tpu.vector_load %arg10[%get3A, %get3A_68] {strides = array<i32>} : memref<80x128xi32, #tpu.memory_space<vmem>>, vector<16xi32>,
      %get3A_70 = arith.index_cast %select_n3A : i32 to index
      %get3A_71 = arith.index_cast %mul3A_67 : i32 to index
      %get3A_72 = tpu.vector_load %arg11[%get3A_70, %get3A_71] {strides = array<i32>} : memref<80x128xi32, #tpu.memory_space<vmem>>, vector<16xi32>,
      %dma_start3A = arith.constant 0 : i32
      %dma_start3A_73 = arith.constant 0 : i32
      %dma_start3A_74 = tpu.memref_slice %arg2[%dma_start3A, %dma_start3A_73] : memref<10000x128xf32, #tpu.memory_space<hbm>> -> memref<10000x128xf32, #tpu.memory_space<hbm>>
      tpu.enqueue_indirect_dma source(%dma_start3A_74 : memref<10000x128xf32, #tpu.memory_space<hbm>>) target(%arg13 : memref<16x128xf32, #tpu.memory_space<vmem>>) offsets(%get3A_69 : vector<16xi32>) semaphore(%arg15 : memref<!tpu.dma_semaphore, #tpu.memory_space<semaphore_mem>>)
      %dma_wait3A = arith.constant 0 : i32
      %dma_wait3A_75 = arith.constant 0 : i32
      %dma_wait3A_76 = tpu.memref_slice %arg2[%dma_wait3A, %dma_wait3A_75] : memref<10000x128xf32, #tpu.memory_space<hbm>> -> memref<10000x128xf32, #tpu.memory_space<hbm>>
      tpu.wait_indirect_dma semaphore(%arg15 : memref<!tpu.dma_semaphore, #tpu.memory_space<semaphore_mem>>) src(%dma_wait3A_76 : memref<10000x128xf32, #tpu.memory_space<hbm>>) dst(%arg13 : memref<16x128xf32, #tpu.memory_space<vmem>>)
      %get3A_77 = arith.index_cast %select_n3A : i32 to index
      %get3A_78 = arith.index_cast %mul3A_67 : i32 to index
      %get3A_79 = tpu.vector_load %arg12[%get3A_77, %get3A_78] {strides = array<i32>} : memref<80x128xf32, #tpu.memory_space<vmem>>, vector<16xf32>,
      %gather3A = tpu.vector_load_idx %arg9[%get3A_72] : memref<10240xf32, #tpu.memory_space<vmem>>[vector<16xi32>], vector<16xf32>,
      %mul3A_80 = arith.mulf %get3A_79, %gather3A : vector<16xf32>
      %slice3A = vector.extract_strided_slice %mul3A_80 {offsets = [0], sizes = [1], strides = [1]} : vector<16xf32> to vector<1xf32>
      %squeeze3A = vector.extract %slice3A[0] : f32 from vector<1xf32>
      %get3A_81 = arith.constant 0 : i32
      %get3A_82 = arith.index_cast %get3A_81 : i32 to index
      %get3A_83 = arith.constant 0 : index
      %get3A_84 = tpu.vector_load %arg13[%get3A_82, %get3A_83] {strides = array<i32>} : memref<16x128xf32, #tpu.memory_space<vmem>>, vector<16xf32>,
      %mul3A_85 = vector.broadcast %squeeze3A : f32 to vector<16xf32>
      %mul3A_86 = arith.mulf %get3A_84, %mul3A_85 : vector<16xf32>
      %swap3A = arith.constant 0 : i32
      %swap3A_87 = arith.index_cast %swap3A : i32 to index
      %swap3A_88 = arith.constant 0 : index
      %swap3A_89 = tpu.vector_load %arg13[%swap3A_87, %swap3A_88] {strides = array<i32>} : memref<16x128xf32, #tpu.memory_space<vmem>>, vector<16xf32>,
      tpu.vector_store %arg13[%swap3A_87, %swap3A_88], %mul3A_86 {strides = array<i32>} : memref<16x128xf32, #tpu.memory_space<vmem>>, vector<16xf32>,
      %get3A_90 = arith.constant 0 : i32
      %get3A_91 = arith.index_cast %get3A_90 : i32 to index
      %get3A_92 = arith.constant 16 : index
      %get3A_93 = tpu.vector_load %arg13[%get3A_91, %get3A_92] {strides = array<i32>} : memref<16x128xf32, #tpu.memory_space<vmem>>, vector<16xf32>,
      %mul3A_94 = vector.broadcast %squeeze3A : f32 to vector<16xf32>
      %mul3A_95 = arith.mulf %get3A_93, %mul3A_94 : vector<16xf32>
      %swap3A_96 = arith.constant 0 : i32
      %swap3A_97 = arith.index_cast %swap3A_96 : i32 to index
      %swap3A_98 = arith.constant 16 : index
      %swap3A_99 = tpu.vector_load %arg13[%swap3A_97, %swap3A_98] {strides = array<i32>} : memref<16x128xf32, #tpu.memory_space<vmem>>, vector<16xf32>,
      tpu.vector_store %arg13[%swap3A_97, %swap3A_98], %mul3A_95 {strides = array<i32>} : memref<16x128xf32, #tpu.memory_space<vmem>>, vector<16xf32>,
      %get3A_100 = arith.constant 0 : i32
      %get3A_101 = arith.index_cast %get3A_100 : i32 to index
      %get3A_102 = arith.constant 32 : index
      %get3A_103 = tpu.vector_load %arg13[%get3A_101, %get3A_102] {strides = array<i32>} : memref<16x128xf32, #tpu.memory_space<vmem>>, vector<16xf32>,
      %mul3A_104 = vector.broadcast %squeeze3A : f32 to vector<16xf32>
      %mul3A_105 = arith.mulf %get3A_103, %mul3A_104 : vector<16xf32>
      %swap3A_106 = arith.constant 0 : i32
      %swap3A_107 = arith.index_cast %swap3A_106 : i32 to index
      %swap3A_108 = arith.constant 32 : index
      %swap3A_109 = tpu.vector_load %arg13[%swap3A_107, %swap3A_108] {strides = array<i32>} : memref<16x128xf32, #tpu.memory_space<vmem>>, vector<16xf32>,
      tpu.vector_store %arg13[%swap3A_107, %swap3A_108], %mul3A_105 {strides = array<i32>} : memref<16x128xf32, #tpu.memory_space<vmem>>, vector<16xf32>,
      %get3A_110 = arith.constant 0 : i32
      %get3A_111 = arith.index_cast %get3A_110 : i32 to index
      %get3A_112 = arith.constant 48 : index
      %get3A_113 = tpu.vector_load %arg13[%get3A_111, %get3A_112] {strides = array<i32>} : memref<16x128xf32, #tpu.memory_space<vmem>>, vector<16xf32>,
      %mul3A_114 = vector.broadcast %squeeze3A : f32 to vector<16xf32>
      %mul3A_115 = arith.mulf %get3A_113, %mul3A_114 : vector<16xf32>
      %swap3A_116 = arith.constant 0 : i32
      %swap3A_117 = arith.index_cast %swap3A_116 : i32 to index
      %swap3A_118 = arith.constant 48 : index
      %swap3A_119 = tpu.vector_load %arg13[%swap3A_117, %swap3A_118] {strides = array<i32>} : memref<16x128xf32, #tpu.memory_space<vmem>>, vector<16xf32>,
      tpu.vector_store %arg13[%swap3A_117, %swap3A_118], %mul3A_115 {strides = array<i32>} : memref<16x128xf32, #tpu.memory_space<vmem>>, vector<16xf32>,
      %get3A_120 = arith.constant 0 : i32
      %get3A_121 = arith.index_cast %get3A_120 : i32 to index
      %get3A_122 = arith.constant 64 : index
      %get3A_123 = tpu.vector_load %arg13[%get3A_121, %get3A_122] {strides = array<i32>} : memref<16x128xf32, #tpu.memory_space<vmem>>, vector<16xf32>,
      %mul3A_124 = vector.broadcast %squeeze3A : f32 to vector<16xf32>
      %mul3A_125 = arith.mulf %get3A_123, %mul3A_124 : vector<16xf32>
      %swap3A_126 = arith.constant 0 : i32
      %swap3A_127 = arith.index_cast %swap3A_126 : i32 to index
      %swap3A_128 = arith.constant 64 : index
      %swap3A_129 = tpu.vector_load %arg13[%swap3A_127, %swap3A_128] {strides = array<i32>} : memref<16x128xf32, #tpu.memory_space<vmem>>, vector<16xf32>,
      tpu.vector_store %arg13[%swap3A_127, %swap3A_128], %mul3A_125 {strides = array<i32>} : memref<16x128xf32, #tpu.memory_space<vmem>>, vector<16xf32>,
      %get3A_130 = arith.constant 0 : i32
      %get3A_131 = arith.index_cast %get3A_130 : i32 to index
      %get3A_132 = arith.constant 80 : index
      %get3A_133 = tpu.vector_load %arg13[%get3A_131, %get3A_132] {strides = array<i32>} : memref<16x128xf32, #tpu.memory_space<vmem>>, vector<16xf32>,
      %mul3A_134 = vector.broadcast %squeeze3A : f32 to vector<16xf32>
      %mul3A_135 = arith.mulf %get3A_133, %mul3A_134 : vector<16xf32>
      %swap3A_136 = arith.constant 0 : i32
      %swap3A_137 = arith.index_cast %swap3A_136 : i32 to index
      %swap3A_138 = arith.constant 80 : index
      %swap3A_139 = tpu.vector_load %arg13[%swap3A_137, %swap3A_138] {strides = array<i32>} : memref<16x128xf32, #tpu.memory_space<vmem>>, vector<16xf32>,
      tpu.vector_store %arg13[%swap3A_137, %swap3A_138], %mul3A_135 {strides = array<i32>} : memref<16x128xf32, #tpu.memory_space<vmem>>, vector<16xf32>,
      %get3A_140 = arith.constant 0 : i32
      %get3A_141 = arith.index_cast %get3A_140 : i32 to index
      %get3A_142 = arith.constant 96 : index
      %get3A_143 = tpu.vector_load %arg13[%get3A_141, %get3A_142] {strides = array<i32>} : memref<16x128xf32, #tpu.memory_space<vmem>>, vector<16xf32>,
      %mul3A_144 = vector.broadcast %squeeze3A : f32 to vector<16xf32>
      %mul3A_145 = arith.mulf %get3A_143, %mul3A_144 : vector<16xf32>
      %swap3A_146 = arith.constant 0 : i32
      %swap3A_147 = arith.index_cast %swap3A_146 : i32 to index
      %swap3A_148 = arith.constant 96 : index
      %swap3A_149 = tpu.vector_load %arg13[%swap3A_147, %swap3A_148] {strides = array<i32>} : memref<16x128xf32, #tpu.memory_space<vmem>>, vector<16xf32>,
      tpu.vector_store %arg13[%swap3A_147, %swap3A_148], %mul3A_145 {strides = array<i32>} : memref<16x128xf32, #tpu.memory_space<vmem>>, vector<16xf32>,
      %get3A_150 = arith.constant 0 : i32
      %get3A_151 = arith.index_cast %get3A_150 : i32 to index
      %get3A_152 = arith.constant 112 : index
      %get3A_153 = tpu.vector_load %arg13[%get3A_151, %get3A_152] {strides = array<i32>} : memref<16x128xf32, #tpu.memory_space<vmem>>, vector<16xf32>,
      %mul3A_154 = vector.broadcast %squeeze3A : f32 to vector<16xf32>
      %mul3A_155 = arith.mulf %get3A_153, %mul3A_154 : vector<16xf32>
      %swap3A_156 = arith.constant 0 : i32
      %swap3A_157 = arith.index_cast %swap3A_156 : i32 to index
      %swap3A_158 = arith.constant 112 : index
      %swap3A_159 = tpu.vector_load %arg13[%swap3A_157, %swap3A_158] {strides = array<i32>} : memref<16x128xf32, #tpu.memory_space<vmem>>, vector<16xf32>,
      tpu.vector_store %arg13[%swap3A_157, %swap3A_158], %mul3A_155 {strides = array<i32>} : memref<16x128xf32, #tpu.memory_space<vmem>>, vector<16xf32>,
      %slice3A_160 = vector.extract_strided_slice %mul3A_80 {offsets = [1], sizes = [1], strides = [1]} : vector<16xf32> to vector<1xf32>
      %squeeze3A_161 = vector.extract %slice3A_160[0] : f32 from vector<1xf32>
      %get3A_162 = arith.constant 1 : i32
      %get3A_163 = arith.index_cast %get3A_162 : i32 to index
      %get3A_164 = arith.constant 0 : index
      %get3A_165 = tpu.vector_load %arg13[%get3A_163, %get3A_164] {strides = array<i32>} : memref<16x128xf32, #tpu.memory_space<vmem>>, vector<16xf32>,
      %mul3A_166 = vector.broadcast %squeeze3A_161 : f32 to vector<16xf32>
      %mul3A_167 = arith.mulf %get3A_165, %mul3A_166 : vector<16xf32>
      %swap3A_168 = arith.constant 1 : i32
      %swap3A_169 = arith.index_cast %swap3A_168 : i32 to index
      %swap3A_170 = arith.constant 0 : index
      %swap3A_171 = tpu.vector_load %arg13[%swap3A_169, %swap3A_170] {strides = array<i32>} : memref<16x128xf32, #tpu.memory_space<vmem>>, vector<16xf32>,
      tpu.vector_store %arg13[%swap3A_169, %swap3A_170], %mul3A_167 {strides = array<i32>} : memref<16x128xf32, #tpu.memory_space<vmem>>, vector<16xf32>,
      %get3A_172 = arith.constant 1 : i32
      %get3A_173 = arith.index_cast %get3A_172 : i32 to index
      %get3A_174 = arith.constant 16 : index
      %get3A_175 = tpu.vector_load %arg13[%get3A_173, %get3A_174] {strides = array<i32>} : memref<16x128xf32, #tpu.memory_space<vmem>>, vector<16xf32>,
      %mul3A_176 = vector.broadcast %squeeze3A_161 : f32 to vector<16xf32>
      %mul3A_177 = arith.mulf %get3A_175, %mul3A_176 : vector<16xf32>
      %swap3A_178 = arith.constant 1 : i32
      %swap3A_179 = arith.index_cast %swap3A_178 : i32 to index
      %swap3A_180 = arith.constant 16 : index
      %swap3A_181 = tpu.vector_load %arg13[%swap3A_179, %swap3A_180] {strides = array<i32>} : memref<16x128xf32, #tpu.memory_space<vmem>>, vector<16xf32>,
      tpu.vector_store %arg13[%swap3A_179, %swap3A_180], %mul3A_177 {strides = array<i32>} : memref<16x128xf32, #tpu.memory_space<vmem>>, vector<16xf32>,
      %get3A_182 = arith.constant 1 : i32
      %get3A_183 = arith.index_cast %get3A_182 : i32 to index
      %get3A_184 = arith.constant 32 : index
      %get3A_185 = tpu.vector_load %arg13[%get3A_183, %get3A_184] {strides = array<i32>} : memref<16x128xf32, #tpu.memory_space<vmem>>, vector<16xf32>,
      %mul3A_186 = vector.broadcast %squeeze3A_161 : f32 to vector<16xf32>
      %mul3A_187 = arith.mulf %get3A_185, %mul3A_186 : vector<16xf32>
      %swap3A_188 = arith.constant 1 : i32
      %swap3A_189 = arith.index_cast %swap3A_188 : i32 to index
      %swap3A_190 = arith.constant 32 : index
      %swap3A_191 = tpu.vector_load %arg13[%swap3A_189, %swap3A_190] {strides = array<i32>} : memref<16x128xf32, #tpu.memory_space<vmem>>, vector<16xf32>,
      tpu.vector_store %arg13[%swap3A_189, %swap3A_190], %mul3A_187 {strides = array<i32>} : memref<16x128xf32, #tpu.memory_space<vmem>>, vector<16xf32>,
      %get3A_192 = arith.constant 1 : i32
      %get3A_193 = arith.index_cast %get3A_192 : i32 to index
      %get3A_194 = arith.constant 48 : index
      %get3A_195 = tpu.vector_load %arg13[%get3A_193, %get3A_194] {strides = array<i32>} : memref<16x128xf32, #tpu.memory_space<vmem>>, vector<16xf32>,
      %mul3A_196 = vector.broadcast %squeeze3A_161 : f32 to vector<16xf32>
      %mul3A_197 = arith.mulf %get3A_195, %mul3A_196 : vector<16xf32>
      %swap3A_198 = arith.constant 1 : i32
      %swap3A_199 = arith.index_cast %swap3A_198 : i32 to index
      %swap3A_200 = arith.constant 48 : index
      %swap3A_201 = tpu.vector_load %arg13[%swap3A_199, %swap3A_200] {strides = array<i32>} : memref<16x128xf32, #tpu.memory_space<vmem>>, vector<16xf32>,
      tpu.vector_store %arg13[%swap3A_199, %swap3A_200], %mul3A_197 {strides = array<i32>} : memref<16x128xf32, #tpu.memory_space<vmem>>, vector<16xf32>,
      %get3A_202 = arith.constant 1 : i32
      %get3A_203 = arith.index_cast %get3A_202 : i32 to index
      %get3A_204 = arith.constant 64 : index
      %get3A_205 = tpu.vector_load %arg13[%get3A_203, %get3A_204] {strides = array<i32>} : memref<16x128xf32, #tpu.memory_space<vmem>>, vector<16xf32>,
      %mul3A_206 = vector.broadcast %squeeze3A_161 : f32 to vector<16xf32>
      %mul3A_207 = arith.mulf %get3A_205, %mul3A_206 : vector<16xf32>
      %swap3A_208 = arith.constant 1 : i32
      %swap3A_209 = arith.index_cast %swap3A_208 : i32 to index
      %swap3A_210 = arith.constant 64 : index
      %swap3A_211 = tpu.vector_load %arg13[%swap3A_209, %swap3A_210] {strides = array<i32>} : memref<16x128xf32, #tpu.memory_space<vmem>>, vector<16xf32>,
      tpu.vector_store %arg13[%swap3A_209, %swap3A_210], %mul3A_207 {strides = array<i32>} : memref<16x128xf32, #tpu.memory_space<vmem>>, vector<16xf32>,
      %get3A_212 = arith.constant 1 : i32
      %get3A_213 = arith.index_cast %get3A_212 : i32 to index
      %get3A_214 = arith.constant 80 : index
      %get3A_215 = tpu.vector_load %arg13[%get3A_213, %get3A_214] {strides = array<i32>} : memref<16x128xf32, #tpu.memory_space<vmem>>, vector<16xf32>,
      %mul3A_216 = vector.broadcast %squeeze3A_161 : f32 to vector<16xf32>
      %mul3A_217 = arith.mulf %get3A_215, %mul3A_216 : vector<16xf32>
      %swap3A_218 = arith.constant 1 : i32
      %swap3A_219 = arith.index_cast %swap3A_218 : i32 to index
      %swap3A_220 = arith.constant 80 : index
      %swap3A_221 = tpu.vector_load %arg13[%swap3A_219, %swap3A_220] {strides = array<i32>} : memref<16x128xf32, #tpu.memory_space<vmem>>, vector<16xf32>,
      tpu.vector_store %arg13[%swap3A_219, %swap3A_220], %mul3A_217 {strides = array<i32>} : memref<16x128xf32, #tpu.memory_space<vmem>>, vector<16xf32>,
      %get3A_222 = arith.constant 1 : i32
      %get3A_223 = arith.index_cast %get3A_222 : i32 to index
      %get3A_224 = arith.constant 96 : index
      %get3A_225 = tpu.vector_load %arg13[%get3A_223, %get3A_224] {strides = array<i32>} : memref<16x128xf32, #tpu.memory_space<vmem>>, vector<16xf32>,
      %mul3A_226 = vector.broadcast %squeeze3A_161 : f32 to vector<16xf32>
      %mul3A_227 = arith.mulf %get3A_225, %mul3A_226 : vector<16xf32>
      %swap3A_228 = arith.constant 1 : i32
      %swap3A_229 = arith.index_cast %swap3A_228 : i32 to index
      %swap3A_230 = arith.constant 96 : index
      %swap3A_231 = tpu.vector_load %arg13[%swap3A_229, %swap3A_230] {strides = array<i32>} : memref<16x128xf32, #tpu.memory_space<vmem>>, vector<16xf32>,
      tpu.vector_store %arg13[%swap3A_229, %swap3A_230], %mul3A_227 {strides = array<i32>} : memref<16x128xf32, #tpu.memory_space<vmem>>, vector<16xf32>,
      %get3A_232 = arith.constant 1 : i32
      %get3A_233 = arith.index_cast %get3A_232 : i32 to index
      %get3A_234 = arith.constant 112 : index
      %get3A_235 = tpu.vector_load %arg13[%get3A_233, %get3A_234] {strides = array<i32>} : memref<16x128xf32, #tpu.memory_space<vmem>>, vector<16xf32>,
      %mul3A_236 = vector.broadcast %squeeze3A_161 : f32 to vector<16xf32>
      %mul3A_237 = arith.mulf %get3A_235, %mul3A_236 : vector<16xf32>
      %swap3A_238 = arith.constant 1 : i32
      %swap3A_239 = arith.index_cast %swap3A_238 : i32 to index
      %swap3A_240 = arith.constant 112 : index
      %swap3A_241 = tpu.vector_load %arg13[%swap3A_239, %swap3A_240] {strides = array<i32>} : memref<16x128xf32, #tpu.memory_space<vmem>>, vector<16xf32>,
      tpu.vector_store %arg13[%swap3A_239, %swap3A_240], %mul3A_237 {strides = array<i32>} : memref<16x128xf32, #tpu.memory_space<vmem>>, vector<16xf32>,
      %slice3A_242 = vector.extract_strided_slice %mul3A_80 {offsets = [2], sizes = [1], strides = [1]} : vector<16xf32> to vector<1xf32>
      %squeeze3A_243 = vector.extract %slice3A_242[0] : f32 from vector<1xf32>
      %get3A_244 = arith.constant 2 : i32
      %get3A_245 = arith.index_cast %get3A_244 : i32 to index
      %get3A_246 = arith.constant 0 : index
      %get3A_247 = tpu.vector_load %arg13[%get3A_245, %get3A_246] {strides = array<i32>} : memref<16x128xf32, #tpu.memory_space<vmem>>, vector<16xf32>,
      %mul3A_248 = vector.broadcast %squeeze3A_243 : f32 to vector<16xf32>
      %mul3A_249 = arith.mulf %get3A_247, %mul3A_248 : vector<16xf32>
      %swap3A_250 = arith.constant 2 : i32
      %swap3A_251 = arith.index_cast %swap3A_250 : i32 to index
      %swap3A_252 = arith.constant 0 : index
      %swap3A_253 = tpu.vector_load %arg13[%swap3A_251, %swap3A_252] {strides = array<i32>} : memref<16x128xf32, #tpu.memory_space<vmem>>, vector<16xf32>,
      tpu.vector_store %arg13[%swap3A_251, %swap3A_252], %mul3A_249 {strides = array<i32>} : memref<16x128xf32, #tpu.memory_space<vmem>>, vector<16xf32>,
      %get3A_254 = arith.constant 2 : i32
      %get3A_255 = arith.index_cast %get3A_254 : i32 to index
      %get3A_256 = arith.constant 16 : index
      %get3A_257 = tpu.vector_load %arg13[%get3A_255, %get3A_256] {strides = array<i32>} : memref<16x128xf32, #tpu.memory_space<vmem>>, vector<16xf32>,
      %mul3A_258 = vector.broadcast %squeeze3A_243 : f32 to vector<16xf32>
      %mul3A_259 = arith.mulf %get3A_257, %mul3A_258 : vector<16xf32>
      %swap3A_260 = arith.constant 2 : i32
      %swap3A_261 = arith.index_cast %swap3A_260 : i32 to index
      %swap3A_262 = arith.constant 16 : index
      %swap3A_263 = tpu.vector_load %arg13[%swap3A_261, %swap3A_262] {strides = array<i32>} : memref<16x128xf32, #tpu.memory_space<vmem>>, vector<16xf32>,
      tpu.vector_store %arg13[%swap3A_261, %swap3A_262], %mul3A_259 {strides = array<i32>} : memref<16x128xf32, #tpu.memory_space<vmem>>, vector<16xf32>,
      %get3A_264 = arith.constant 2 : i32
      %get3A_265 = arith.index_cast %get3A_264 : i32 to index
      %get3A_266 = arith.constant 32 : index
      %get3A_267 = tpu.vector_load %arg13[%get3A_265, %get3A_266] {strides = array<i32>} : memref<16x128xf32, #tpu.memory_space<vmem>>, vector<16xf32>,
      %mul3A_268 = vector.broadcast %squeeze3A_243 : f32 to vector<16xf32>
      %mul3A_269 = arith.mulf %get3A_267, %mul3A_268 : vector<16xf32>
      %swap3A_270 = arith.constant 2 : i32
      %swap3A_271 = arith.index_cast %swap3A_270 : i32 to index
      %swap3A_272 = arith.constant 32 : index
      %swap3A_273 = tpu.vector_load %arg13[%swap3A_271, %swap3A_272] {strides = array<i32>} : memref<16x128xf32, #tpu.memory_space<vmem>>, vector<16xf32>,
      tpu.vector_store %arg13[%swap3A_271, %swap3A_272], %mul3A_269 {strides = array<i32>} : memref<16x128xf32, #tpu.memory_space<vmem>>, vector<16xf32>,
      %get3A_274 = arith.constant 2 : i32
      %get3A_275 = arith.index_cast %get3A_274 : i32 to index
      %get3A_276 = arith.constant 48 : index
      %get3A_277 = tpu.vector_load %arg13[%get3A_275, %get3A_276] {strides = array<i32>} : memref<16x128xf32, #tpu.memory_space<vmem>>, vector<16xf32>,
      %mul3A_278 = vector.broadcast %squeeze3A_243 : f32 to vector<16xf32>
      %mul3A_279 = arith.mulf %get3A_277, %mul3A_278 : vector<16xf32>
      %swap3A_280 = arith.constant 2 : i32
      %swap3A_281 = arith.index_cast %swap3A_280 : i32 to index
      %swap3A_282 = arith.constant 48 : index
      %swap3A_283 = tpu.vector_load %arg13[%swap3A_281, %swap3A_282] {strides = array<i32>} : memref<16x128xf32, #tpu.memory_space<vmem>>, vector<16xf32>,
      tpu.vector_store %arg13[%swap3A_281, %swap3A_282], %mul3A_279 {strides = array<i32>} : memref<16x128xf32, #tpu.memory_space<vmem>>, vector<16xf32>,
      %get3A_284 = arith.constant 2 : i32
      %get3A_285 = arith.index_cast %get3A_284 : i32 to index
      %get3A_286 = arith.constant 64 : index
      %get3A_287 = tpu.vector_load %arg13[%get3A_285, %get3A_286] {strides = array<i32>} : memref<16x128xf32, #tpu.memory_space<vmem>>, vector<16xf32>,
      %mul3A_288 = vector.broadcast %squeeze3A_243 : f32 to vector<16xf32>
      %mul3A_289 = arith.mulf %get3A_287, %mul3A_288 : vector<16xf32>
      %swap3A_290 = arith.constant 2 : i32
      %swap3A_291 = arith.index_cast %swap3A_290 : i32 to index
      %swap3A_292 = arith.constant 64 : index
      %swap3A_293 = tpu.vector_load %arg13[%swap3A_291, %swap3A_292] {strides = array<i32>} : memref<16x128xf32, #tpu.memory_space<vmem>>, vector<16xf32>,
      tpu.vector_store %arg13[%swap3A_291, %swap3A_292], %mul3A_289 {strides = array<i32>} : memref<16x128xf32, #tpu.memory_space<vmem>>, vector<16xf32>,
      %get3A_294 = arith.constant 2 : i32
      %get3A_295 = arith.index_cast %get3A_294 : i32 to index
      %get3A_296 = arith.constant 80 : index
      %get3A_297 = tpu.vector_load %arg13[%get3A_295, %get3A_296] {strides = array<i32>} : memref<16x128xf32, #tpu.memory_space<vmem>>, vector<16xf32>,
      %mul3A_298 = vector.broadcast %squeeze3A_243 : f32 to vector<16xf32>
      %mul3A_299 = arith.mulf %get3A_297, %mul3A_298 : vector<16xf32>
      %swap3A_300 = arith.constant 2 : i32
      %swap3A_301 = arith.index_cast %swap3A_300 : i32 to index
      %swap3A_302 = arith.constant 80 : index
      %swap3A_303 = tpu.vector_load %arg13[%swap3A_301, %swap3A_302] {strides = array<i32>} : memref<16x128xf32, #tpu.memory_space<vmem>>, vector<16xf32>,
      tpu.vector_store %arg13[%swap3A_301, %swap3A_302], %mul3A_299 {strides = array<i32>} : memref<16x128xf32, #tpu.memory_space<vmem>>, vector<16xf32>,
      %get3A_304 = arith.constant 2 : i32
      %get3A_305 = arith.index_cast %get3A_304 : i32 to index
      %get3A_306 = arith.constant 96 : index
      %get3A_307 = tpu.vector_load %arg13[%get3A_305, %get3A_306] {strides = array<i32>} : memref<16x128xf32, #tpu.memory_space<vmem>>, vector<16xf32>,
      %mul3A_308 = vector.broadcast %squeeze3A_243 : f32 to vector<16xf32>
      %mul3A_309 = arith.mulf %get3A_307, %mul3A_308 : vector<16xf32>
      %swap3A_310 = arith.constant 2 : i32
      %swap3A_311 = arith.index_cast %swap3A_310 : i32 to index
      %swap3A_312 = arith.constant 96 : index
      %swap3A_313 = tpu.vector_load %arg13[%swap3A_311, %swap3A_312] {strides = array<i32>} : memref<16x128xf32, #tpu.memory_space<vmem>>, vector<16xf32>,
      tpu.vector_store %arg13[%swap3A_311, %swap3A_312], %mul3A_309 {strides = array<i32>} : memref<16x128xf32, #tpu.memory_space<vmem>>, vector<16xf32>,
      %get3A_314 = arith.constant 2 : i32
      %get3A_315 = arith.index_cast %get3A_314 : i32 to index
      %get3A_316 = arith.constant 112 : index
      %get3A_317 = tpu.vector_load %arg13[%get3A_315, %get3A_316] {strides = array<i32>} : memref<16x128xf32, #tpu.memory_space<vmem>>, vector<16xf32>,
      %mul3A_318 = vector.broadcast %squeeze3A_243 : f32 to vector<16xf32>
      %mul3A_319 = arith.mulf %get3A_317, %mul3A_318 : vector<16xf32>
      %swap3A_320 = arith.constant 2 : i32
      %swap3A_321 = arith.index_cast %swap3A_320 : i32 to index
      %swap3A_322 = arith.constant 112 : index
      %swap3A_323 = tpu.vector_load %arg13[%swap3A_321, %swap3A_322] {strides = array<i32>} : memref<16x128xf32, #tpu.memory_space<vmem>>, vector<16xf32>,
      tpu.vector_store %arg13[%swap3A_321, %swap3A_322], %mul3A_319 {strides = array<i32>} : memref<16x128xf32, #tpu.memory_space<vmem>>, vector<16xf32>,
      %slice3A_324 = vector.extract_strided_slice %mul3A_80 {offsets = [3], sizes = [1], strides = [1]} : vector<16xf32> to vector<1xf32>
      %squeeze3A_325 = vector.extract %slice3A_324[0] : f32 from vector<1xf32>
      %get3A_326 = arith.constant 3 : i32
      %get3A_327 = arith.index_cast %get3A_326 : i32 to index
      %get3A_328 = arith.constant 0 : index
      %get3A_329 = tpu.vector_load %arg13[%get3A_327, %get3A_328] {strides = array<i32>} : memref<16x128xf32, #tpu.memory_space<vmem>>, vector<16xf32>,
      %mul3A_330 = vector.broadcast %squeeze3A_325 : f32 to vector<16xf32>
      %mul3A_331 = arith.mulf %get3A_329, %mul3A_330 : vector<16xf32>
      %swap3A_332 = arith.constant 3 : i32
      %swap3A_333 = arith.index_cast %swap3A_332 : i32 to index
      %swap3A_334 = arith.constant 0 : index
      %swap3A_335 = tpu.vector_load %arg13[%swap3A_333, %swap3A_334] {strides = array<i32>} : memref<16x128xf32, #tpu.memory_space<vmem>>, vector<16xf32>,
      tpu.vector_store %arg13[%swap3A_333, %swap3A_334], %mul3A_331 {strides = array<i32>} : memref<16x128xf32, #tpu.memory_space<vmem>>, vector<16xf32>,
      %get3A_336 = arith.constant 3 : i32
      %get3A_337 = arith.index_cast %get3A_336 : i32 to index
      %get3A_338 = arith.constant 16 : index
      %get3A_339 = tpu.vector_load %arg13[%get3A_337, %get3A_338] {strides = array<i32>} : memref<16x128xf32, #tpu.memory_space<vmem>>, vector<16xf32>,
      %mul3A_340 = vector.broadcast %squeeze3A_325 : f32 to vector<16xf32>
      %mul3A_341 = arith.mulf %get3A_339, %mul3A_340 : vector<16xf32>
      %swap3A_342 = arith.constant 3 : i32
      %swap3A_343 = arith.index_cast %swap3A_342 : i32 to index
      %swap3A_344 = arith.constant 16 : index
      %swap3A_345 = tpu.vector_load %arg13[%swap3A_343, %swap3A_344] {strides = array<i32>} : memref<16x128xf32, #tpu.memory_space<vmem>>, vector<16xf32>,
      tpu.vector_store %arg13[%swap3A_343, %swap3A_344], %mul3A_341 {strides = array<i32>} : memref<16x128xf32, #tpu.memory_space<vmem>>, vector<16xf32>,
      %get3A_346 = arith.constant 3 : i32
      %get3A_347 = arith.index_cast %get3A_346 : i32 to index
      %get3A_348 = arith.constant 32 : index
      %get3A_349 = tpu.vector_load %arg13[%get3A_347, %get3A_348] {strides = array<i32>} : memref<16x128xf32, #tpu.memory_space<vmem>>, vector<16xf32>,
      %mul3A_350 = vector.broadcast %squeeze3A_325 : f32 to vector<16xf32>
      %mul3A_351 = arith.mulf %get3A_349, %mul3A_350 : vector<16xf32>
      %swap3A_352 = arith.constant 3 : i32
      %swap3A_353 = arith.index_cast %swap3A_352 : i32 to index
      %swap3A_354 = arith.constant 32 : index
      %swap3A_355 = tpu.vector_load %arg13[%swap3A_353, %swap3A_354] {strides = array<i32>} : memref<16x128xf32, #tpu.memory_space<vmem>>, vector<16xf32>,
      tpu.vector_store %arg13[%swap3A_353, %swap3A_354], %mul3A_351 {strides = array<i32>} : memref<16x128xf32, #tpu.memory_space<vmem>>, vector<16xf32>,
      %get3A_356 = arith.constant 3 : i32
      %get3A_357 = arith.index_cast %get3A_356 : i32 to index
      %get3A_358 = arith.constant 48 : index
      %get3A_359 = tpu.vector_load %arg13[%get3A_357, %get3A_358] {strides = array<i32>} : memref<16x128xf32, #tpu.memory_space<vmem>>, vector<16xf32>,
      %mul3A_360 = vector.broadcast %squeeze3A_325 : f32 to vector<16xf32>
      %mul3A_361 = arith.mulf %get3A_359, %mul3A_360 : vector<16xf32>
      %swap3A_362 = arith.constant 3 : i32
      %swap3A_363 = arith.index_cast %swap3A_362 : i32 to index
      %swap3A_364 = arith.constant 48 : index
      %swap3A_365 = tpu.vector_load %arg13[%swap3A_363, %swap3A_364] {strides = array<i32>} : memref<16x128xf32, #tpu.memory_space<vmem>>, vector<16xf32>,
      tpu.vector_store %arg13[%swap3A_363, %swap3A_364], %mul3A_361 {strides = array<i32>} : memref<16x128xf32, #tpu.memory_space<vmem>>, vector<16xf32>,
      %get3A_366 = arith.constant 3 : i32
      %get3A_367 = arith.index_cast %get3A_366 : i32 to index
      %get3A_368 = arith.constant 64 : index
      %get3A_369 = tpu.vector_load %arg13[%get3A_367, %get3A_368] {strides = array<i32>} : memref<16x128xf32, #tpu.memory_space<vmem>>, vector<16xf32>,
      %mul3A_370 = vector.broadcast %squeeze3A_325 : f32 to vector<16xf32>
      %mul3A_371 = arith.mulf %get3A_369, %mul3A_370 : vector<16xf32>
      %swap3A_372 = arith.constant 3 : i32
      %swap3A_373 = arith.index_cast %swap3A_372 : i32 to index
      %swap3A_374 = arith.constant 64 : index
      %swap3A_375 = tpu.vector_load %arg13[%swap3A_373, %swap3A_374] {strides = array<i32>} : memref<16x128xf32, #tpu.memory_space<vmem>>, vector<16xf32>,
      tpu.vector_store %arg13[%swap3A_373, %swap3A_374], %mul3A_371 {strides = array<i32>} : memref<16x128xf32, #tpu.memory_space<vmem>>, vector<16xf32>,
      %get3A_376 = arith.constant 3 : i32
      %get3A_377 = arith.index_cast %get3A_376 : i32 to index
      %get3A_378 = arith.constant 80 : index
      %get3A_379 = tpu.vector_load %arg13[%get3A_377, %get3A_378] {strides = array<i32>} : memref<16x128xf32, #tpu.memory_space<vmem>>, vector<16xf32>,
      %mul3A_380 = vector.broadcast %squeeze3A_325 : f32 to vector<16xf32>
      %mul3A_381 = arith.mulf %get3A_379, %mul3A_380 : vector<16xf32>
      %swap3A_382 = arith.constant 3 : i32
      %swap3A_383 = arith.index_cast %swap3A_382 : i32 to index
      %swap3A_384 = arith.constant 80 : index
      %swap3A_385 = tpu.vector_load %arg13[%swap3A_383, %swap3A_384] {strides = array<i32>} : memref<16x128xf32, #tpu.memory_space<vmem>>, vector<16xf32>,
      tpu.vector_store %arg13[%swap3A_383, %swap3A_384], %mul3A_381 {strides = array<i32>} : memref<16x128xf32, #tpu.memory_space<vmem>>, vector<16xf32>,
      %get3A_386 = arith.constant 3 : i32
      %get3A_387 = arith.index_cast %get3A_386 : i32 to index
      %get3A_388 = arith.constant 96 : index
      %get3A_389 = tpu.vector_load %arg13[%get3A_387, %get3A_388] {strides = array<i32>} : memref<16x128xf32, #tpu.memory_space<vmem>>, vector<16xf32>,
      %mul3A_390 = vector.broadcast %squeeze3A_325 : f32 to vector<16xf32>
      %mul3A_391 = arith.mulf %get3A_389, %mul3A_390 : vector<16xf32>
      %swap3A_392 = arith.constant 3 : i32
      %swap3A_393 = arith.index_cast %swap3A_392 : i32 to index
      %swap3A_394 = arith.constant 96 : index
      %swap3A_395 = tpu.vector_load %arg13[%swap3A_393, %swap3A_394] {strides = array<i32>} : memref<16x128xf32, #tpu.memory_space<vmem>>, vector<16xf32>,
      tpu.vector_store %arg13[%swap3A_393, %swap3A_394], %mul3A_391 {strides = array<i32>} : memref<16x128xf32, #tpu.memory_space<vmem>>, vector<16xf32>,
      %get3A_396 = arith.constant 3 : i32
      %get3A_397 = arith.index_cast %get3A_396 : i32 to index
      %get3A_398 = arith.constant 112 : index
      %get3A_399 = tpu.vector_load %arg13[%get3A_397, %get3A_398] {strides = array<i32>} : memref<16x128xf32, #tpu.memory_space<vmem>>, vector<16xf32>,
      %mul3A_400 = vector.broadcast %squeeze3A_325 : f32 to vector<16xf32>
      %mul3A_401 = arith.mulf %get3A_399, %mul3A_400 : vector<16xf32>
      %swap3A_402 = arith.constant 3 : i32
      %swap3A_403 = arith.index_cast %swap3A_402 : i32 to index
      %swap3A_404 = arith.constant 112 : index
      %swap3A_405 = tpu.vector_load %arg13[%swap3A_403, %swap3A_404] {strides = array<i32>} : memref<16x128xf32, #tpu.memory_space<vmem>>, vector<16xf32>,
      tpu.vector_store %arg13[%swap3A_403, %swap3A_404], %mul3A_401 {strides = array<i32>} : memref<16x128xf32, #tpu.memory_space<vmem>>, vector<16xf32>,
      %slice3A_406 = vector.extract_strided_slice %mul3A_80 {offsets = [4], sizes = [1], strides = [1]} : vector<16xf32> to vector<1xf32>
      %squeeze3A_407 = vector.extract %slice3A_406[0] : f32 from vector<1xf32>
      %get3A_408 = arith.constant 4 : i32
      %get3A_409 = arith.index_cast %get3A_408 : i32 to index
      %get3A_410 = arith.constant 0 : index
      %get3A_411 = tpu.vector_load %arg13[%get3A_409, %get3A_410] {strides = array<i32>} : memref<16x128xf32, #tpu.memory_space<vmem>>, vector<16xf32>,
      %mul3A_412 = vector.broadcast %squeeze3A_407 : f32 to vector<16xf32>
      %mul3A_413 = arith.mulf %get3A_411, %mul3A_412 : vector<16xf32>
      %swap3A_414 = arith.constant 4 : i32
      %swap3A_415 = arith.index_cast %swap3A_414 : i32 to index
      %swap3A_416 = arith.constant 0 : index
      %swap3A_417 = tpu.vector_load %arg13[%swap3A_415, %swap3A_416] {strides = array<i32>} : memref<16x128xf32, #tpu.memory_space<vmem>>, vector<16xf32>,
      tpu.vector_store %arg13[%swap3A_415, %swap3A_416], %mul3A_413 {strides = array<i32>} : memref<16x128xf32, #tpu.memory_space<vmem>>, vector<16xf32>,
      %get3A_418 = arith.constant 4 : i32
      %get3A_419 = arith.index_cast %get3A_418 : i32 to index
      %get3A_420 = arith.constant 16 : index
      %get3A_421 = tpu.vector_load %arg13[%get3A_419, %get3A_420] {strides = array<i32>} : memref<16x128xf32, #tpu.memory_space<vmem>>, vector<16xf32>,
      %mul3A_422 = vector.broadcast %squeeze3A_407 : f32 to vector<16xf32>
      %mul3A_423 = arith.mulf %get3A_421, %mul3A_422 : vector<16xf32>
      %swap3A_424 = arith.constant 4 : i32
      %swap3A_425 = arith.index_cast %swap3A_424 : i32 to index
      %swap3A_426 = arith.constant 16 : index
      %swap3A_427 = tpu.vector_load %arg13[%swap3A_425, %swap3A_426] {strides = array<i32>} : memref<16x128xf32, #tpu.memory_space<vmem>>, vector<16xf32>,
      tpu.vector_store %arg13[%swap3A_425, %swap3A_426], %mul3A_423 {strides = array<i32>} : memref<16x128xf32, #tpu.memory_space<vmem>>, vector<16xf32>,
      %get3A_428 = arith.constant 4 : i32
      %get3A_429 = arith.index_cast %get3A_428 : i32 to index
      %get3A_430 = arith.constant 32 : index
      %get3A_431 = tpu.vector_load %arg13[%get3A_429, %get3A_430] {strides = array<i32>} : memref<16x128xf32, #tpu.memory_space<vmem>>, vector<16xf32>,
      %mul3A_432 = vector.broadcast %squeeze3A_407 : f32 to vector<16xf32>
      %mul3A_433 = arith.mulf %get3A_431, %mul3A_432 : vector<16xf32>
      %swap3A_434 = arith.constant 4 : i32
      %swap3A_435 = arith.index_cast %swap3A_434 : i32 to index
      %swap3A_436 = arith.constant 32 : index
      %swap3A_437 = tpu.vector_load %arg13[%swap3A_435, %swap3A_436] {strides = array<i32>} : memref<16x128xf32, #tpu.memory_space<vmem>>, vector<16xf32>,
      tpu.vector_store %arg13[%swap3A_435, %swap3A_436], %mul3A_433 {strides = array<i32>} : memref<16x128xf32, #tpu.memory_space<vmem>>, vector<16xf32>,
      %get3A_438 = arith.constant 4 : i32
      %get3A_439 = arith.index_cast %get3A_438 : i32 to index
      %get3A_440 = arith.constant 48 : index
      %get3A_441 = tpu.vector_load %arg13[%get3A_439, %get3A_440] {strides = array<i32>} : memref<16x128xf32, #tpu.memory_space<vmem>>, vector<16xf32>,
      %mul3A_442 = vector.broadcast %squeeze3A_407 : f32 to vector<16xf32>
      %mul3A_443 = arith.mulf %get3A_441, %mul3A_442 : vector<16xf32>
      %swap3A_444 = arith.constant 4 : i32
      %swap3A_445 = arith.index_cast %swap3A_444 : i32 to index
      %swap3A_446 = arith.constant 48 : index
      %swap3A_447 = tpu.vector_load %arg13[%swap3A_445, %swap3A_446] {strides = array<i32>} : memref<16x128xf32, #tpu.memory_space<vmem>>, vector<16xf32>,
      tpu.vector_store %arg13[%swap3A_445, %swap3A_446], %mul3A_443 {strides = array<i32>} : memref<16x128xf32, #tpu.memory_space<vmem>>, vector<16xf32>,
      %get3A_448 = arith.constant 4 : i32
      %get3A_449 = arith.index_cast %get3A_448 : i32 to index
      %get3A_450 = arith.constant 64 : index
      %get3A_451 = tpu.vector_load %arg13[%get3A_449, %get3A_450] {strides = array<i32>} : memref<16x128xf32, #tpu.memory_space<vmem>>, vector<16xf32>,
      %mul3A_452 = vector.broadcast %squeeze3A_407 : f32 to vector<16xf32>
      %mul3A_453 = arith.mulf %get3A_451, %mul3A_452 : vector<16xf32>
      %swap3A_454 = arith.constant 4 : i32
      %swap3A_455 = arith.index_cast %swap3A_454 : i32 to index
      %swap3A_456 = arith.constant 64 : index
      %swap3A_457 = tpu.vector_load %arg13[%swap3A_455, %swap3A_456] {strides = array<i32>} : memref<16x128xf32, #tpu.memory_space<vmem>>, vector<16xf32>,
      tpu.vector_store %arg13[%swap3A_455, %swap3A_456], %mul3A_453 {strides = array<i32>} : memref<16x128xf32, #tpu.memory_space<vmem>>, vector<16xf32>,
      %get3A_458 = arith.constant 4 : i32
      %get3A_459 = arith.index_cast %get3A_458 : i32 to index
      %get3A_460 = arith.constant 80 : index
      %get3A_461 = tpu.vector_load %arg13[%get3A_459, %get3A_460] {strides = array<i32>} : memref<16x128xf32, #tpu.memory_space<vmem>>, vector<16xf32>,
      %mul3A_462 = vector.broadcast %squeeze3A_407 : f32 to vector<16xf32>
      %mul3A_463 = arith.mulf %get3A_461, %mul3A_462 : vector<16xf32>
      %swap3A_464 = arith.constant 4 : i32
      %swap3A_465 = arith.index_cast %swap3A_464 : i32 to index
      %swap3A_466 = arith.constant 80 : index
      %swap3A_467 = tpu.vector_load %arg13[%swap3A_465, %swap3A_466] {strides = array<i32>} : memref<16x128xf32, #tpu.memory_space<vmem>>, vector<16xf32>,
      tpu.vector_store %arg13[%swap3A_465, %swap3A_466], %mul3A_463 {strides = array<i32>} : memref<16x128xf32, #tpu.memory_space<vmem>>, vector<16xf32>,
      %get3A_468 = arith.constant 4 : i32
      %get3A_469 = arith.index_cast %get3A_468 : i32 to index
      %get3A_470 = arith.constant 96 : index
      %get3A_471 = tpu.vector_load %arg13[%get3A_469, %get3A_470] {strides = array<i32>} : memref<16x128xf32, #tpu.memory_space<vmem>>, vector<16xf32>,
      %mul3A_472 = vector.broadcast %squeeze3A_407 : f32 to vector<16xf32>
      %mul3A_473 = arith.mulf %get3A_471, %mul3A_472 : vector<16xf32>
      %swap3A_474 = arith.constant 4 : i32
      %swap3A_475 = arith.index_cast %swap3A_474 : i32 to index
      %swap3A_476 = arith.constant 96 : index
      %swap3A_477 = tpu.vector_load %arg13[%swap3A_475, %swap3A_476] {strides = array<i32>} : memref<16x128xf32, #tpu.memory_space<vmem>>, vector<16xf32>,
      tpu.vector_store %arg13[%swap3A_475, %swap3A_476], %mul3A_473 {strides = array<i32>} : memref<16x128xf32, #tpu.memory_space<vmem>>, vector<16xf32>,
      %get3A_478 = arith.constant 4 : i32
      %get3A_479 = arith.index_cast %get3A_478 : i32 to index
      %get3A_480 = arith.constant 112 : index
      %get3A_481 = tpu.vector_load %arg13[%get3A_479, %get3A_480] {strides = array<i32>} : memref<16x128xf32, #tpu.memory_space<vmem>>, vector<16xf32>,
      %mul3A_482 = vector.broadcast %squeeze3A_407 : f32 to vector<16xf32>
      %mul3A_483 = arith.mulf %get3A_481, %mul3A_482 : vector<16xf32>
      %swap3A_484 = arith.constant 4 : i32
      %swap3A_485 = arith.index_cast %swap3A_484 : i32 to index
      %swap3A_486 = arith.constant 112 : index
      %swap3A_487 = tpu.vector_load %arg13[%swap3A_485, %swap3A_486] {strides = array<i32>} : memref<16x128xf32, #tpu.memory_space<vmem>>, vector<16xf32>,
      tpu.vector_store %arg13[%swap3A_485, %swap3A_486], %mul3A_483 {strides = array<i32>} : memref<16x128xf32, #tpu.memory_space<vmem>>, vector<16xf32>,
      %slice3A_488 = vector.extract_strided_slice %mul3A_80 {offsets = [5], sizes = [1], strides = [1]} : vector<16xf32> to vector<1xf32>
      %squeeze3A_489 = vector.extract %slice3A_488[0] : f32 from vector<1xf32>
      %get3A_490 = arith.constant 5 : i32
      %get3A_491 = arith.index_cast %get3A_490 : i32 to index
      %get3A_492 = arith.constant 0 : index
      %get3A_493 = tpu.vector_load %arg13[%get3A_491, %get3A_492] {strides = array<i32>} : memref<16x128xf32, #tpu.memory_space<vmem>>, vector<16xf32>,
      %mul3A_494 = vector.broadcast %squeeze3A_489 : f32 to vector<16xf32>
      %mul3A_495 = arith.mulf %get3A_493, %mul3A_494 : vector<16xf32>
      %swap3A_496 = arith.constant 5 : i32
      %swap3A_497 = arith.index_cast %swap3A_496 : i32 to index
      %swap3A_498 = arith.constant 0 : index
      %swap3A_499 = tpu.vector_load %arg13[%swap3A_497, %swap3A_498] {strides = array<i32>} : memref<16x128xf32, #tpu.memory_space<vmem>>, vector<16xf32>,
      tpu.vector_store %arg13[%swap3A_497, %swap3A_498], %mul3A_495 {strides = array<i32>} : memref<16x128xf32, #tpu.memory_space<vmem>>, vector<16xf32>,
      %get3A_500 = arith.constant 5 : i32
      %get3A_501 = arith.index_cast %get3A_500 : i32 to index
      %get3A_502 = arith.constant 16 : index
      %get3A_503 = tpu.vector_load %arg13[%get3A_501, %get3A_502] {strides = array<i32>} : memref<16x128xf32, #tpu.memory_space<vmem>>, vector<16xf32>,
      %mul3A_504 = vector.broadcast %squeeze3A_489 : f32 to vector<16xf32>
      %mul3A_505 = arith.mulf %get3A_503, %mul3A_504 : vector<16xf32>
      %swap3A_506 = arith.constant 5 : i32
      %swap3A_507 = arith.index_cast %swap3A_506 : i32 to index
      %swap3A_508 = arith.constant 16 : index
      %swap3A_509 = tpu.vector_load %arg13[%swap3A_507, %swap3A_508] {strides = array<i32>} : memref<16x128xf32, #tpu.memory_space<vmem>>, vector<16xf32>,
      tpu.vector_store %arg13[%swap3A_507, %swap3A_508], %mul3A_505 {strides = array<i32>} : memref<16x128xf32, #tpu.memory_space<vmem>>, vector<16xf32>,
      %get3A_510 = arith.constant 5 : i32
      %get3A_511 = arith.index_cast %get3A_510 : i32 to index
      %get3A_512 = arith.constant 32 : index
      %get3A_513 = tpu.vector_load %arg13[%get3A_511, %get3A_512] {strides = array<i32>} : memref<16x128xf32, #tpu.memory_space<vmem>>, vector<16xf32>,
      %mul3A_514 = vector.broadcast %squeeze3A_489 : f32 to vector<16xf32>
      %mul3A_515 = arith.mulf %get3A_513, %mul3A_514 : vector<16xf32>
      %swap3A_516 = arith.constant 5 : i32
      %swap3A_517 = arith.index_cast %swap3A_516 : i32 to index
      %swap3A_518 = arith.constant 32 : index
      %swap3A_519 = tpu.vector_load %arg13[%swap3A_517, %swap3A_518] {strides = array<i32>} : memref<16x128xf32, #tpu.memory_space<vmem>>, vector<16xf32>,
      tpu.vector_store %arg13[%swap3A_517, %swap3A_518], %mul3A_515 {strides = array<i32>} : memref<16x128xf32, #tpu.memory_space<vmem>>, vector<16xf32>,
      %get3A_520 = arith.constant 5 : i32
      %get3A_521 = arith.index_cast %get3A_520 : i32 to index
      %get3A_522 = arith.constant 48 : index
      %get3A_523 = tpu.vector_load %arg13[%get3A_521, %get3A_522] {strides = array<i32>} : memref<16x128xf32, #tpu.memory_space<vmem>>, vector<16xf32>,
      %mul3A_524 = vector.broadcast %squeeze3A_489 : f32 to vector<16xf32>
      %mul3A_525 = arith.mulf %get3A_523, %mul3A_524 : vector<16xf32>
      %swap3A_526 = arith.constant 5 : i32
      %swap3A_527 = arith.index_cast %swap3A_526 : i32 to index
      %swap3A_528 = arith.constant 48 : index
      %swap3A_529 = tpu.vector_load %arg13[%swap3A_527, %swap3A_528] {strides = array<i32>} : memref<16x128xf32, #tpu.memory_space<vmem>>, vector<16xf32>,
      tpu.vector_store %arg13[%swap3A_527, %swap3A_528], %mul3A_525 {strides = array<i32>} : memref<16x128xf32, #tpu.memory_space<vmem>>, vector<16xf32>,
      %get3A_530 = arith.constant 5 : i32
      %get3A_531 = arith.index_cast %get3A_530 : i32 to index
      %get3A_532 = arith.constant 64 : index
      %get3A_533 = tpu.vector_load %arg13[%get3A_531, %get3A_532] {strides = array<i32>} : memref<16x128xf32, #tpu.memory_space<vmem>>, vector<16xf32>,
      %mul3A_534 = vector.broadcast %squeeze3A_489 : f32 to vector<16xf32>
      %mul3A_535 = arith.mulf %get3A_533, %mul3A_534 : vector<16xf32>
      %swap3A_536 = arith.constant 5 : i32
      %swap3A_537 = arith.index_cast %swap3A_536 : i32 to index
      %swap3A_538 = arith.constant 64 : index
      %swap3A_539 = tpu.vector_load %arg13[%swap3A_537, %swap3A_538] {strides = array<i32>} : memref<16x128xf32, #tpu.memory_space<vmem>>, vector<16xf32>,
      tpu.vector_store %arg13[%swap3A_537, %swap3A_538], %mul3A_535 {strides = array<i32>} : memref<16x128xf32, #tpu.memory_space<vmem>>, vector<16xf32>,
      %get3A_540 = arith.constant 5 : i32
      %get3A_541 = arith.index_cast %get3A_540 : i32 to index
      %get3A_542 = arith.constant 80 : index
      %get3A_543 = tpu.vector_load %arg13[%get3A_541, %get3A_542] {strides = array<i32>} : memref<16x128xf32, #tpu.memory_space<vmem>>, vector<16xf32>,
      %mul3A_544 = vector.broadcast %squeeze3A_489 : f32 to vector<16xf32>
      %mul3A_545 = arith.mulf %get3A_543, %mul3A_544 : vector<16xf32>
      %swap3A_546 = arith.constant 5 : i32
      %swap3A_547 = arith.index_cast %swap3A_546 : i32 to index
      %swap3A_548 = arith.constant 80 : index
      %swap3A_549 = tpu.vector_load %arg13[%swap3A_547, %swap3A_548] {strides = array<i32>} : memref<16x128xf32, #tpu.memory_space<vmem>>, vector<16xf32>,
      tpu.vector_store %arg13[%swap3A_547, %swap3A_548], %mul3A_545 {strides = array<i32>} : memref<16x128xf32, #tpu.memory_space<vmem>>, vector<16xf32>,
      %get3A_550 = arith.constant 5 : i32
      %get3A_551 = arith.index_cast %get3A_550 : i32 to index
      %get3A_552 = arith.constant 96 : index
      %get3A_553 = tpu.vector_load %arg13[%get3A_551, %get3A_552] {strides = array<i32>} : memref<16x128xf32, #tpu.memory_space<vmem>>, vector<16xf32>,
      %mul3A_554 = vector.broadcast %squeeze3A_489 : f32 to vector<16xf32>
      %mul3A_555 = arith.mulf %get3A_553, %mul3A_554 : vector<16xf32>
      %swap3A_556 = arith.constant 5 : i32
      %swap3A_557 = arith.index_cast %swap3A_556 : i32 to index
      %swap3A_558 = arith.constant 96 : index
      %swap3A_559 = tpu.vector_load %arg13[%swap3A_557, %swap3A_558] {strides = array<i32>} : memref<16x128xf32, #tpu.memory_space<vmem>>, vector<16xf32>,
      tpu.vector_store %arg13[%swap3A_557, %swap3A_558], %mul3A_555 {strides = array<i32>} : memref<16x128xf32, #tpu.memory_space<vmem>>, vector<16xf32>,
      %get3A_560 = arith.constant 5 : i32
      %get3A_561 = arith.index_cast %get3A_560 : i32 to index
      %get3A_562 = arith.constant 112 : index
      %get3A_563 = tpu.vector_load %arg13[%get3A_561, %get3A_562] {strides = array<i32>} : memref<16x128xf32, #tpu.memory_space<vmem>>, vector<16xf32>,
      %mul3A_564 = vector.broadcast %squeeze3A_489 : f32 to vector<16xf32>
      %mul3A_565 = arith.mulf %get3A_563, %mul3A_564 : vector<16xf32>
      %swap3A_566 = arith.constant 5 : i32
      %swap3A_567 = arith.index_cast %swap3A_566 : i32 to index
      %swap3A_568 = arith.constant 112 : index
      %swap3A_569 = tpu.vector_load %arg13[%swap3A_567, %swap3A_568] {strides = array<i32>} : memref<16x128xf32, #tpu.memory_space<vmem>>, vector<16xf32>,
      tpu.vector_store %arg13[%swap3A_567, %swap3A_568], %mul3A_565 {strides = array<i32>} : memref<16x128xf32, #tpu.memory_space<vmem>>, vector<16xf32>,
      %slice3A_570 = vector.extract_strided_slice %mul3A_80 {offsets = [6], sizes = [1], strides = [1]} : vector<16xf32> to vector<1xf32>
      %squeeze3A_571 = vector.extract %slice3A_570[0] : f32 from vector<1xf32>
      %get3A_572 = arith.constant 6 : i32
      %get3A_573 = arith.index_cast %get3A_572 : i32 to index
      %get3A_574 = arith.constant 0 : index
      %get3A_575 = tpu.vector_load %arg13[%get3A_573, %get3A_574] {strides = array<i32>} : memref<16x128xf32, #tpu.memory_space<vmem>>, vector<16xf32>,
      %mul3A_576 = vector.broadcast %squeeze3A_571 : f32 to vector<16xf32>
      %mul3A_577 = arith.mulf %get3A_575, %mul3A_576 : vector<16xf32>
      %swap3A_578 = arith.constant 6 : i32
      %swap3A_579 = arith.index_cast %swap3A_578 : i32 to index
      %swap3A_580 = arith.constant 0 : index
      %swap3A_581 = tpu.vector_load %arg13[%swap3A_579, %swap3A_580] {strides = array<i32>} : memref<16x128xf32, #tpu.memory_space<vmem>>, vector<16xf32>,
      tpu.vector_store %arg13[%swap3A_579, %swap3A_580], %mul3A_577 {strides = array<i32>} : memref<16x128xf32, #tpu.memory_space<vmem>>, vector<16xf32>,
      %get3A_582 = arith.constant 6 : i32
      %get3A_583 = arith.index_cast %get3A_582 : i32 to index
      %get3A_584 = arith.constant 16 : index
      %get3A_585 = tpu.vector_load %arg13[%get3A_583, %get3A_584] {strides = array<i32>} : memref<16x128xf32, #tpu.memory_space<vmem>>, vector<16xf32>,
      %mul3A_586 = vector.broadcast %squeeze3A_571 : f32 to vector<16xf32>
      %mul3A_587 = arith.mulf %get3A_585, %mul3A_586 : vector<16xf32>
      %swap3A_588 = arith.constant 6 : i32
      %swap3A_589 = arith.index_cast %swap3A_588 : i32 to index
      %swap3A_590 = arith.constant 16 : index
      %swap3A_591 = tpu.vector_load %arg13[%swap3A_589, %swap3A_590] {strides = array<i32>} : memref<16x128xf32, #tpu.memory_space<vmem>>, vector<16xf32>,
      tpu.vector_store %arg13[%swap3A_589, %swap3A_590], %mul3A_587 {strides = array<i32>} : memref<16x128xf32, #tpu.memory_space<vmem>>, vector<16xf32>,
      %get3A_592 = arith.constant 6 : i32
      %get3A_593 = arith.index_cast %get3A_592 : i32 to index
      %get3A_594 = arith.constant 32 : index
      %get3A_595 = tpu.vector_load %arg13[%get3A_593, %get3A_594] {strides = array<i32>} : memref<16x128xf32, #tpu.memory_space<vmem>>, vector<16xf32>,
      %mul3A_596 = vector.broadcast %squeeze3A_571 : f32 to vector<16xf32>
      %mul3A_597 = arith.mulf %get3A_595, %mul3A_596 : vector<16xf32>
      %swap3A_598 = arith.constant 6 : i32
      %swap3A_599 = arith.index_cast %swap3A_598 : i32 to index
      %swap3A_600 = arith.constant 32 : index
      %swap3A_601 = tpu.vector_load %arg13[%swap3A_599, %swap3A_600] {strides = array<i32>} : memref<16x128xf32, #tpu.memory_space<vmem>>, vector<16xf32>,
      tpu.vector_store %arg13[%swap3A_599, %swap3A_600], %mul3A_597 {strides = array<i32>} : memref<16x128xf32, #tpu.memory_space<vmem>>, vector<16xf32>,
      %get3A_602 = arith.constant 6 : i32
      %get3A_603 = arith.index_cast %get3A_602 : i32 to index
      %get3A_604 = arith.constant 48 : index
      %get3A_605 = tpu.vector_load %arg13[%get3A_603, %get3A_604] {strides = array<i32>} : memref<16x128xf32, #tpu.memory_space<vmem>>, vector<16xf32>,
      %mul3A_606 = vector.broadcast %squeeze3A_571 : f32 to vector<16xf32>
      %mul3A_607 = arith.mulf %get3A_605, %mul3A_606 : vector<16xf32>
      %swap3A_608 = arith.constant 6 : i32
      %swap3A_609 = arith.index_cast %swap3A_608 : i32 to index
      %swap3A_610 = arith.constant 48 : index
      %swap3A_611 = tpu.vector_load %arg13[%swap3A_609, %swap3A_610] {strides = array<i32>} : memref<16x128xf32, #tpu.memory_space<vmem>>, vector<16xf32>,
      tpu.vector_store %arg13[%swap3A_609, %swap3A_610], %mul3A_607 {strides = array<i32>} : memref<16x128xf32, #tpu.memory_space<vmem>>, vector<16xf32>,
      %get3A_612 = arith.constant 6 : i32
      %get3A_613 = arith.index_cast %get3A_612 : i32 to index
      %get3A_614 = arith.constant 64 : index
      %get3A_615 = tpu.vector_load %arg13[%get3A_613, %get3A_614] {strides = array<i32>} : memref<16x128xf32, #tpu.memory_space<vmem>>, vector<16xf32>,
      %mul3A_616 = vector.broadcast %squeeze3A_571 : f32 to vector<16xf32>
      %mul3A_617 = arith.mulf %get3A_615, %mul3A_616 : vector<16xf32>
      %swap3A_618 = arith.constant 6 : i32
      %swap3A_619 = arith.index_cast %swap3A_618 : i32 to index
      %swap3A_620 = arith.constant 64 : index
      %swap3A_621 = tpu.vector_load %arg13[%swap3A_619, %swap3A_620] {strides = array<i32>} : memref<16x128xf32, #tpu.memory_space<vmem>>, vector<16xf32>,
      tpu.vector_store %arg13[%swap3A_619, %swap3A_620], %mul3A_617 {strides = array<i32>} : memref<16x128xf32, #tpu.memory_space<vmem>>, vector<16xf32>,
      %get3A_622 = arith.constant 6 : i32
      %get3A_623 = arith.index_cast %get3A_622 : i32 to index
      %get3A_624 = arith.constant 80 : index
      %get3A_625 = tpu.vector_load %arg13[%get3A_623, %get3A_624] {strides = array<i32>} : memref<16x128xf32, #tpu.memory_space<vmem>>, vector<16xf32>,
      %mul3A_626 = vector.broadcast %squeeze3A_571 : f32 to vector<16xf32>
      %mul3A_627 = arith.mulf %get3A_625, %mul3A_626 : vector<16xf32>
      %swap3A_628 = arith.constant 6 : i32
      %swap3A_629 = arith.index_cast %swap3A_628 : i32 to index
      %swap3A_630 = arith.constant 80 : index
      %swap3A_631 = tpu.vector_load %arg13[%swap3A_629, %swap3A_630] {strides = array<i32>} : memref<16x128xf32, #tpu.memory_space<vmem>>, vector<16xf32>,
      tpu.vector_store %arg13[%swap3A_629, %swap3A_630], %mul3A_627 {strides = array<i32>} : memref<16x128xf32, #tpu.memory_space<vmem>>, vector<16xf32>,
      %get3A_632 = arith.constant 6 : i32
      %get3A_633 = arith.index_cast %get3A_632 : i32 to index
      %get3A_634 = arith.constant 96 : index
      %get3A_635 = tpu.vector_load %arg13[%get3A_633, %get3A_634] {strides = array<i32>} : memref<16x128xf32, #tpu.memory_space<vmem>>, vector<16xf32>,
      %mul3A_636 = vector.broadcast %squeeze3A_571 : f32 to vector<16xf32>
      %mul3A_637 = arith.mulf %get3A_635, %mul3A_636 : vector<16xf32>
      %swap3A_638 = arith.constant 6 : i32
      %swap3A_639 = arith.index_cast %swap3A_638 : i32 to index
      %swap3A_640 = arith.constant 96 : index
      %swap3A_641 = tpu.vector_load %arg13[%swap3A_639, %swap3A_640] {strides = array<i32>} : memref<16x128xf32, #tpu.memory_space<vmem>>, vector<16xf32>,
      tpu.vector_store %arg13[%swap3A_639, %swap3A_640], %mul3A_637 {strides = array<i32>} : memref<16x128xf32, #tpu.memory_space<vmem>>, vector<16xf32>,
      %get3A_642 = arith.constant 6 : i32
      %get3A_643 = arith.index_cast %get3A_642 : i32 to index
      %get3A_644 = arith.constant 112 : index
      %get3A_645 = tpu.vector_load %arg13[%get3A_643, %get3A_644] {strides = array<i32>} : memref<16x128xf32, #tpu.memory_space<vmem>>, vector<16xf32>,
      %mul3A_646 = vector.broadcast %squeeze3A_571 : f32 to vector<16xf32>
      %mul3A_647 = arith.mulf %get3A_645, %mul3A_646 : vector<16xf32>
      %swap3A_648 = arith.constant 6 : i32
      %swap3A_649 = arith.index_cast %swap3A_648 : i32 to index
      %swap3A_650 = arith.constant 112 : index
      %swap3A_651 = tpu.vector_load %arg13[%swap3A_649, %swap3A_650] {strides = array<i32>} : memref<16x128xf32, #tpu.memory_space<vmem>>, vector<16xf32>,
      tpu.vector_store %arg13[%swap3A_649, %swap3A_650], %mul3A_647 {strides = array<i32>} : memref<16x128xf32, #tpu.memory_space<vmem>>, vector<16xf32>,
      %slice3A_652 = vector.extract_strided_slice %mul3A_80 {offsets = [7], sizes = [1], strides = [1]} : vector<16xf32> to vector<1xf32>
      %squeeze3A_653 = vector.extract %slice3A_652[0] : f32 from vector<1xf32>
      %get3A_654 = arith.constant 7 : i32
      %get3A_655 = arith.index_cast %get3A_654 : i32 to index
      %get3A_656 = arith.constant 0 : index
      %get3A_657 = tpu.vector_load %arg13[%get3A_655, %get3A_656] {strides = array<i32>} : memref<16x128xf32, #tpu.memory_space<vmem>>, vector<16xf32>,
      %mul3A_658 = vector.broadcast %squeeze3A_653 : f32 to vector<16xf32>
      %mul3A_659 = arith.mulf %get3A_657, %mul3A_658 : vector<16xf32>
      %swap3A_660 = arith.constant 7 : i32
      %swap3A_661 = arith.index_cast %swap3A_660 : i32 to index
      %swap3A_662 = arith.constant 0 : index
      %swap3A_663 = tpu.vector_load %arg13[%swap3A_661, %swap3A_662] {strides = array<i32>} : memref<16x128xf32, #tpu.memory_space<vmem>>, vector<16xf32>,
      tpu.vector_store %arg13[%swap3A_661, %swap3A_662], %mul3A_659 {strides = array<i32>} : memref<16x128xf32, #tpu.memory_space<vmem>>, vector<16xf32>,
      %get3A_664 = arith.constant 7 : i32
      %get3A_665 = arith.index_cast %get3A_664 : i32 to index
      %get3A_666 = arith.constant 16 : index
      %get3A_667 = tpu.vector_load %arg13[%get3A_665, %get3A_666] {strides = array<i32>} : memref<16x128xf32, #tpu.memory_space<vmem>>, vector<16xf32>,
      %mul3A_668 = vector.broadcast %squeeze3A_653 : f32 to vector<16xf32>
      %mul3A_669 = arith.mulf %get3A_667, %mul3A_668 : vector<16xf32>
      %swap3A_670 = arith.constant 7 : i32
      %swap3A_671 = arith.index_cast %swap3A_670 : i32 to index
      %swap3A_672 = arith.constant 16 : index
      %swap3A_673 = tpu.vector_load %arg13[%swap3A_671, %swap3A_672] {strides = array<i32>} : memref<16x128xf32, #tpu.memory_space<vmem>>, vector<16xf32>,
      tpu.vector_store %arg13[%swap3A_671, %swap3A_672], %mul3A_669 {strides = array<i32>} : memref<16x128xf32, #tpu.memory_space<vmem>>, vector<16xf32>,
      %get3A_674 = arith.constant 7 : i32
      %get3A_675 = arith.index_cast %get3A_674 : i32 to index
      %get3A_676 = arith.constant 32 : index
      %get3A_677 = tpu.vector_load %arg13[%get3A_675, %get3A_676] {strides = array<i32>} : memref<16x128xf32, #tpu.memory_space<vmem>>, vector<16xf32>,
      %mul3A_678 = vector.broadcast %squeeze3A_653 : f32 to vector<16xf32>
      %mul3A_679 = arith.mulf %get3A_677, %mul3A_678 : vector<16xf32>
      %swap3A_680 = arith.constant 7 : i32
      %swap3A_681 = arith.index_cast %swap3A_680 : i32 to index
      %swap3A_682 = arith.constant 32 : index
      %swap3A_683 = tpu.vector_load %arg13[%swap3A_681, %swap3A_682] {strides = array<i32>} : memref<16x128xf32, #tpu.memory_space<vmem>>, vector<16xf32>,
      tpu.vector_store %arg13[%swap3A_681, %swap3A_682], %mul3A_679 {strides = array<i32>} : memref<16x128xf32, #tpu.memory_space<vmem>>, vector<16xf32>,
      %get3A_684 = arith.constant 7 : i32
      %get3A_685 = arith.index_cast %get3A_684 : i32 to index
      %get3A_686 = arith.constant 48 : index
      %get3A_687 = tpu.vector_load %arg13[%get3A_685, %get3A_686] {strides = array<i32>} : memref<16x128xf32, #tpu.memory_space<vmem>>, vector<16xf32>,
      %mul3A_688 = vector.broadcast %squeeze3A_653 : f32 to vector<16xf32>
      %mul3A_689 = arith.mulf %get3A_687, %mul3A_688 : vector<16xf32>
      %swap3A_690 = arith.constant 7 : i32
      %swap3A_691 = arith.index_cast %swap3A_690 : i32 to index
      %swap3A_692 = arith.constant 48 : index
      %swap3A_693 = tpu.vector_load %arg13[%swap3A_691, %swap3A_692] {strides = array<i32>} : memref<16x128xf32, #tpu.memory_space<vmem>>, vector<16xf32>,
      tpu.vector_store %arg13[%swap3A_691, %swap3A_692], %mul3A_689 {strides = array<i32>} : memref<16x128xf32, #tpu.memory_space<vmem>>, vector<16xf32>,
      %get3A_694 = arith.constant 7 : i32
      %get3A_695 = arith.index_cast %get3A_694 : i32 to index
      %get3A_696 = arith.constant 64 : index
      %get3A_697 = tpu.vector_load %arg13[%get3A_695, %get3A_696] {strides = array<i32>} : memref<16x128xf32, #tpu.memory_space<vmem>>, vector<16xf32>,
      %mul3A_698 = vector.broadcast %squeeze3A_653 : f32 to vector<16xf32>
      %mul3A_699 = arith.mulf %get3A_697, %mul3A_698 : vector<16xf32>
      %swap3A_700 = arith.constant 7 : i32
      %swap3A_701 = arith.index_cast %swap3A_700 : i32 to index
      %swap3A_702 = arith.constant 64 : index
      %swap3A_703 = tpu.vector_load %arg13[%swap3A_701, %swap3A_702] {strides = array<i32>} : memref<16x128xf32, #tpu.memory_space<vmem>>, vector<16xf32>,
      tpu.vector_store %arg13[%swap3A_701, %swap3A_702], %mul3A_699 {strides = array<i32>} : memref<16x128xf32, #tpu.memory_space<vmem>>, vector<16xf32>,
      %get3A_704 = arith.constant 7 : i32
      %get3A_705 = arith.index_cast %get3A_704 : i32 to index
      %get3A_706 = arith.constant 80 : index
      %get3A_707 = tpu.vector_load %arg13[%get3A_705, %get3A_706] {strides = array<i32>} : memref<16x128xf32, #tpu.memory_space<vmem>>, vector<16xf32>,
      %mul3A_708 = vector.broadcast %squeeze3A_653 : f32 to vector<16xf32>
      %mul3A_709 = arith.mulf %get3A_707, %mul3A_708 : vector<16xf32>
      %swap3A_710 = arith.constant 7 : i32
      %swap3A_711 = arith.index_cast %swap3A_710 : i32 to index
      %swap3A_712 = arith.constant 80 : index
      %swap3A_713 = tpu.vector_load %arg13[%swap3A_711, %swap3A_712] {strides = array<i32>} : memref<16x128xf32, #tpu.memory_space<vmem>>, vector<16xf32>,
      tpu.vector_store %arg13[%swap3A_711, %swap3A_712], %mul3A_709 {strides = array<i32>} : memref<16x128xf32, #tpu.memory_space<vmem>>, vector<16xf32>,
      %get3A_714 = arith.constant 7 : i32
      %get3A_715 = arith.index_cast %get3A_714 : i32 to index
      %get3A_716 = arith.constant 96 : index
      %get3A_717 = tpu.vector_load %arg13[%get3A_715, %get3A_716] {strides = array<i32>} : memref<16x128xf32, #tpu.memory_space<vmem>>, vector<16xf32>,
      %mul3A_718 = vector.broadcast %squeeze3A_653 : f32 to vector<16xf32>
      %mul3A_719 = arith.mulf %get3A_717, %mul3A_718 : vector<16xf32>
      %swap3A_720 = arith.constant 7 : i32
      %swap3A_721 = arith.index_cast %swap3A_720 : i32 to index
      %swap3A_722 = arith.constant 96 : index
      %swap3A_723 = tpu.vector_load %arg13[%swap3A_721, %swap3A_722] {strides = array<i32>} : memref<16x128xf32, #tpu.memory_space<vmem>>, vector<16xf32>,
      tpu.vector_store %arg13[%swap3A_721, %swap3A_722], %mul3A_719 {strides = array<i32>} : memref<16x128xf32, #tpu.memory_space<vmem>>, vector<16xf32>,
      %get3A_724 = arith.constant 7 : i32
      %get3A_725 = arith.index_cast %get3A_724 : i32 to index
      %get3A_726 = arith.constant 112 : index
      %get3A_727 = tpu.vector_load %arg13[%get3A_725, %get3A_726] {strides = array<i32>} : memref<16x128xf32, #tpu.memory_space<vmem>>, vector<16xf32>,
      %mul3A_728 = vector.broadcast %squeeze3A_653 : f32 to vector<16xf32>
      %mul3A_729 = arith.mulf %get3A_727, %mul3A_728 : vector<16xf32>
      %swap3A_730 = arith.constant 7 : i32
      %swap3A_731 = arith.index_cast %swap3A_730 : i32 to index
      %swap3A_732 = arith.constant 112 : index
      %swap3A_733 = tpu.vector_load %arg13[%swap3A_731, %swap3A_732] {strides = array<i32>} : memref<16x128xf32, #tpu.memory_space<vmem>>, vector<16xf32>,
      tpu.vector_store %arg13[%swap3A_731, %swap3A_732], %mul3A_729 {strides = array<i32>} : memref<16x128xf32, #tpu.memory_space<vmem>>, vector<16xf32>,
      %slice3A_734 = vector.extract_strided_slice %mul3A_80 {offsets = [8], sizes = [1], strides = [1]} : vector<16xf32> to vector<1xf32>
      %squeeze3A_735 = vector.extract %slice3A_734[0] : f32 from vector<1xf32>
      %get3A_736 = arith.constant 8 : i32
      %get3A_737 = arith.index_cast %get3A_736 : i32 to index
      %get3A_738 = arith.constant 0 : index
      %get3A_739 = tpu.vector_load %arg13[%get3A_737, %get3A_738] {strides = array<i32>} : memref<16x128xf32, #tpu.memory_space<vmem>>, vector<16xf32>,
      %mul3A_740 = vector.broadcast %squeeze3A_735 : f32 to vector<16xf32>
      %mul3A_741 = arith.mulf %get3A_739, %mul3A_740 : vector<16xf32>
      %swap3A_742 = arith.constant 8 : i32
      %swap3A_743 = arith.index_cast %swap3A_742 : i32 to index
      %swap3A_744 = arith.constant 0 : index
      %swap3A_745 = tpu.vector_load %arg13[%swap3A_743, %swap3A_744] {strides = array<i32>} : memref<16x128xf32, #tpu.memory_space<vmem>>, vector<16xf32>,
      tpu.vector_store %arg13[%swap3A_743, %swap3A_744], %mul3A_741 {strides = array<i32>} : memref<16x128xf32, #tpu.memory_space<vmem>>, vector<16xf32>,
      %get3A_746 = arith.constant 8 : i32
      %get3A_747 = arith.index_cast %get3A_746 : i32 to index
      %get3A_748 = arith.constant 16 : index
      %get3A_749 = tpu.vector_load %arg13[%get3A_747, %get3A_748] {strides = array<i32>} : memref<16x128xf32, #tpu.memory_space<vmem>>, vector<16xf32>,
      %mul3A_750 = vector.broadcast %squeeze3A_735 : f32 to vector<16xf32>
      %mul3A_751 = arith.mulf %get3A_749, %mul3A_750 : vector<16xf32>
      %swap3A_752 = arith.constant 8 : i32
      %swap3A_753 = arith.index_cast %swap3A_752 : i32 to index
      %swap3A_754 = arith.constant 16 : index
      %swap3A_755 = tpu.vector_load %arg13[%swap3A_753, %swap3A_754] {strides = array<i32>} : memref<16x128xf32, #tpu.memory_space<vmem>>, vector<16xf32>,
      tpu.vector_store %arg13[%swap3A_753, %swap3A_754], %mul3A_751 {strides = array<i32>} : memref<16x128xf32, #tpu.memory_space<vmem>>, vector<16xf32>,
      %get3A_756 = arith.constant 8 : i32
      %get3A_757 = arith.index_cast %get3A_756 : i32 to index
      %get3A_758 = arith.constant 32 : index
      %get3A_759 = tpu.vector_load %arg13[%get3A_757, %get3A_758] {strides = array<i32>} : memref<16x128xf32, #tpu.memory_space<vmem>>, vector<16xf32>,
      %mul3A_760 = vector.broadcast %squeeze3A_735 : f32 to vector<16xf32>
      %mul3A_761 = arith.mulf %get3A_759, %mul3A_760 : vector<16xf32>
      %swap3A_762 = arith.constant 8 : i32
      %swap3A_763 = arith.index_cast %swap3A_762 : i32 to index
      %swap3A_764 = arith.constant 32 : index
      %swap3A_765 = tpu.vector_load %arg13[%swap3A_763, %swap3A_764] {strides = array<i32>} : memref<16x128xf32, #tpu.memory_space<vmem>>, vector<16xf32>,
      tpu.vector_store %arg13[%swap3A_763, %swap3A_764], %mul3A_761 {strides = array<i32>} : memref<16x128xf32, #tpu.memory_space<vmem>>, vector<16xf32>,
      %get3A_766 = arith.constant 8 : i32
      %get3A_767 = arith.index_cast %get3A_766 : i32 to index
      %get3A_768 = arith.constant 48 : index
      %get3A_769 = tpu.vector_load %arg13[%get3A_767, %get3A_768] {strides = array<i32>} : memref<16x128xf32, #tpu.memory_space<vmem>>, vector<16xf32>,
      %mul3A_770 = vector.broadcast %squeeze3A_735 : f32 to vector<16xf32>
      %mul3A_771 = arith.mulf %get3A_769, %mul3A_770 : vector<16xf32>
      %swap3A_772 = arith.constant 8 : i32
      %swap3A_773 = arith.index_cast %swap3A_772 : i32 to index
      %swap3A_774 = arith.constant 48 : index
      %swap3A_775 = tpu.vector_load %arg13[%swap3A_773, %swap3A_774] {strides = array<i32>} : memref<16x128xf32, #tpu.memory_space<vmem>>, vector<16xf32>,
      tpu.vector_store %arg13[%swap3A_773, %swap3A_774], %mul3A_771 {strides = array<i32>} : memref<16x128xf32, #tpu.memory_space<vmem>>, vector<16xf32>,
      %get3A_776 = arith.constant 8 : i32
      %get3A_777 = arith.index_cast %get3A_776 : i32 to index
      %get3A_778 = arith.constant 64 : index
      %get3A_779 = tpu.vector_load %arg13[%get3A_777, %get3A_778] {strides = array<i32>} : memref<16x128xf32, #tpu.memory_space<vmem>>, vector<16xf32>,
      %mul3A_780 = vector.broadcast %squeeze3A_735 : f32 to vector<16xf32>
      %mul3A_781 = arith.mulf %get3A_779, %mul3A_780 : vector<16xf32>
      %swap3A_782 = arith.constant 8 : i32
      %swap3A_783 = arith.index_cast %swap3A_782 : i32 to index
      %swap3A_784 = arith.constant 64 : index
      %swap3A_785 = tpu.vector_load %arg13[%swap3A_783, %swap3A_784] {strides = array<i32>} : memref<16x128xf32, #tpu.memory_space<vmem>>, vector<16xf32>,
      tpu.vector_store %arg13[%swap3A_783, %swap3A_784], %mul3A_781 {strides = array<i32>} : memref<16x128xf32, #tpu.memory_space<vmem>>, vector<16xf32>,
      %get3A_786 = arith.constant 8 : i32
      %get3A_787 = arith.index_cast %get3A_786 : i32 to index
      %get3A_788 = arith.constant 80 : index
      %get3A_789 = tpu.vector_load %arg13[%get3A_787, %get3A_788] {strides = array<i32>} : memref<16x128xf32, #tpu.memory_space<vmem>>, vector<16xf32>,
      %mul3A_790 = vector.broadcast %squeeze3A_735 : f32 to vector<16xf32>
      %mul3A_791 = arith.mulf %get3A_789, %mul3A_790 : vector<16xf32>
      %swap3A_792 = arith.constant 8 : i32
      %swap3A_793 = arith.index_cast %swap3A_792 : i32 to index
      %swap3A_794 = arith.constant 80 : index
      %swap3A_795 = tpu.vector_load %arg13[%swap3A_793, %swap3A_794] {strides = array<i32>} : memref<16x128xf32, #tpu.memory_space<vmem>>, vector<16xf32>,
      tpu.vector_store %arg13[%swap3A_793, %swap3A_794], %mul3A_791 {strides = array<i32>} : memref<16x128xf32, #tpu.memory_space<vmem>>, vector<16xf32>,
      %get3A_796 = arith.constant 8 : i32
      %get3A_797 = arith.index_cast %get3A_796 : i32 to index
      %get3A_798 = arith.constant 96 : index
      %get3A_799 = tpu.vector_load %arg13[%get3A_797, %get3A_798] {strides = array<i32>} : memref<16x128xf32, #tpu.memory_space<vmem>>, vector<16xf32>,
      %mul3A_800 = vector.broadcast %squeeze3A_735 : f32 to vector<16xf32>
      %mul3A_801 = arith.mulf %get3A_799, %mul3A_800 : vector<16xf32>
      %swap3A_802 = arith.constant 8 : i32
      %swap3A_803 = arith.index_cast %swap3A_802 : i32 to index
      %swap3A_804 = arith.constant 96 : index
      %swap3A_805 = tpu.vector_load %arg13[%swap3A_803, %swap3A_804] {strides = array<i32>} : memref<16x128xf32, #tpu.memory_space<vmem>>, vector<16xf32>,
      tpu.vector_store %arg13[%swap3A_803, %swap3A_804], %mul3A_801 {strides = array<i32>} : memref<16x128xf32, #tpu.memory_space<vmem>>, vector<16xf32>,
      %get3A_806 = arith.constant 8 : i32
      %get3A_807 = arith.index_cast %get3A_806 : i32 to index
      %get3A_808 = arith.constant 112 : index
      %get3A_809 = tpu.vector_load %arg13[%get3A_807, %get3A_808] {strides = array<i32>} : memref<16x128xf32, #tpu.memory_space<vmem>>, vector<16xf32>,
      %mul3A_810 = vector.broadcast %squeeze3A_735 : f32 to vector<16xf32>
      %mul3A_811 = arith.mulf %get3A_809, %mul3A_810 : vector<16xf32>
      %swap3A_812 = arith.constant 8 : i32
      %swap3A_813 = arith.index_cast %swap3A_812 : i32 to index
      %swap3A_814 = arith.constant 112 : index
      %swap3A_815 = tpu.vector_load %arg13[%swap3A_813, %swap3A_814] {strides = array<i32>} : memref<16x128xf32, #tpu.memory_space<vmem>>, vector<16xf32>,
      tpu.vector_store %arg13[%swap3A_813, %swap3A_814], %mul3A_811 {strides = array<i32>} : memref<16x128xf32, #tpu.memory_space<vmem>>, vector<16xf32>,
      %slice3A_816 = vector.extract_strided_slice %mul3A_80 {offsets = [9], sizes = [1], strides = [1]} : vector<16xf32> to vector<1xf32>
      %squeeze3A_817 = vector.extract %slice3A_816[0] : f32 from vector<1xf32>
      %get3A_818 = arith.constant 9 : i32
      %get3A_819 = arith.index_cast %get3A_818 : i32 to index
      %get3A_820 = arith.constant 0 : index
      %get3A_821 = tpu.vector_load %arg13[%get3A_819, %get3A_820] {strides = array<i32>} : memref<16x128xf32, #tpu.memory_space<vmem>>, vector<16xf32>,
      %mul3A_822 = vector.broadcast %squeeze3A_817 : f32 to vector<16xf32>
      %mul3A_823 = arith.mulf %get3A_821, %mul3A_822 : vector<16xf32>
      %swap3A_824 = arith.constant 9 : i32
      %swap3A_825 = arith.index_cast %swap3A_824 : i32 to index
      %swap3A_826 = arith.constant 0 : index
      %swap3A_827 = tpu.vector_load %arg13[%swap3A_825, %swap3A_826] {strides = array<i32>} : memref<16x128xf32, #tpu.memory_space<vmem>>, vector<16xf32>,
      tpu.vector_store %arg13[%swap3A_825, %swap3A_826], %mul3A_823 {strides = array<i32>} : memref<16x128xf32, #tpu.memory_space<vmem>>, vector<16xf32>,
      %get3A_828 = arith.constant 9 : i32
      %get3A_829 = arith.index_cast %get3A_828 : i32 to index
      %get3A_830 = arith.constant 16 : index
      %get3A_831 = tpu.vector_load %arg13[%get3A_829, %get3A_830] {strides = array<i32>} : memref<16x128xf32, #tpu.memory_space<vmem>>, vector<16xf32>,
      %mul3A_832 = vector.broadcast %squeeze3A_817 : f32 to vector<16xf32>
      %mul3A_833 = arith.mulf %get3A_831, %mul3A_832 : vector<16xf32>
      %swap3A_834 = arith.constant 9 : i32
      %swap3A_835 = arith.index_cast %swap3A_834 : i32 to index
      %swap3A_836 = arith.constant 16 : index
      %swap3A_837 = tpu.vector_load %arg13[%swap3A_835, %swap3A_836] {strides = array<i32>} : memref<16x128xf32, #tpu.memory_space<vmem>>, vector<16xf32>,
      tpu.vector_store %arg13[%swap3A_835, %swap3A_836], %mul3A_833 {strides = array<i32>} : memref<16x128xf32, #tpu.memory_space<vmem>>, vector<16xf32>,
      %get3A_838 = arith.constant 9 : i32
      %get3A_839 = arith.index_cast %get3A_838 : i32 to index
      %get3A_840 = arith.constant 32 : index
      %get3A_841 = tpu.vector_load %arg13[%get3A_839, %get3A_840] {strides = array<i32>} : memref<16x128xf32, #tpu.memory_space<vmem>>, vector<16xf32>,
      %mul3A_842 = vector.broadcast %squeeze3A_817 : f32 to vector<16xf32>
      %mul3A_843 = arith.mulf %get3A_841, %mul3A_842 : vector<16xf32>
      %swap3A_844 = arith.constant 9 : i32
      %swap3A_845 = arith.index_cast %swap3A_844 : i32 to index
      %swap3A_846 = arith.constant 32 : index
      %swap3A_847 = tpu.vector_load %arg13[%swap3A_845, %swap3A_846] {strides = array<i32>} : memref<16x128xf32, #tpu.memory_space<vmem>>, vector<16xf32>,
      tpu.vector_store %arg13[%swap3A_845, %swap3A_846], %mul3A_843 {strides = array<i32>} : memref<16x128xf32, #tpu.memory_space<vmem>>, vector<16xf32>,
      %get3A_848 = arith.constant 9 : i32
      %get3A_849 = arith.index_cast %get3A_848 : i32 to index
      %get3A_850 = arith.constant 48 : index
      %get3A_851 = tpu.vector_load %arg13[%get3A_849, %get3A_850] {strides = array<i32>} : memref<16x128xf32, #tpu.memory_space<vmem>>, vector<16xf32>,
      %mul3A_852 = vector.broadcast %squeeze3A_817 : f32 to vector<16xf32>
      %mul3A_853 = arith.mulf %get3A_851, %mul3A_852 : vector<16xf32>
      %swap3A_854 = arith.constant 9 : i32
      %swap3A_855 = arith.index_cast %swap3A_854 : i32 to index
      %swap3A_856 = arith.constant 48 : index
      %swap3A_857 = tpu.vector_load %arg13[%swap3A_855, %swap3A_856] {strides = array<i32>} : memref<16x128xf32, #tpu.memory_space<vmem>>, vector<16xf32>,
      tpu.vector_store %arg13[%swap3A_855, %swap3A_856], %mul3A_853 {strides = array<i32>} : memref<16x128xf32, #tpu.memory_space<vmem>>, vector<16xf32>,
      %get3A_858 = arith.constant 9 : i32
      %get3A_859 = arith.index_cast %get3A_858 : i32 to index
      %get3A_860 = arith.constant 64 : index
      %get3A_861 = tpu.vector_load %arg13[%get3A_859, %get3A_860] {strides = array<i32>} : memref<16x128xf32, #tpu.memory_space<vmem>>, vector<16xf32>,
      %mul3A_862 = vector.broadcast %squeeze3A_817 : f32 to vector<16xf32>
      %mul3A_863 = arith.mulf %get3A_861, %mul3A_862 : vector<16xf32>
      %swap3A_864 = arith.constant 9 : i32
      %swap3A_865 = arith.index_cast %swap3A_864 : i32 to index
      %swap3A_866 = arith.constant 64 : index
      %swap3A_867 = tpu.vector_load %arg13[%swap3A_865, %swap3A_866] {strides = array<i32>} : memref<16x128xf32, #tpu.memory_space<vmem>>, vector<16xf32>,
      tpu.vector_store %arg13[%swap3A_865, %swap3A_866], %mul3A_863 {strides = array<i32>} : memref<16x128xf32, #tpu.memory_space<vmem>>, vector<16xf32>,
      %get3A_868 = arith.constant 9 : i32
      %get3A_869 = arith.index_cast %get3A_868 : i32 to index
      %get3A_870 = arith.constant 80 : index
      %get3A_871 = tpu.vector_load %arg13[%get3A_869, %get3A_870] {strides = array<i32>} : memref<16x128xf32, #tpu.memory_space<vmem>>, vector<16xf32>,
      %mul3A_872 = vector.broadcast %squeeze3A_817 : f32 to vector<16xf32>
      %mul3A_873 = arith.mulf %get3A_871, %mul3A_872 : vector<16xf32>
      %swap3A_874 = arith.constant 9 : i32
      %swap3A_875 = arith.index_cast %swap3A_874 : i32 to index
      %swap3A_876 = arith.constant 80 : index
      %swap3A_877 = tpu.vector_load %arg13[%swap3A_875, %swap3A_876] {strides = array<i32>} : memref<16x128xf32, #tpu.memory_space<vmem>>, vector<16xf32>,
      tpu.vector_store %arg13[%swap3A_875, %swap3A_876], %mul3A_873 {strides = array<i32>} : memref<16x128xf32, #tpu.memory_space<vmem>>, vector<16xf32>,
      %get3A_878 = arith.constant 9 : i32
      %get3A_879 = arith.index_cast %get3A_878 : i32 to index
      %get3A_880 = arith.constant 96 : index
      %get3A_881 = tpu.vector_load %arg13[%get3A_879, %get3A_880] {strides = array<i32>} : memref<16x128xf32, #tpu.memory_space<vmem>>, vector<16xf32>,
      %mul3A_882 = vector.broadcast %squeeze3A_817 : f32 to vector<16xf32>
      %mul3A_883 = arith.mulf %get3A_881, %mul3A_882 : vector<16xf32>
      %swap3A_884 = arith.constant 9 : i32
      %swap3A_885 = arith.index_cast %swap3A_884 : i32 to index
      %swap3A_886 = arith.constant 96 : index
      %swap3A_887 = tpu.vector_load %arg13[%swap3A_885, %swap3A_886] {strides = array<i32>} : memref<16x128xf32, #tpu.memory_space<vmem>>, vector<16xf32>,
      tpu.vector_store %arg13[%swap3A_885, %swap3A_886], %mul3A_883 {strides = array<i32>} : memref<16x128xf32, #tpu.memory_space<vmem>>, vector<16xf32>,
      %get3A_888 = arith.constant 9 : i32
      %get3A_889 = arith.index_cast %get3A_888 : i32 to index
      %get3A_890 = arith.constant 112 : index
      %get3A_891 = tpu.vector_load %arg13[%get3A_889, %get3A_890] {strides = array<i32>} : memref<16x128xf32, #tpu.memory_space<vmem>>, vector<16xf32>,
      %mul3A_892 = vector.broadcast %squeeze3A_817 : f32 to vector<16xf32>
      %mul3A_893 = arith.mulf %get3A_891, %mul3A_892 : vector<16xf32>
      %swap3A_894 = arith.constant 9 : i32
      %swap3A_895 = arith.index_cast %swap3A_894 : i32 to index
      %swap3A_896 = arith.constant 112 : index
      %swap3A_897 = tpu.vector_load %arg13[%swap3A_895, %swap3A_896] {strides = array<i32>} : memref<16x128xf32, #tpu.memory_space<vmem>>, vector<16xf32>,
      tpu.vector_store %arg13[%swap3A_895, %swap3A_896], %mul3A_893 {strides = array<i32>} : memref<16x128xf32, #tpu.memory_space<vmem>>, vector<16xf32>,
      %slice3A_898 = vector.extract_strided_slice %mul3A_80 {offsets = [10], sizes = [1], strides = [1]} : vector<16xf32> to vector<1xf32>
      %squeeze3A_899 = vector.extract %slice3A_898[0] : f32 from vector<1xf32>
      %get3A_900 = arith.constant 10 : i32
      %get3A_901 = arith.index_cast %get3A_900 : i32 to index
      %get3A_902 = arith.constant 0 : index
      %get3A_903 = tpu.vector_load %arg13[%get3A_901, %get3A_902] {strides = array<i32>} : memref<16x128xf32, #tpu.memory_space<vmem>>, vector<16xf32>,
      %mul3A_904 = vector.broadcast %squeeze3A_899 : f32 to vector<16xf32>
      %mul3A_905 = arith.mulf %get3A_903, %mul3A_904 : vector<16xf32>
      %swap3A_906 = arith.constant 10 : i32
      %swap3A_907 = arith.index_cast %swap3A_906 : i32 to index
      %swap3A_908 = arith.constant 0 : index
      %swap3A_909 = tpu.vector_load %arg13[%swap3A_907, %swap3A_908] {strides = array<i32>} : memref<16x128xf32, #tpu.memory_space<vmem>>, vector<16xf32>,
      tpu.vector_store %arg13[%swap3A_907, %swap3A_908], %mul3A_905 {strides = array<i32>} : memref<16x128xf32, #tpu.memory_space<vmem>>, vector<16xf32>,
      %get3A_910 = arith.constant 10 : i32
      %get3A_911 = arith.index_cast %get3A_910 : i32 to index
      %get3A_912 = arith.constant 16 : index
      %get3A_913 = tpu.vector_load %arg13[%get3A_911, %get3A_912] {strides = array<i32>} : memref<16x128xf32, #tpu.memory_space<vmem>>, vector<16xf32>,
      %mul3A_914 = vector.broadcast %squeeze3A_899 : f32 to vector<16xf32>
      %mul3A_915 = arith.mulf %get3A_913, %mul3A_914 : vector<16xf32>
      %swap3A_916 = arith.constant 10 : i32
      %swap3A_917 = arith.index_cast %swap3A_916 : i32 to index
      %swap3A_918 = arith.constant 16 : index
      %swap3A_919 = tpu.vector_load %arg13[%swap3A_917, %swap3A_918] {strides = array<i32>} : memref<16x128xf32, #tpu.memory_space<vmem>>, vector<16xf32>,
      tpu.vector_store %arg13[%swap3A_917, %swap3A_918], %mul3A_915 {strides = array<i32>} : memref<16x128xf32, #tpu.memory_space<vmem>>, vector<16xf32>,
      %get3A_920 = arith.constant 10 : i32
      %get3A_921 = arith.index_cast %get3A_920 : i32 to index
      %get3A_922 = arith.constant 32 : index
      %get3A_923 = tpu.vector_load %arg13[%get3A_921, %get3A_922] {strides = array<i32>} : memref<16x128xf32, #tpu.memory_space<vmem>>, vector<16xf32>,
      %mul3A_924 = vector.broadcast %squeeze3A_899 : f32 to vector<16xf32>
      %mul3A_925 = arith.mulf %get3A_923, %mul3A_924 : vector<16xf32>
      %swap3A_926 = arith.constant 10 : i32
      %swap3A_927 = arith.index_cast %swap3A_926 : i32 to index
      %swap3A_928 = arith.constant 32 : index
      %swap3A_929 = tpu.vector_load %arg13[%swap3A_927, %swap3A_928] {strides = array<i32>} : memref<16x128xf32, #tpu.memory_space<vmem>>, vector<16xf32>,
      tpu.vector_store %arg13[%swap3A_927, %swap3A_928], %mul3A_925 {strides = array<i32>} : memref<16x128xf32, #tpu.memory_space<vmem>>, vector<16xf32>,
      %get3A_930 = arith.constant 10 : i32
      %get3A_931 = arith.index_cast %get3A_930 : i32 to index
      %get3A_932 = arith.constant 48 : index
      %get3A_933 = tpu.vector_load %arg13[%get3A_931, %get3A_932] {strides = array<i32>} : memref<16x128xf32, #tpu.memory_space<vmem>>, vector<16xf32>,
      %mul3A_934 = vector.broadcast %squeeze3A_899 : f32 to vector<16xf32>
      %mul3A_935 = arith.mulf %get3A_933, %mul3A_934 : vector<16xf32>
      %swap3A_936 = arith.constant 10 : i32
      %swap3A_937 = arith.index_cast %swap3A_936 : i32 to index
      %swap3A_938 = arith.constant 48 : index
      %swap3A_939 = tpu.vector_load %arg13[%swap3A_937, %swap3A_938] {strides = array<i32>} : memref<16x128xf32, #tpu.memory_space<vmem>>, vector<16xf32>,
      tpu.vector_store %arg13[%swap3A_937, %swap3A_938], %mul3A_935 {strides = array<i32>} : memref<16x128xf32, #tpu.memory_space<vmem>>, vector<16xf32>,
      %get3A_940 = arith.constant 10 : i32
      %get3A_941 = arith.index_cast %get3A_940 : i32 to index
      %get3A_942 = arith.constant 64 : index
      %get3A_943 = tpu.vector_load %arg13[%get3A_941, %get3A_942] {strides = array<i32>} : memref<16x128xf32, #tpu.memory_space<vmem>>, vector<16xf32>,
      %mul3A_944 = vector.broadcast %squeeze3A_899 : f32 to vector<16xf32>
      %mul3A_945 = arith.mulf %get3A_943, %mul3A_944 : vector<16xf32>
      %swap3A_946 = arith.constant 10 : i32
      %swap3A_947 = arith.index_cast %swap3A_946 : i32 to index
      %swap3A_948 = arith.constant 64 : index
      %swap3A_949 = tpu.vector_load %arg13[%swap3A_947, %swap3A_948] {strides = array<i32>} : memref<16x128xf32, #tpu.memory_space<vmem>>, vector<16xf32>,
      tpu.vector_store %arg13[%swap3A_947, %swap3A_948], %mul3A_945 {strides = array<i32>} : memref<16x128xf32, #tpu.memory_space<vmem>>, vector<16xf32>,
      %get3A_950 = arith.constant 10 : i32
      %get3A_951 = arith.index_cast %get3A_950 : i32 to index
      %get3A_952 = arith.constant 80 : index
      %get3A_953 = tpu.vector_load %arg13[%get3A_951, %get3A_952] {strides = array<i32>} : memref<16x128xf32, #tpu.memory_space<vmem>>, vector<16xf32>,
      %mul3A_954 = vector.broadcast %squeeze3A_899 : f32 to vector<16xf32>
      %mul3A_955 = arith.mulf %get3A_953, %mul3A_954 : vector<16xf32>
      %swap3A_956 = arith.constant 10 : i32
      %swap3A_957 = arith.index_cast %swap3A_956 : i32 to index
      %swap3A_958 = arith.constant 80 : index
      %swap3A_959 = tpu.vector_load %arg13[%swap3A_957, %swap3A_958] {strides = array<i32>} : memref<16x128xf32, #tpu.memory_space<vmem>>, vector<16xf32>,
      tpu.vector_store %arg13[%swap3A_957, %swap3A_958], %mul3A_955 {strides = array<i32>} : memref<16x128xf32, #tpu.memory_space<vmem>>, vector<16xf32>,
      %get3A_960 = arith.constant 10 : i32
      %get3A_961 = arith.index_cast %get3A_960 : i32 to index
      %get3A_962 = arith.constant 96 : index
      %get3A_963 = tpu.vector_load %arg13[%get3A_961, %get3A_962] {strides = array<i32>} : memref<16x128xf32, #tpu.memory_space<vmem>>, vector<16xf32>,
      %mul3A_964 = vector.broadcast %squeeze3A_899 : f32 to vector<16xf32>
      %mul3A_965 = arith.mulf %get3A_963, %mul3A_964 : vector<16xf32>
      %swap3A_966 = arith.constant 10 : i32
      %swap3A_967 = arith.index_cast %swap3A_966 : i32 to index
      %swap3A_968 = arith.constant 96 : index
      %swap3A_969 = tpu.vector_load %arg13[%swap3A_967, %swap3A_968] {strides = array<i32>} : memref<16x128xf32, #tpu.memory_space<vmem>>, vector<16xf32>,
      tpu.vector_store %arg13[%swap3A_967, %swap3A_968], %mul3A_965 {strides = array<i32>} : memref<16x128xf32, #tpu.memory_space<vmem>>, vector<16xf32>,
      %get3A_970 = arith.constant 10 : i32
      %get3A_971 = arith.index_cast %get3A_970 : i32 to index
      %get3A_972 = arith.constant 112 : index
      %get3A_973 = tpu.vector_load %arg13[%get3A_971, %get3A_972] {strides = array<i32>} : memref<16x128xf32, #tpu.memory_space<vmem>>, vector<16xf32>,
      %mul3A_974 = vector.broadcast %squeeze3A_899 : f32 to vector<16xf32>
      %mul3A_975 = arith.mulf %get3A_973, %mul3A_974 : vector<16xf32>
      %swap3A_976 = arith.constant 10 : i32
      %swap3A_977 = arith.index_cast %swap3A_976 : i32 to index
      %swap3A_978 = arith.constant 112 : index
      %swap3A_979 = tpu.vector_load %arg13[%swap3A_977, %swap3A_978] {strides = array<i32>} : memref<16x128xf32, #tpu.memory_space<vmem>>, vector<16xf32>,
      tpu.vector_store %arg13[%swap3A_977, %swap3A_978], %mul3A_975 {strides = array<i32>} : memref<16x128xf32, #tpu.memory_space<vmem>>, vector<16xf32>,
      %slice3A_980 = vector.extract_strided_slice %mul3A_80 {offsets = [11], sizes = [1], strides = [1]} : vector<16xf32> to vector<1xf32>
      %squeeze3A_981 = vector.extract %slice3A_980[0] : f32 from vector<1xf32>
      %get3A_982 = arith.constant 11 : i32
      %get3A_983 = arith.index_cast %get3A_982 : i32 to index
      %get3A_984 = arith.constant 0 : index
      %get3A_985 = tpu.vector_load %arg13[%get3A_983, %get3A_984] {strides = array<i32>} : memref<16x128xf32, #tpu.memory_space<vmem>>, vector<16xf32>,
      %mul3A_986 = vector.broadcast %squeeze3A_981 : f32 to vector<16xf32>
      %mul3A_987 = arith.mulf %get3A_985, %mul3A_986 : vector<16xf32>
      %swap3A_988 = arith.constant 11 : i32
      %swap3A_989 = arith.index_cast %swap3A_988 : i32 to index
      %swap3A_990 = arith.constant 0 : index
      %swap3A_991 = tpu.vector_load %arg13[%swap3A_989, %swap3A_990] {strides = array<i32>} : memref<16x128xf32, #tpu.memory_space<vmem>>, vector<16xf32>,
      tpu.vector_store %arg13[%swap3A_989, %swap3A_990], %mul3A_987 {strides = array<i32>} : memref<16x128xf32, #tpu.memory_space<vmem>>, vector<16xf32>,
      %get3A_992 = arith.constant 11 : i32
      %get3A_993 = arith.index_cast %get3A_992 : i32 to index
      %get3A_994 = arith.constant 16 : index
      %get3A_995 = tpu.vector_load %arg13[%get3A_993, %get3A_994] {strides = array<i32>} : memref<16x128xf32, #tpu.memory_space<vmem>>, vector<16xf32>,
      %mul3A_996 = vector.broadcast %squeeze3A_981 : f32 to vector<16xf32>
      %mul3A_997 = arith.mulf %get3A_995, %mul3A_996 : vector<16xf32>
      %swap3A_998 = arith.constant 11 : i32
      %swap3A_999 = arith.index_cast %swap3A_998 : i32 to index
      %swap3A_1000 = arith.constant 16 : index
      %swap3A_1001 = tpu.vector_load %arg13[%swap3A_999, %swap3A_1000] {strides = array<i32>} : memref<16x128xf32, #tpu.memory_space<vmem>>, vector<16xf32>,
      tpu.vector_store %arg13[%swap3A_999, %swap3A_1000], %mul3A_997 {strides = array<i32>} : memref<16x128xf32, #tpu.memory_space<vmem>>, vector<16xf32>,
      %get3A_1002 = arith.constant 11 : i32
      %get3A_1003 = arith.index_cast %get3A_1002 : i32 to index
      %get3A_1004 = arith.constant 32 : index
      %get3A_1005 = tpu.vector_load %arg13[%get3A_1003, %get3A_1004] {strides = array<i32>} : memref<16x128xf32, #tpu.memory_space<vmem>>, vector<16xf32>,
      %mul3A_1006 = vector.broadcast %squeeze3A_981 : f32 to vector<16xf32>
      %mul3A_1007 = arith.mulf %get3A_1005, %mul3A_1006 : vector<16xf32>
      %swap3A_1008 = arith.constant 11 : i32
      %swap3A_1009 = arith.index_cast %swap3A_1008 : i32 to index
      %swap3A_1010 = arith.constant 32 : index
      %swap3A_1011 = tpu.vector_load %arg13[%swap3A_1009, %swap3A_1010] {strides = array<i32>} : memref<16x128xf32, #tpu.memory_space<vmem>>, vector<16xf32>,
      tpu.vector_store %arg13[%swap3A_1009, %swap3A_1010], %mul3A_1007 {strides = array<i32>} : memref<16x128xf32, #tpu.memory_space<vmem>>, vector<16xf32>,
      %get3A_1012 = arith.constant 11 : i32
      %get3A_1013 = arith.index_cast %get3A_1012 : i32 to index
      %get3A_1014 = arith.constant 48 : index
      %get3A_1015 = tpu.vector_load %arg13[%get3A_1013, %get3A_1014] {strides = array<i32>} : memref<16x128xf32, #tpu.memory_space<vmem>>, vector<16xf32>,
      %mul3A_1016 = vector.broadcast %squeeze3A_981 : f32 to vector<16xf32>
      %mul3A_1017 = arith.mulf %get3A_1015, %mul3A_1016 : vector<16xf32>
      %swap3A_1018 = arith.constant 11 : i32
      %swap3A_1019 = arith.index_cast %swap3A_1018 : i32 to index
      %swap3A_1020 = arith.constant 48 : index
      %swap3A_1021 = tpu.vector_load %arg13[%swap3A_1019, %swap3A_1020] {strides = array<i32>} : memref<16x128xf32, #tpu.memory_space<vmem>>, vector<16xf32>,
      tpu.vector_store %arg13[%swap3A_1019, %swap3A_1020], %mul3A_1017 {strides = array<i32>} : memref<16x128xf32, #tpu.memory_space<vmem>>, vector<16xf32>,
      %get3A_1022 = arith.constant 11 : i32
      %get3A_1023 = arith.index_cast %get3A_1022 : i32 to index
      %get3A_1024 = arith.constant 64 : index
      %get3A_1025 = tpu.vector_load %arg13[%get3A_1023, %get3A_1024] {strides = array<i32>} : memref<16x128xf32, #tpu.memory_space<vmem>>, vector<16xf32>,
      %mul3A_1026 = vector.broadcast %squeeze3A_981 : f32 to vector<16xf32>
      %mul3A_1027 = arith.mulf %get3A_1025, %mul3A_1026 : vector<16xf32>
      %swap3A_1028 = arith.constant 11 : i32
      %swap3A_1029 = arith.index_cast %swap3A_1028 : i32 to index
      %swap3A_1030 = arith.constant 64 : index
      %swap3A_1031 = tpu.vector_load %arg13[%swap3A_1029, %swap3A_1030] {strides = array<i32>} : memref<16x128xf32, #tpu.memory_space<vmem>>, vector<16xf32>,
      tpu.vector_store %arg13[%swap3A_1029, %swap3A_1030], %mul3A_1027 {strides = array<i32>} : memref<16x128xf32, #tpu.memory_space<vmem>>, vector<16xf32>,
      %get3A_1032 = arith.constant 11 : i32
      %get3A_1033 = arith.index_cast %get3A_1032 : i32 to index
      %get3A_1034 = arith.constant 80 : index
      %get3A_1035 = tpu.vector_load %arg13[%get3A_1033, %get3A_1034] {strides = array<i32>} : memref<16x128xf32, #tpu.memory_space<vmem>>, vector<16xf32>,
      %mul3A_1036 = vector.broadcast %squeeze3A_981 : f32 to vector<16xf32>
      %mul3A_1037 = arith.mulf %get3A_1035, %mul3A_1036 : vector<16xf32>
      %swap3A_1038 = arith.constant 11 : i32
      %swap3A_1039 = arith.index_cast %swap3A_1038 : i32 to index
      %swap3A_1040 = arith.constant 80 : index
      %swap3A_1041 = tpu.vector_load %arg13[%swap3A_1039, %swap3A_1040] {strides = array<i32>} : memref<16x128xf32, #tpu.memory_space<vmem>>, vector<16xf32>,
      tpu.vector_store %arg13[%swap3A_1039, %swap3A_1040], %mul3A_1037 {strides = array<i32>} : memref<16x128xf32, #tpu.memory_space<vmem>>, vector<16xf32>,
      %get3A_1042 = arith.constant 11 : i32
      %get3A_1043 = arith.index_cast %get3A_1042 : i32 to index
      %get3A_1044 = arith.constant 96 : index
      %get3A_1045 = tpu.vector_load %arg13[%get3A_1043, %get3A_1044] {strides = array<i32>} : memref<16x128xf32, #tpu.memory_space<vmem>>, vector<16xf32>,
      %mul3A_1046 = vector.broadcast %squeeze3A_981 : f32 to vector<16xf32>
      %mul3A_1047 = arith.mulf %get3A_1045, %mul3A_1046 : vector<16xf32>
      %swap3A_1048 = arith.constant 11 : i32
      %swap3A_1049 = arith.index_cast %swap3A_1048 : i32 to index
      %swap3A_1050 = arith.constant 96 : index
      %swap3A_1051 = tpu.vector_load %arg13[%swap3A_1049, %swap3A_1050] {strides = array<i32>} : memref<16x128xf32, #tpu.memory_space<vmem>>, vector<16xf32>,
      tpu.vector_store %arg13[%swap3A_1049, %swap3A_1050], %mul3A_1047 {strides = array<i32>} : memref<16x128xf32, #tpu.memory_space<vmem>>, vector<16xf32>,
      %get3A_1052 = arith.constant 11 : i32
      %get3A_1053 = arith.index_cast %get3A_1052 : i32 to index
      %get3A_1054 = arith.constant 112 : index
      %get3A_1055 = tpu.vector_load %arg13[%get3A_1053, %get3A_1054] {strides = array<i32>} : memref<16x128xf32, #tpu.memory_space<vmem>>, vector<16xf32>,
      %mul3A_1056 = vector.broadcast %squeeze3A_981 : f32 to vector<16xf32>
      %mul3A_1057 = arith.mulf %get3A_1055, %mul3A_1056 : vector<16xf32>
      %swap3A_1058 = arith.constant 11 : i32
      %swap3A_1059 = arith.index_cast %swap3A_1058 : i32 to index
      %swap3A_1060 = arith.constant 112 : index
      %swap3A_1061 = tpu.vector_load %arg13[%swap3A_1059, %swap3A_1060] {strides = array<i32>} : memref<16x128xf32, #tpu.memory_space<vmem>>, vector<16xf32>,
      tpu.vector_store %arg13[%swap3A_1059, %swap3A_1060], %mul3A_1057 {strides = array<i32>} : memref<16x128xf32, #tpu.memory_space<vmem>>, vector<16xf32>,
      %slice3A_1062 = vector.extract_strided_slice %mul3A_80 {offsets = [12], sizes = [1], strides = [1]} : vector<16xf32> to vector<1xf32>
      %squeeze3A_1063 = vector.extract %slice3A_1062[0] : f32 from vector<1xf32>
      %get3A_1064 = arith.constant 12 : i32
      %get3A_1065 = arith.index_cast %get3A_1064 : i32 to index
      %get3A_1066 = arith.constant 0 : index
      %get3A_1067 = tpu.vector_load %arg13[%get3A_1065, %get3A_1066] {strides = array<i32>} : memref<16x128xf32, #tpu.memory_space<vmem>>, vector<16xf32>,
      %mul3A_1068 = vector.broadcast %squeeze3A_1063 : f32 to vector<16xf32>
      %mul3A_1069 = arith.mulf %get3A_1067, %mul3A_1068 : vector<16xf32>
      %swap3A_1070 = arith.constant 12 : i32
      %swap3A_1071 = arith.index_cast %swap3A_1070 : i32 to index
      %swap3A_1072 = arith.constant 0 : index
      %swap3A_1073 = tpu.vector_load %arg13[%swap3A_1071, %swap3A_1072] {strides = array<i32>} : memref<16x128xf32, #tpu.memory_space<vmem>>, vector<16xf32>,
      tpu.vector_store %arg13[%swap3A_1071, %swap3A_1072], %mul3A_1069 {strides = array<i32>} : memref<16x128xf32, #tpu.memory_space<vmem>>, vector<16xf32>,
      %get3A_1074 = arith.constant 12 : i32
      %get3A_1075 = arith.index_cast %get3A_1074 : i32 to index
      %get3A_1076 = arith.constant 16 : index
      %get3A_1077 = tpu.vector_load %arg13[%get3A_1075, %get3A_1076] {strides = array<i32>} : memref<16x128xf32, #tpu.memory_space<vmem>>, vector<16xf32>,
      %mul3A_1078 = vector.broadcast %squeeze3A_1063 : f32 to vector<16xf32>
      %mul3A_1079 = arith.mulf %get3A_1077, %mul3A_1078 : vector<16xf32>
      %swap3A_1080 = arith.constant 12 : i32
      %swap3A_1081 = arith.index_cast %swap3A_1080 : i32 to index
      %swap3A_1082 = arith.constant 16 : index
      %swap3A_1083 = tpu.vector_load %arg13[%swap3A_1081, %swap3A_1082] {strides = array<i32>} : memref<16x128xf32, #tpu.memory_space<vmem>>, vector<16xf32>,
      tpu.vector_store %arg13[%swap3A_1081, %swap3A_1082], %mul3A_1079 {strides = array<i32>} : memref<16x128xf32, #tpu.memory_space<vmem>>, vector<16xf32>,
      %get3A_1084 = arith.constant 12 : i32
      %get3A_1085 = arith.index_cast %get3A_1084 : i32 to index
      %get3A_1086 = arith.constant 32 : index
      %get3A_1087 = tpu.vector_load %arg13[%get3A_1085, %get3A_1086] {strides = array<i32>} : memref<16x128xf32, #tpu.memory_space<vmem>>, vector<16xf32>,
      %mul3A_1088 = vector.broadcast %squeeze3A_1063 : f32 to vector<16xf32>
      %mul3A_1089 = arith.mulf %get3A_1087, %mul3A_1088 : vector<16xf32>
      %swap3A_1090 = arith.constant 12 : i32
      %swap3A_1091 = arith.index_cast %swap3A_1090 : i32 to index
      %swap3A_1092 = arith.constant 32 : index
      %swap3A_1093 = tpu.vector_load %arg13[%swap3A_1091, %swap3A_1092] {strides = array<i32>} : memref<16x128xf32, #tpu.memory_space<vmem>>, vector<16xf32>,
      tpu.vector_store %arg13[%swap3A_1091, %swap3A_1092], %mul3A_1089 {strides = array<i32>} : memref<16x128xf32, #tpu.memory_space<vmem>>, vector<16xf32>,
      %get3A_1094 = arith.constant 12 : i32
      %get3A_1095 = arith.index_cast %get3A_1094 : i32 to index
      %get3A_1096 = arith.constant 48 : index
      %get3A_1097 = tpu.vector_load %arg13[%get3A_1095, %get3A_1096] {strides = array<i32>} : memref<16x128xf32, #tpu.memory_space<vmem>>, vector<16xf32>,
      %mul3A_1098 = vector.broadcast %squeeze3A_1063 : f32 to vector<16xf32>
      %mul3A_1099 = arith.mulf %get3A_1097, %mul3A_1098 : vector<16xf32>
      %swap3A_1100 = arith.constant 12 : i32
      %swap3A_1101 = arith.index_cast %swap3A_1100 : i32 to index
      %swap3A_1102 = arith.constant 48 : index
      %swap3A_1103 = tpu.vector_load %arg13[%swap3A_1101, %swap3A_1102] {strides = array<i32>} : memref<16x128xf32, #tpu.memory_space<vmem>>, vector<16xf32>,
      tpu.vector_store %arg13[%swap3A_1101, %swap3A_1102], %mul3A_1099 {strides = array<i32>} : memref<16x128xf32, #tpu.memory_space<vmem>>, vector<16xf32>,
      %get3A_1104 = arith.constant 12 : i32
      %get3A_1105 = arith.index_cast %get3A_1104 : i32 to index
      %get3A_1106 = arith.constant 64 : index
      %get3A_1107 = tpu.vector_load %arg13[%get3A_1105, %get3A_1106] {strides = array<i32>} : memref<16x128xf32, #tpu.memory_space<vmem>>, vector<16xf32>,
      %mul3A_1108 = vector.broadcast %squeeze3A_1063 : f32 to vector<16xf32>
      %mul3A_1109 = arith.mulf %get3A_1107, %mul3A_1108 : vector<16xf32>
      %swap3A_1110 = arith.constant 12 : i32
      %swap3A_1111 = arith.index_cast %swap3A_1110 : i32 to index
      %swap3A_1112 = arith.constant 64 : index
      %swap3A_1113 = tpu.vector_load %arg13[%swap3A_1111, %swap3A_1112] {strides = array<i32>} : memref<16x128xf32, #tpu.memory_space<vmem>>, vector<16xf32>,
      tpu.vector_store %arg13[%swap3A_1111, %swap3A_1112], %mul3A_1109 {strides = array<i32>} : memref<16x128xf32, #tpu.memory_space<vmem>>, vector<16xf32>,
      %get3A_1114 = arith.constant 12 : i32
      %get3A_1115 = arith.index_cast %get3A_1114 : i32 to index
      %get3A_1116 = arith.constant 80 : index
      %get3A_1117 = tpu.vector_load %arg13[%get3A_1115, %get3A_1116] {strides = array<i32>} : memref<16x128xf32, #tpu.memory_space<vmem>>, vector<16xf32>,
      %mul3A_1118 = vector.broadcast %squeeze3A_1063 : f32 to vector<16xf32>
      %mul3A_1119 = arith.mulf %get3A_1117, %mul3A_1118 : vector<16xf32>
      %swap3A_1120 = arith.constant 12 : i32
      %swap3A_1121 = arith.index_cast %swap3A_1120 : i32 to index
      %swap3A_1122 = arith.constant 80 : index
      %swap3A_1123 = tpu.vector_load %arg13[%swap3A_1121, %swap3A_1122] {strides = array<i32>} : memref<16x128xf32, #tpu.memory_space<vmem>>, vector<16xf32>,
      tpu.vector_store %arg13[%swap3A_1121, %swap3A_1122], %mul3A_1119 {strides = array<i32>} : memref<16x128xf32, #tpu.memory_space<vmem>>, vector<16xf32>,
      %get3A_1124 = arith.constant 12 : i32
      %get3A_1125 = arith.index_cast %get3A_1124 : i32 to index
      %get3A_1126 = arith.constant 96 : index
      %get3A_1127 = tpu.vector_load %arg13[%get3A_1125, %get3A_1126] {strides = array<i32>} : memref<16x128xf32, #tpu.memory_space<vmem>>, vector<16xf32>,
      %mul3A_1128 = vector.broadcast %squeeze3A_1063 : f32 to vector<16xf32>
      %mul3A_1129 = arith.mulf %get3A_1127, %mul3A_1128 : vector<16xf32>
      %swap3A_1130 = arith.constant 12 : i32
      %swap3A_1131 = arith.index_cast %swap3A_1130 : i32 to index
      %swap3A_1132 = arith.constant 96 : index
      %swap3A_1133 = tpu.vector_load %arg13[%swap3A_1131, %swap3A_1132] {strides = array<i32>} : memref<16x128xf32, #tpu.memory_space<vmem>>, vector<16xf32>,
      tpu.vector_store %arg13[%swap3A_1131, %swap3A_1132], %mul3A_1129 {strides = array<i32>} : memref<16x128xf32, #tpu.memory_space<vmem>>, vector<16xf32>,
      %get3A_1134 = arith.constant 12 : i32
      %get3A_1135 = arith.index_cast %get3A_1134 : i32 to index
      %get3A_1136 = arith.constant 112 : index
      %get3A_1137 = tpu.vector_load %arg13[%get3A_1135, %get3A_1136] {strides = array<i32>} : memref<16x128xf32, #tpu.memory_space<vmem>>, vector<16xf32>,
      %mul3A_1138 = vector.broadcast %squeeze3A_1063 : f32 to vector<16xf32>
      %mul3A_1139 = arith.mulf %get3A_1137, %mul3A_1138 : vector<16xf32>
      %swap3A_1140 = arith.constant 12 : i32
      %swap3A_1141 = arith.index_cast %swap3A_1140 : i32 to index
      %swap3A_1142 = arith.constant 112 : index
      %swap3A_1143 = tpu.vector_load %arg13[%swap3A_1141, %swap3A_1142] {strides = array<i32>} : memref<16x128xf32, #tpu.memory_space<vmem>>, vector<16xf32>,
      tpu.vector_store %arg13[%swap3A_1141, %swap3A_1142], %mul3A_1139 {strides = array<i32>} : memref<16x128xf32, #tpu.memory_space<vmem>>, vector<16xf32>,
      %slice3A_1144 = vector.extract_strided_slice %mul3A_80 {offsets = [13], sizes = [1], strides = [1]} : vector<16xf32> to vector<1xf32>
      %squeeze3A_1145 = vector.extract %slice3A_1144[0] : f32 from vector<1xf32>
      %get3A_1146 = arith.constant 13 : i32
      %get3A_1147 = arith.index_cast %get3A_1146 : i32 to index
      %get3A_1148 = arith.constant 0 : index
      %get3A_1149 = tpu.vector_load %arg13[%get3A_1147, %get3A_1148] {strides = array<i32>} : memref<16x128xf32, #tpu.memory_space<vmem>>, vector<16xf32>,
      %mul3A_1150 = vector.broadcast %squeeze3A_1145 : f32 to vector<16xf32>
      %mul3A_1151 = arith.mulf %get3A_1149, %mul3A_1150 : vector<16xf32>
      %swap3A_1152 = arith.constant 13 : i32
      %swap3A_1153 = arith.index_cast %swap3A_1152 : i32 to index
      %swap3A_1154 = arith.constant 0 : index
      %swap3A_1155 = tpu.vector_load %arg13[%swap3A_1153, %swap3A_1154] {strides = array<i32>} : memref<16x128xf32, #tpu.memory_space<vmem>>, vector<16xf32>,
      tpu.vector_store %arg13[%swap3A_1153, %swap3A_1154], %mul3A_1151 {strides = array<i32>} : memref<16x128xf32, #tpu.memory_space<vmem>>, vector<16xf32>,
      %get3A_1156 = arith.constant 13 : i32
      %get3A_1157 = arith.index_cast %get3A_1156 : i32 to index
      %get3A_1158 = arith.constant 16 : index
      %get3A_1159 = tpu.vector_load %arg13[%get3A_1157, %get3A_1158] {strides = array<i32>} : memref<16x128xf32, #tpu.memory_space<vmem>>, vector<16xf32>,
      %mul3A_1160 = vector.broadcast %squeeze3A_1145 : f32 to vector<16xf32>
      %mul3A_1161 = arith.mulf %get3A_1159, %mul3A_1160 : vector<16xf32>
      %swap3A_1162 = arith.constant 13 : i32
      %swap3A_1163 = arith.index_cast %swap3A_1162 : i32 to index
      %swap3A_1164 = arith.constant 16 : index
      %swap3A_1165 = tpu.vector_load %arg13[%swap3A_1163, %swap3A_1164] {strides = array<i32>} : memref<16x128xf32, #tpu.memory_space<vmem>>, vector<16xf32>,
      tpu.vector_store %arg13[%swap3A_1163, %swap3A_1164], %mul3A_1161 {strides = array<i32>} : memref<16x128xf32, #tpu.memory_space<vmem>>, vector<16xf32>,
      %get3A_1166 = arith.constant 13 : i32
      %get3A_1167 = arith.index_cast %get3A_1166 : i32 to index
      %get3A_1168 = arith.constant 32 : index
      %get3A_1169 = tpu.vector_load %arg13[%get3A_1167, %get3A_1168] {strides = array<i32>} : memref<16x128xf32, #tpu.memory_space<vmem>>, vector<16xf32>,
      %mul3A_1170 = vector.broadcast %squeeze3A_1145 : f32 to vector<16xf32>
      %mul3A_1171 = arith.mulf %get3A_1169, %mul3A_1170 : vector<16xf32>
      %swap3A_1172 = arith.constant 13 : i32
      %swap3A_1173 = arith.index_cast %swap3A_1172 : i32 to index
      %swap3A_1174 = arith.constant 32 : index
      %swap3A_1175 = tpu.vector_load %arg13[%swap3A_1173, %swap3A_1174] {strides = array<i32>} : memref<16x128xf32, #tpu.memory_space<vmem>>, vector<16xf32>,
      tpu.vector_store %arg13[%swap3A_1173, %swap3A_1174], %mul3A_1171 {strides = array<i32>} : memref<16x128xf32, #tpu.memory_space<vmem>>, vector<16xf32>,
      %get3A_1176 = arith.constant 13 : i32
      %get3A_1177 = arith.index_cast %get3A_1176 : i32 to index
      %get3A_1178 = arith.constant 48 : index
      %get3A_1179 = tpu.vector_load %arg13[%get3A_1177, %get3A_1178] {strides = array<i32>} : memref<16x128xf32, #tpu.memory_space<vmem>>, vector<16xf32>,
      %mul3A_1180 = vector.broadcast %squeeze3A_1145 : f32 to vector<16xf32>
      %mul3A_1181 = arith.mulf %get3A_1179, %mul3A_1180 : vector<16xf32>
      %swap3A_1182 = arith.constant 13 : i32
      %swap3A_1183 = arith.index_cast %swap3A_1182 : i32 to index
      %swap3A_1184 = arith.constant 48 : index
      %swap3A_1185 = tpu.vector_load %arg13[%swap3A_1183, %swap3A_1184] {strides = array<i32>} : memref<16x128xf32, #tpu.memory_space<vmem>>, vector<16xf32>,
      tpu.vector_store %arg13[%swap3A_1183, %swap3A_1184], %mul3A_1181 {strides = array<i32>} : memref<16x128xf32, #tpu.memory_space<vmem>>, vector<16xf32>,
      %get3A_1186 = arith.constant 13 : i32
      %get3A_1187 = arith.index_cast %get3A_1186 : i32 to index
      %get3A_1188 = arith.constant 64 : index
      %get3A_1189 = tpu.vector_load %arg13[%get3A_1187, %get3A_1188] {strides = array<i32>} : memref<16x128xf32, #tpu.memory_space<vmem>>, vector<16xf32>,
      %mul3A_1190 = vector.broadcast %squeeze3A_1145 : f32 to vector<16xf32>
      %mul3A_1191 = arith.mulf %get3A_1189, %mul3A_1190 : vector<16xf32>
      %swap3A_1192 = arith.constant 13 : i32
      %swap3A_1193 = arith.index_cast %swap3A_1192 : i32 to index
      %swap3A_1194 = arith.constant 64 : index
      %swap3A_1195 = tpu.vector_load %arg13[%swap3A_1193, %swap3A_1194] {strides = array<i32>} : memref<16x128xf32, #tpu.memory_space<vmem>>, vector<16xf32>,
      tpu.vector_store %arg13[%swap3A_1193, %swap3A_1194], %mul3A_1191 {strides = array<i32>} : memref<16x128xf32, #tpu.memory_space<vmem>>, vector<16xf32>,
      %get3A_1196 = arith.constant 13 : i32
      %get3A_1197 = arith.index_cast %get3A_1196 : i32 to index
      %get3A_1198 = arith.constant 80 : index
      %get3A_1199 = tpu.vector_load %arg13[%get3A_1197, %get3A_1198] {strides = array<i32>} : memref<16x128xf32, #tpu.memory_space<vmem>>, vector<16xf32>,
      %mul3A_1200 = vector.broadcast %squeeze3A_1145 : f32 to vector<16xf32>
      %mul3A_1201 = arith.mulf %get3A_1199, %mul3A_1200 : vector<16xf32>
      %swap3A_1202 = arith.constant 13 : i32
      %swap3A_1203 = arith.index_cast %swap3A_1202 : i32 to index
      %swap3A_1204 = arith.constant 80 : index
      %swap3A_1205 = tpu.vector_load %arg13[%swap3A_1203, %swap3A_1204] {strides = array<i32>} : memref<16x128xf32, #tpu.memory_space<vmem>>, vector<16xf32>,
      tpu.vector_store %arg13[%swap3A_1203, %swap3A_1204], %mul3A_1201 {strides = array<i32>} : memref<16x128xf32, #tpu.memory_space<vmem>>, vector<16xf32>,
      %get3A_1206 = arith.constant 13 : i32
      %get3A_1207 = arith.index_cast %get3A_1206 : i32 to index
      %get3A_1208 = arith.constant 96 : index
      %get3A_1209 = tpu.vector_load %arg13[%get3A_1207, %get3A_1208] {strides = array<i32>} : memref<16x128xf32, #tpu.memory_space<vmem>>, vector<16xf32>,
      %mul3A_1210 = vector.broadcast %squeeze3A_1145 : f32 to vector<16xf32>
      %mul3A_1211 = arith.mulf %get3A_1209, %mul3A_1210 : vector<16xf32>
      %swap3A_1212 = arith.constant 13 : i32
      %swap3A_1213 = arith.index_cast %swap3A_1212 : i32 to index
      %swap3A_1214 = arith.constant 96 : index
      %swap3A_1215 = tpu.vector_load %arg13[%swap3A_1213, %swap3A_1214] {strides = array<i32>} : memref<16x128xf32, #tpu.memory_space<vmem>>, vector<16xf32>,
      tpu.vector_store %arg13[%swap3A_1213, %swap3A_1214], %mul3A_1211 {strides = array<i32>} : memref<16x128xf32, #tpu.memory_space<vmem>>, vector<16xf32>,
      %get3A_1216 = arith.constant 13 : i32
      %get3A_1217 = arith.index_cast %get3A_1216 : i32 to index
      %get3A_1218 = arith.constant 112 : index
      %get3A_1219 = tpu.vector_load %arg13[%get3A_1217, %get3A_1218] {strides = array<i32>} : memref<16x128xf32, #tpu.memory_space<vmem>>, vector<16xf32>,
      %mul3A_1220 = vector.broadcast %squeeze3A_1145 : f32 to vector<16xf32>
      %mul3A_1221 = arith.mulf %get3A_1219, %mul3A_1220 : vector<16xf32>
      %swap3A_1222 = arith.constant 13 : i32
      %swap3A_1223 = arith.index_cast %swap3A_1222 : i32 to index
      %swap3A_1224 = arith.constant 112 : index
      %swap3A_1225 = tpu.vector_load %arg13[%swap3A_1223, %swap3A_1224] {strides = array<i32>} : memref<16x128xf32, #tpu.memory_space<vmem>>, vector<16xf32>,
      tpu.vector_store %arg13[%swap3A_1223, %swap3A_1224], %mul3A_1221 {strides = array<i32>} : memref<16x128xf32, #tpu.memory_space<vmem>>, vector<16xf32>,
      %slice3A_1226 = vector.extract_strided_slice %mul3A_80 {offsets = [14], sizes = [1], strides = [1]} : vector<16xf32> to vector<1xf32>
      %squeeze3A_1227 = vector.extract %slice3A_1226[0] : f32 from vector<1xf32>
      %get3A_1228 = arith.constant 14 : i32
      %get3A_1229 = arith.index_cast %get3A_1228 : i32 to index
      %get3A_1230 = arith.constant 0 : index
      %get3A_1231 = tpu.vector_load %arg13[%get3A_1229, %get3A_1230] {strides = array<i32>} : memref<16x128xf32, #tpu.memory_space<vmem>>, vector<16xf32>,
      %mul3A_1232 = vector.broadcast %squeeze3A_1227 : f32 to vector<16xf32>
      %mul3A_1233 = arith.mulf %get3A_1231, %mul3A_1232 : vector<16xf32>
      %swap3A_1234 = arith.constant 14 : i32
      %swap3A_1235 = arith.index_cast %swap3A_1234 : i32 to index
      %swap3A_1236 = arith.constant 0 : index
      %swap3A_1237 = tpu.vector_load %arg13[%swap3A_1235, %swap3A_1236] {strides = array<i32>} : memref<16x128xf32, #tpu.memory_space<vmem>>, vector<16xf32>,
      tpu.vector_store %arg13[%swap3A_1235, %swap3A_1236], %mul3A_1233 {strides = array<i32>} : memref<16x128xf32, #tpu.memory_space<vmem>>, vector<16xf32>,
      %get3A_1238 = arith.constant 14 : i32
      %get3A_1239 = arith.index_cast %get3A_1238 : i32 to index
      %get3A_1240 = arith.constant 16 : index
      %get3A_1241 = tpu.vector_load %arg13[%get3A_1239, %get3A_1240] {strides = array<i32>} : memref<16x128xf32, #tpu.memory_space<vmem>>, vector<16xf32>,
      %mul3A_1242 = vector.broadcast %squeeze3A_1227 : f32 to vector<16xf32>
      %mul3A_1243 = arith.mulf %get3A_1241, %mul3A_1242 : vector<16xf32>
      %swap3A_1244 = arith.constant 14 : i32
      %swap3A_1245 = arith.index_cast %swap3A_1244 : i32 to index
      %swap3A_1246 = arith.constant 16 : index
      %swap3A_1247 = tpu.vector_load %arg13[%swap3A_1245, %swap3A_1246] {strides = array<i32>} : memref<16x128xf32, #tpu.memory_space<vmem>>, vector<16xf32>,
      tpu.vector_store %arg13[%swap3A_1245, %swap3A_1246], %mul3A_1243 {strides = array<i32>} : memref<16x128xf32, #tpu.memory_space<vmem>>, vector<16xf32>,
      %get3A_1248 = arith.constant 14 : i32
      %get3A_1249 = arith.index_cast %get3A_1248 : i32 to index
      %get3A_1250 = arith.constant 32 : index
      %get3A_1251 = tpu.vector_load %arg13[%get3A_1249, %get3A_1250] {strides = array<i32>} : memref<16x128xf32, #tpu.memory_space<vmem>>, vector<16xf32>,
      %mul3A_1252 = vector.broadcast %squeeze3A_1227 : f32 to vector<16xf32>
      %mul3A_1253 = arith.mulf %get3A_1251, %mul3A_1252 : vector<16xf32>
      %swap3A_1254 = arith.constant 14 : i32
      %swap3A_1255 = arith.index_cast %swap3A_1254 : i32 to index
      %swap3A_1256 = arith.constant 32 : index
      %swap3A_1257 = tpu.vector_load %arg13[%swap3A_1255, %swap3A_1256] {strides = array<i32>} : memref<16x128xf32, #tpu.memory_space<vmem>>, vector<16xf32>,
      tpu.vector_store %arg13[%swap3A_1255, %swap3A_1256], %mul3A_1253 {strides = array<i32>} : memref<16x128xf32, #tpu.memory_space<vmem>>, vector<16xf32>,
      %get3A_1258 = arith.constant 14 : i32
      %get3A_1259 = arith.index_cast %get3A_1258 : i32 to index
      %get3A_1260 = arith.constant 48 : index
      %get3A_1261 = tpu.vector_load %arg13[%get3A_1259, %get3A_1260] {strides = array<i32>} : memref<16x128xf32, #tpu.memory_space<vmem>>, vector<16xf32>,
      %mul3A_1262 = vector.broadcast %squeeze3A_1227 : f32 to vector<16xf32>
      %mul3A_1263 = arith.mulf %get3A_1261, %mul3A_1262 : vector<16xf32>
      %swap3A_1264 = arith.constant 14 : i32
      %swap3A_1265 = arith.index_cast %swap3A_1264 : i32 to index
      %swap3A_1266 = arith.constant 48 : index
      %swap3A_1267 = tpu.vector_load %arg13[%swap3A_1265, %swap3A_1266] {strides = array<i32>} : memref<16x128xf32, #tpu.memory_space<vmem>>, vector<16xf32>,
      tpu.vector_store %arg13[%swap3A_1265, %swap3A_1266], %mul3A_1263 {strides = array<i32>} : memref<16x128xf32, #tpu.memory_space<vmem>>, vector<16xf32>,
      %get3A_1268 = arith.constant 14 : i32
      %get3A_1269 = arith.index_cast %get3A_1268 : i32 to index
      %get3A_1270 = arith.constant 64 : index
      %get3A_1271 = tpu.vector_load %arg13[%get3A_1269, %get3A_1270] {strides = array<i32>} : memref<16x128xf32, #tpu.memory_space<vmem>>, vector<16xf32>,
      %mul3A_1272 = vector.broadcast %squeeze3A_1227 : f32 to vector<16xf32>
      %mul3A_1273 = arith.mulf %get3A_1271, %mul3A_1272 : vector<16xf32>
      %swap3A_1274 = arith.constant 14 : i32
      %swap3A_1275 = arith.index_cast %swap3A_1274 : i32 to index
      %swap3A_1276 = arith.constant 64 : index
      %swap3A_1277 = tpu.vector_load %arg13[%swap3A_1275, %swap3A_1276] {strides = array<i32>} : memref<16x128xf32, #tpu.memory_space<vmem>>, vector<16xf32>,
      tpu.vector_store %arg13[%swap3A_1275, %swap3A_1276], %mul3A_1273 {strides = array<i32>} : memref<16x128xf32, #tpu.memory_space<vmem>>, vector<16xf32>,
      %get3A_1278 = arith.constant 14 : i32
      %get3A_1279 = arith.index_cast %get3A_1278 : i32 to index
      %get3A_1280 = arith.constant 80 : index
      %get3A_1281 = tpu.vector_load %arg13[%get3A_1279, %get3A_1280] {strides = array<i32>} : memref<16x128xf32, #tpu.memory_space<vmem>>, vector<16xf32>,
      %mul3A_1282 = vector.broadcast %squeeze3A_1227 : f32 to vector<16xf32>
      %mul3A_1283 = arith.mulf %get3A_1281, %mul3A_1282 : vector<16xf32>
      %swap3A_1284 = arith.constant 14 : i32
      %swap3A_1285 = arith.index_cast %swap3A_1284 : i32 to index
      %swap3A_1286 = arith.constant 80 : index
      %swap3A_1287 = tpu.vector_load %arg13[%swap3A_1285, %swap3A_1286] {strides = array<i32>} : memref<16x128xf32, #tpu.memory_space<vmem>>, vector<16xf32>,
      tpu.vector_store %arg13[%swap3A_1285, %swap3A_1286], %mul3A_1283 {strides = array<i32>} : memref<16x128xf32, #tpu.memory_space<vmem>>, vector<16xf32>,
      %get3A_1288 = arith.constant 14 : i32
      %get3A_1289 = arith.index_cast %get3A_1288 : i32 to index
      %get3A_1290 = arith.constant 96 : index
      %get3A_1291 = tpu.vector_load %arg13[%get3A_1289, %get3A_1290] {strides = array<i32>} : memref<16x128xf32, #tpu.memory_space<vmem>>, vector<16xf32>,
      %mul3A_1292 = vector.broadcast %squeeze3A_1227 : f32 to vector<16xf32>
      %mul3A_1293 = arith.mulf %get3A_1291, %mul3A_1292 : vector<16xf32>
      %swap3A_1294 = arith.constant 14 : i32
      %swap3A_1295 = arith.index_cast %swap3A_1294 : i32 to index
      %swap3A_1296 = arith.constant 96 : index
      %swap3A_1297 = tpu.vector_load %arg13[%swap3A_1295, %swap3A_1296] {strides = array<i32>} : memref<16x128xf32, #tpu.memory_space<vmem>>, vector<16xf32>,
      tpu.vector_store %arg13[%swap3A_1295, %swap3A_1296], %mul3A_1293 {strides = array<i32>} : memref<16x128xf32, #tpu.memory_space<vmem>>, vector<16xf32>,
      %get3A_1298 = arith.constant 14 : i32
      %get3A_1299 = arith.index_cast %get3A_1298 : i32 to index
      %get3A_1300 = arith.constant 112 : index
      %get3A_1301 = tpu.vector_load %arg13[%get3A_1299, %get3A_1300] {strides = array<i32>} : memref<16x128xf32, #tpu.memory_space<vmem>>, vector<16xf32>,
      %mul3A_1302 = vector.broadcast %squeeze3A_1227 : f32 to vector<16xf32>
      %mul3A_1303 = arith.mulf %get3A_1301, %mul3A_1302 : vector<16xf32>
      %swap3A_1304 = arith.constant 14 : i32
      %swap3A_1305 = arith.index_cast %swap3A_1304 : i32 to index
      %swap3A_1306 = arith.constant 112 : index
      %swap3A_1307 = tpu.vector_load %arg13[%swap3A_1305, %swap3A_1306] {strides = array<i32>} : memref<16x128xf32, #tpu.memory_space<vmem>>, vector<16xf32>,
      tpu.vector_store %arg13[%swap3A_1305, %swap3A_1306], %mul3A_1303 {strides = array<i32>} : memref<16x128xf32, #tpu.memory_space<vmem>>, vector<16xf32>,
      %slice3A_1308 = vector.extract_strided_slice %mul3A_80 {offsets = [15], sizes = [1], strides = [1]} : vector<16xf32> to vector<1xf32>
      %squeeze3A_1309 = vector.extract %slice3A_1308[0] : f32 from vector<1xf32>
      %get3A_1310 = arith.constant 15 : i32
      %get3A_1311 = arith.index_cast %get3A_1310 : i32 to index
      %get3A_1312 = arith.constant 0 : index
      %get3A_1313 = tpu.vector_load %arg13[%get3A_1311, %get3A_1312] {strides = array<i32>} : memref<16x128xf32, #tpu.memory_space<vmem>>, vector<16xf32>,
      %mul3A_1314 = vector.broadcast %squeeze3A_1309 : f32 to vector<16xf32>
      %mul3A_1315 = arith.mulf %get3A_1313, %mul3A_1314 : vector<16xf32>
      %swap3A_1316 = arith.constant 15 : i32
      %swap3A_1317 = arith.index_cast %swap3A_1316 : i32 to index
      %swap3A_1318 = arith.constant 0 : index
      %swap3A_1319 = tpu.vector_load %arg13[%swap3A_1317, %swap3A_1318] {strides = array<i32>} : memref<16x128xf32, #tpu.memory_space<vmem>>, vector<16xf32>,
      tpu.vector_store %arg13[%swap3A_1317, %swap3A_1318], %mul3A_1315 {strides = array<i32>} : memref<16x128xf32, #tpu.memory_space<vmem>>, vector<16xf32>,
      %get3A_1320 = arith.constant 15 : i32
      %get3A_1321 = arith.index_cast %get3A_1320 : i32 to index
      %get3A_1322 = arith.constant 16 : index
      %get3A_1323 = tpu.vector_load %arg13[%get3A_1321, %get3A_1322] {strides = array<i32>} : memref<16x128xf32, #tpu.memory_space<vmem>>, vector<16xf32>,
      %mul3A_1324 = vector.broadcast %squeeze3A_1309 : f32 to vector<16xf32>
      %mul3A_1325 = arith.mulf %get3A_1323, %mul3A_1324 : vector<16xf32>
      %swap3A_1326 = arith.constant 15 : i32
      %swap3A_1327 = arith.index_cast %swap3A_1326 : i32 to index
      %swap3A_1328 = arith.constant 16 : index
      %swap3A_1329 = tpu.vector_load %arg13[%swap3A_1327, %swap3A_1328] {strides = array<i32>} : memref<16x128xf32, #tpu.memory_space<vmem>>, vector<16xf32>,
      tpu.vector_store %arg13[%swap3A_1327, %swap3A_1328], %mul3A_1325 {strides = array<i32>} : memref<16x128xf32, #tpu.memory_space<vmem>>, vector<16xf32>,
      %get3A_1330 = arith.constant 15 : i32
      %get3A_1331 = arith.index_cast %get3A_1330 : i32 to index
      %get3A_1332 = arith.constant 32 : index
      %get3A_1333 = tpu.vector_load %arg13[%get3A_1331, %get3A_1332] {strides = array<i32>} : memref<16x128xf32, #tpu.memory_space<vmem>>, vector<16xf32>,
      %mul3A_1334 = vector.broadcast %squeeze3A_1309 : f32 to vector<16xf32>
      %mul3A_1335 = arith.mulf %get3A_1333, %mul3A_1334 : vector<16xf32>
      %swap3A_1336 = arith.constant 15 : i32
      %swap3A_1337 = arith.index_cast %swap3A_1336 : i32 to index
      %swap3A_1338 = arith.constant 32 : index
      %swap3A_1339 = tpu.vector_load %arg13[%swap3A_1337, %swap3A_1338] {strides = array<i32>} : memref<16x128xf32, #tpu.memory_space<vmem>>, vector<16xf32>,
      tpu.vector_store %arg13[%swap3A_1337, %swap3A_1338], %mul3A_1335 {strides = array<i32>} : memref<16x128xf32, #tpu.memory_space<vmem>>, vector<16xf32>,
      %get3A_1340 = arith.constant 15 : i32
      %get3A_1341 = arith.index_cast %get3A_1340 : i32 to index
      %get3A_1342 = arith.constant 48 : index
      %get3A_1343 = tpu.vector_load %arg13[%get3A_1341, %get3A_1342] {strides = array<i32>} : memref<16x128xf32, #tpu.memory_space<vmem>>, vector<16xf32>,
      %mul3A_1344 = vector.broadcast %squeeze3A_1309 : f32 to vector<16xf32>
      %mul3A_1345 = arith.mulf %get3A_1343, %mul3A_1344 : vector<16xf32>
      %swap3A_1346 = arith.constant 15 : i32
      %swap3A_1347 = arith.index_cast %swap3A_1346 : i32 to index
      %swap3A_1348 = arith.constant 48 : index
      %swap3A_1349 = tpu.vector_load %arg13[%swap3A_1347, %swap3A_1348] {strides = array<i32>} : memref<16x128xf32, #tpu.memory_space<vmem>>, vector<16xf32>,
      tpu.vector_store %arg13[%swap3A_1347, %swap3A_1348], %mul3A_1345 {strides = array<i32>} : memref<16x128xf32, #tpu.memory_space<vmem>>, vector<16xf32>,
      %get3A_1350 = arith.constant 15 : i32
      %get3A_1351 = arith.index_cast %get3A_1350 : i32 to index
      %get3A_1352 = arith.constant 64 : index
      %get3A_1353 = tpu.vector_load %arg13[%get3A_1351, %get3A_1352] {strides = array<i32>} : memref<16x128xf32, #tpu.memory_space<vmem>>, vector<16xf32>,
      %mul3A_1354 = vector.broadcast %squeeze3A_1309 : f32 to vector<16xf32>
      %mul3A_1355 = arith.mulf %get3A_1353, %mul3A_1354 : vector<16xf32>
      %swap3A_1356 = arith.constant 15 : i32
      %swap3A_1357 = arith.index_cast %swap3A_1356 : i32 to index
      %swap3A_1358 = arith.constant 64 : index
      %swap3A_1359 = tpu.vector_load %arg13[%swap3A_1357, %swap3A_1358] {strides = array<i32>} : memref<16x128xf32, #tpu.memory_space<vmem>>, vector<16xf32>,
      tpu.vector_store %arg13[%swap3A_1357, %swap3A_1358], %mul3A_1355 {strides = array<i32>} : memref<16x128xf32, #tpu.memory_space<vmem>>, vector<16xf32>,
      %get3A_1360 = arith.constant 15 : i32
      %get3A_1361 = arith.index_cast %get3A_1360 : i32 to index
      %get3A_1362 = arith.constant 80 : index
      %get3A_1363 = tpu.vector_load %arg13[%get3A_1361, %get3A_1362] {strides = array<i32>} : memref<16x128xf32, #tpu.memory_space<vmem>>, vector<16xf32>,
      %mul3A_1364 = vector.broadcast %squeeze3A_1309 : f32 to vector<16xf32>
      %mul3A_1365 = arith.mulf %get3A_1363, %mul3A_1364 : vector<16xf32>
      %swap3A_1366 = arith.constant 15 : i32
      %swap3A_1367 = arith.index_cast %swap3A_1366 : i32 to index
      %swap3A_1368 = arith.constant 80 : index
      %swap3A_1369 = tpu.vector_load %arg13[%swap3A_1367, %swap3A_1368] {strides = array<i32>} : memref<16x128xf32, #tpu.memory_space<vmem>>, vector<16xf32>,
      tpu.vector_store %arg13[%swap3A_1367, %swap3A_1368], %mul3A_1365 {strides = array<i32>} : memref<16x128xf32, #tpu.memory_space<vmem>>, vector<16xf32>,
      %get3A_1370 = arith.constant 15 : i32
      %get3A_1371 = arith.index_cast %get3A_1370 : i32 to index
      %get3A_1372 = arith.constant 96 : index
      %get3A_1373 = tpu.vector_load %arg13[%get3A_1371, %get3A_1372] {strides = array<i32>} : memref<16x128xf32, #tpu.memory_space<vmem>>, vector<16xf32>,
      %mul3A_1374 = vector.broadcast %squeeze3A_1309 : f32 to vector<16xf32>
      %mul3A_1375 = arith.mulf %get3A_1373, %mul3A_1374 : vector<16xf32>
      %swap3A_1376 = arith.constant 15 : i32
      %swap3A_1377 = arith.index_cast %swap3A_1376 : i32 to index
      %swap3A_1378 = arith.constant 96 : index
      %swap3A_1379 = tpu.vector_load %arg13[%swap3A_1377, %swap3A_1378] {strides = array<i32>} : memref<16x128xf32, #tpu.memory_space<vmem>>, vector<16xf32>,
      tpu.vector_store %arg13[%swap3A_1377, %swap3A_1378], %mul3A_1375 {strides = array<i32>} : memref<16x128xf32, #tpu.memory_space<vmem>>, vector<16xf32>,
      %get3A_1380 = arith.constant 15 : i32
      %get3A_1381 = arith.index_cast %get3A_1380 : i32 to index
      %get3A_1382 = arith.constant 112 : index
      %get3A_1383 = tpu.vector_load %arg13[%get3A_1381, %get3A_1382] {strides = array<i32>} : memref<16x128xf32, #tpu.memory_space<vmem>>, vector<16xf32>,
      %mul3A_1384 = vector.broadcast %squeeze3A_1309 : f32 to vector<16xf32>
      %mul3A_1385 = arith.mulf %get3A_1383, %mul3A_1384 : vector<16xf32>
      %swap3A_1386 = arith.constant 15 : i32
      %swap3A_1387 = arith.index_cast %swap3A_1386 : i32 to index
      %swap3A_1388 = arith.constant 112 : index
      %swap3A_1389 = tpu.vector_load %arg13[%swap3A_1387, %swap3A_1388] {strides = array<i32>} : memref<16x128xf32, #tpu.memory_space<vmem>>, vector<16xf32>,
      tpu.vector_store %arg13[%swap3A_1387, %swap3A_1388], %mul3A_1385 {strides = array<i32>} : memref<16x128xf32, #tpu.memory_space<vmem>>, vector<16xf32>,
      "tpu.region"() ({
        %run_scoped3A = tpu.sem_alloc : memref<!tpu.dma_semaphore, #tpu.memory_space<semaphore_mem>>
        %dma_start3A_1391 = arith.constant 0 : i32
        %dma_start3A_1392 = arith.constant 0 : i32
        %dma_start3A_1393 = tpu.memref_slice %arg14[%dma_start3A_1391, %dma_start3A_1392] : memref<10240x128xf32, #tpu.memory_space<vmem_shared>> -> memref<10240x128xf32, #tpu.memory_space<vmem_shared>>
        tpu.enqueue_indirect_dma source(%arg13 : memref<16x128xf32, #tpu.memory_space<vmem>>) target(%dma_start3A_1393 : memref<10240x128xf32, #tpu.memory_space<vmem_shared>>) offsets(%get3A_72 : vector<16xi32>) semaphore(%run_scoped3A : memref<!tpu.dma_semaphore, #tpu.memory_space<semaphore_mem>>) {add = true}
        %dma_wait3A_1394 = arith.constant 0 : i32
        %dma_wait3A_1395 = arith.constant 0 : i32
        %dma_wait3A_1396 = tpu.memref_slice %arg14[%dma_wait3A_1394, %dma_wait3A_1395] : memref<10240x128xf32, #tpu.memory_space<vmem_shared>> -> memref<10240x128xf32, #tpu.memory_space<vmem_shared>>
        tpu.wait_indirect_dma semaphore(%run_scoped3A : memref<!tpu.dma_semaphore, #tpu.memory_space<semaphore_mem>>) src(%arg13 : memref<16x128xf32, #tpu.memory_space<vmem>>) dst(%dma_wait3A_1396 : memref<10240x128xf32, #tpu.memory_space<vmem_shared>>)
        tpu.yield
      }) : () -> ()
      %scan3A_1390 = arith.constant 0 : i32
      scf.yield %scan3A_1390 : i32
    }
    %scan3A_28 = arith.constant 640 : i32
    %barrier3A_29 = arith.constant 0 : index
    tpu.barrier barrier_id(%barrier3A_29)
    %mul3A_30 = arith.constant 640 : i32
    %mul3A_31 = arith.muli %arg1, %mul3A_30 : i32
    %mul3A_32 = arith.constant 640 : i32
    %mul3A_33 = arith.muli %arg1, %mul3A_32 : i32
    "tpu.region"() ({
      %run_scoped3A = tpu.sem_alloc : memref<!tpu.dma_semaphore, #tpu.memory_space<semaphore_mem>>
      %dma_start3A = arith.constant 0 : i32
      %dma_start3A_34 = tpu.memref_slice %arg8[%arg0, %mul3A_33, %dma_start3A] : memref<2x10240x128xf32, #tpu.memory_space<hbm>> -> memref<1x640x128xf32, #tpu.memory_space<hbm>>
      %dma_start3A_35 = tpu.memref_squeeze %dma_start3A_34 : memref<1x640x128xf32, #tpu.memory_space<hbm>> -> memref<640x128xf32, #tpu.memory_space<hbm>>
      %dma_start3A_36 = arith.constant 0 : i32
      %dma_start3A_37 = tpu.memref_slice %arg14[%mul3A_31, %dma_start3A_36] : memref<10240x128xf32, #tpu.memory_space<vmem_shared>> -> memref<640x128xf32, #tpu.memory_space<vmem_shared>>
      tpu.enqueue_dma source(%dma_start3A_37 : memref<640x128xf32, #tpu.memory_space<vmem_shared>>) target(%dma_start3A_35 : memref<640x128xf32, #tpu.memory_space<hbm>>) target_semaphore(%run_scoped3A : memref<!tpu.dma_semaphore, #tpu.memory_space<semaphore_mem>>)
      %dma_wait3A = arith.constant 0 : i32
      %dma_wait3A_38 = tpu.memref_slice %arg8[%arg0, %mul3A_33, %dma_wait3A] : memref<2x10240x128xf32, #tpu.memory_space<hbm>> -> memref<1x640x128xf32, #tpu.memory_space<hbm>>
      %dma_wait3A_39 = tpu.memref_squeeze %dma_wait3A_38 : memref<1x640x128xf32, #tpu.memory_space<hbm>> -> memref<640x128xf32, #tpu.memory_space<hbm>>
      %dma_wait3A_40 = arith.constant 0 : i32
      %dma_wait3A_41 = tpu.memref_slice %arg14[%mul3A_31, %dma_wait3A_40] : memref<10240x128xf32, #tpu.memory_space<vmem_shared>> -> memref<640x128xf32, #tpu.memory_space<vmem_shared>>
      tpu.wait_dma2 semaphore(%run_scoped3A : memref<!tpu.dma_semaphore, #tpu.memory_space<semaphore_mem>>) src(%dma_wait3A_41 : memref<640x128xf32, #tpu.memory_space<vmem_shared>>) dst(%dma_wait3A_39 : memref<640x128xf32, #tpu.memory_space<hbm>>)
      tpu.yield
    }) : () -> ()
    return
  }
}

module attributes {stable_mosaic.version = 14 : i64} {
  func.func @_tc_prep_body(%arg0: i32, %arg1: memref<1000x128xf32, #tpu.memory_space<vmem>>, %arg2: memref<128x128xf32, #tpu.memory_space<vmem>>, %arg3: memref<1x128xf32, #tpu.memory_space<vmem>>, %arg4: memref<1x128xf32, #tpu.memory_space<vmem>>, %arg5: memref<1000x128xf32, #tpu.memory_space<vmem>>, %arg6: memref<1000x1xf32, #tpu.memory_space<vmem>>, %arg7: memref<1000x1xf32, #tpu.memory_space<vmem>>) attributes {dimension_semantics = [#tpu.dimension_semantics<arbitrary>], iteration_bounds = array<i64: 10>, scalar_prefetch = 0 : i64, scratch_operands = 0 : i64, tpu.core_type = #tpu.core_type<tc>, window_params = [{transform_indices = @transform_0, window_bounds = array<i64: 1000, 128>}, {pipeline_mode = #tpu.pipeline_mode<synchronous>, transform_indices = @transform_1, window_bounds = array<i64: 128, 128>}, {pipeline_mode = #tpu.pipeline_mode<synchronous>, transform_indices = @transform_2, window_bounds = array<i64: 1, 128>}, {pipeline_mode = #tpu.pipeline_mode<synchronous>, transform_indices = @transform_3, window_bounds = array<i64: 1, 128>}, {transform_indices = @transform_4, window_bounds = array<i64: 1000, 128>}, {transform_indices = @transform_5, window_bounds = array<i64: 1000, 1>}, {transform_indices = @transform_6, window_bounds = array<i64: 1000, 1>}]} {
    %get3A = arith.constant 0 : index
    %get3A_0 = arith.constant 0 : index
    %get3A_1 = vector.load %arg1[%get3A, %get3A_0] : memref<1000x128xf32, #tpu.memory_space<vmem>>, vector<1000x128xf32>
    %get3A_2 = arith.constant 0 : index
    %get3A_3 = arith.constant 0 : index
    %get3A_4 = vector.load %arg2[%get3A_2, %get3A_3] : memref<128x128xf32, #tpu.memory_space<vmem>>, vector<128x128xf32>
    %dot_general3A = arith.constant dense<0.000000e+00> : vector<1000x128xf32>
    %dot_general3A_5 = tpu.matmul %get3A_1, %get3A_4, %dot_general3A {dimension_numbers = #tpu.dot_dimension_numbers<[1], [1], [0], [0], [0, 0, 1, 0], [], []>, transpose_lhs_hint = false} : vector<1000x128xf32>, vector<128x128xf32>, vector<1000x128xf32> -> vector<1000x128xf32>
    %swap3A = arith.constant 0 : index
    %swap3A_6 = arith.constant 0 : index
    %swap3A_7 = vector.load %arg5[%swap3A, %swap3A_6] : memref<1000x128xf32, #tpu.memory_space<vmem>>, vector<1000x128xf32>
    tpu.vector_store %arg5[%swap3A, %swap3A_6], %dot_general3A_5 {strides = array<i32>} : memref<1000x128xf32, #tpu.memory_space<vmem>>, vector<1000x128xf32>,
    %get3A_8 = arith.constant 0 : index
    %get3A_9 = arith.constant 0 : index
    %get3A_10 = vector.load %arg3[%get3A_8, %get3A_9] : memref<1x128xf32, #tpu.memory_space<vmem>>, vector<1x128xf32>
    %mul3A = vector.broadcast %get3A_10 : vector<1x128xf32> to vector<1000x128xf32>
    %mul3A_11 = arith.mulf %dot_general3A_5, %mul3A : vector<1000x128xf32>
    %reduce_sum3A = arith.constant dense<0.000000e+00> : vector<1000xf32>
    %reduce_sum3A_12 = vector.multi_reduction <add>, %mul3A_11, %reduce_sum3A [1] : vector<1000x128xf32> to vector<1000xf32>
    %broadcast_in_dim3A = vector.shape_cast %reduce_sum3A_12 : vector<1000xf32> to vector<1000x1xf32>
    %swap3A_13 = arith.constant 0 : index
    %swap3A_14 = arith.constant 0 : index
    %swap3A_15 = vector.load %arg6[%swap3A_13, %swap3A_14] : memref<1000x1xf32, #tpu.memory_space<vmem>>, vector<1000x1xf32>
    tpu.vector_store %arg6[%swap3A_13, %swap3A_14], %broadcast_in_dim3A {strides = array<i32>} : memref<1000x1xf32, #tpu.memory_space<vmem>>, vector<1000x1xf32>,
    %get3A_16 = arith.constant 0 : index
    %get3A_17 = arith.constant 0 : index
    %get3A_18 = vector.load %arg4[%get3A_16, %get3A_17] : memref<1x128xf32, #tpu.memory_space<vmem>>, vector<1x128xf32>
    %mul3A_19 = vector.broadcast %get3A_18 : vector<1x128xf32> to vector<1000x128xf32>
    %mul3A_20 = arith.mulf %dot_general3A_5, %mul3A_19 : vector<1000x128xf32>
    %reduce_sum3A_21 = arith.constant dense<0.000000e+00> : vector<1000xf32>
    %reduce_sum3A_22 = vector.multi_reduction <add>, %mul3A_20, %reduce_sum3A_21 [1] : vector<1000x128xf32> to vector<1000xf32>
    %broadcast_in_dim3A_23 = vector.shape_cast %reduce_sum3A_22 : vector<1000xf32> to vector<1000x1xf32>
    %swap3A_24 = arith.constant 0 : index
    %swap3A_25 = arith.constant 0 : index
    %swap3A_26 = vector.load %arg7[%swap3A_24, %swap3A_25] : memref<1000x1xf32, #tpu.memory_space<vmem>>, vector<1000x1xf32>
    tpu.vector_store %arg7[%swap3A_24, %swap3A_25], %broadcast_in_dim3A_23 {strides = array<i32>} : memref<1000x1xf32, #tpu.memory_space<vmem>>, vector<1000x1xf32>,
    return
  }
  func.func @transform_0(%arg0: i32) -> (i32, i32) {
    %c0_i32 = arith.constant 0 : i32
    %c0_i32_0 = arith.constant 0 : i32
    return %arg0, %c0_i32 : i32, i32
  }
  func.func @transform_1(%arg0: i32) -> (i32, i32) {
    %c0_i32 = arith.constant 0 : i32
    %c0_i32_0 = arith.constant 0 : i32
    %c0_i32_1 = arith.constant 0 : i32
    return %c0_i32, %c0_i32_0 : i32, i32
  }
  func.func @transform_2(%arg0: i32) -> (i32, i32) {
    %c0_i32 = arith.constant 0 : i32
    %c0_i32_0 = arith.constant 0 : i32
    %c0_i32_1 = arith.constant 0 : i32
    return %c0_i32, %c0_i32_0 : i32, i32
  }
  func.func @transform_3(%arg0: i32) -> (i32, i32) {
    %c0_i32 = arith.constant 0 : i32
    %c0_i32_0 = arith.constant 0 : i32
    %c0_i32_1 = arith.constant 0 : i32
    return %c0_i32, %c0_i32_0 : i32, i32
  }
  func.func @transform_4(%arg0: i32) -> (i32, i32) {
    %c0_i32 = arith.constant 0 : i32
    %c0_i32_0 = arith.constant 0 : i32
    return %arg0, %c0_i32 : i32, i32
  }
  func.func @transform_5(%arg0: i32) -> (i32, i32) {
    %c0_i32 = arith.constant 0 : i32
    %c0_i32_0 = arith.constant 0 : i32
    return %arg0, %c0_i32 : i32, i32
  }
  func.func @transform_6(%arg0: i32) -> (i32, i32) {
    %c0_i32 = arith.constant 0 : i32
    %c0_i32_0 = arith.constant 0 : i32
    return %arg0, %c0_i32 : i32, i32
  }
}

module attributes {stable_mosaic.version = 14 : i64} {
  func.func @_tc_sinv_body(%arg0: memref<2x10240xf32, #tpu.memory_space<vmem>>, %arg1: memref<1x10240xf32, #tpu.memory_space<vmem>>) attributes {dimension_semantics = [], scalar_prefetch = 0 : i64, scratch_operands = 0 : i64, tpu.core_type = #tpu.core_type<tc>} {
    %get3A = arith.constant 0 : index
    %get3A_0 = arith.constant 0 : index
    %get3A_1 = vector.load %arg0[%get3A, %get3A_0] : memref<2x10240xf32, #tpu.memory_space<vmem>>, vector<1x10240xf32>
    %get3A_2 = vector.shape_cast %get3A_1 : vector<1x10240xf32> to vector<10240xf32>
    %get3A_3 = arith.constant 1 : index
    %get3A_4 = arith.constant 0 : index
    %get3A_5 = vector.load %arg0[%get3A_3, %get3A_4] : memref<2x10240xf32, #tpu.memory_space<vmem>>, vector<1x10240xf32>
    %get3A_6 = vector.shape_cast %get3A_5 : vector<1x10240xf32> to vector<10240xf32>
    %add3A = arith.addf %get3A_2, %get3A_6 : vector<10240xf32>
    %add3A_7 = arith.constant 9.99999996E-13 : f32
    %add3A_8 = vector.broadcast %add3A_7 : f32 to vector<10240xf32>
    %add3A_9 = arith.addf %add3A, %add3A_8 : vector<10240xf32>
    %div3A = arith.constant 1.000000e+00 : f32
    %div3A_10 = vector.broadcast %div3A : f32 to vector<10240xf32>
    %div3A_11 = arith.divf %div3A_10, %add3A_9 : vector<10240xf32>
    %broadcast_in_dim3A = vector.shape_cast %div3A_11 : vector<10240xf32> to vector<1x10240xf32>
    %swap3A = arith.constant 0 : index
    %swap3A_12 = arith.constant 0 : index
    %swap3A_13 = vector.load %arg1[%swap3A, %swap3A_12] : memref<1x10240xf32, #tpu.memory_space<vmem>>, vector<1x10240xf32>
    tpu.vector_store %arg1[%swap3A, %swap3A_12], %broadcast_in_dim3A {strides = array<i32>} : memref<1x10240xf32, #tpu.memory_space<vmem>>, vector<1x10240xf32>,
    return
  }
}

module attributes {stable_mosaic.version = 14 : i64} {
  func.func @_tc_finish_body(%arg0: i32, %arg1: memref<1000x128xf32, #tpu.memory_space<vmem>>, %arg2: memref<1000x128xf32, #tpu.memory_space<vmem>>, %arg3: memref<1x128xf32, #tpu.memory_space<vmem>>, %arg4: memref<1000x128xf32, #tpu.memory_space<vmem>>) attributes {dimension_semantics = [#tpu.dimension_semantics<arbitrary>], iteration_bounds = array<i64: 10>, scalar_prefetch = 0 : i64, scratch_operands = 0 : i64, tpu.core_type = #tpu.core_type<tc>, window_params = [{transform_indices = @transform_0, window_bounds = array<i64: 1000, 128>}, {transform_indices = @transform_1, window_bounds = array<i64: 1000, 128>}, {pipeline_mode = #tpu.pipeline_mode<synchronous>, transform_indices = @transform_2, window_bounds = array<i64: 1, 128>}, {transform_indices = @transform_3, window_bounds = array<i64: 1000, 128>}]} {
    %get3A = arith.constant 0 : index
    %get3A_0 = arith.constant 0 : index
    %get3A_1 = vector.load %arg1[%get3A, %get3A_0] : memref<1000x128xf32, #tpu.memory_space<vmem>>, vector<1000x128xf32>
    %get3A_2 = arith.constant 0 : index
    %get3A_3 = arith.constant 0 : index
    %get3A_4 = vector.load %arg2[%get3A_2, %get3A_3] : memref<1000x128xf32, #tpu.memory_space<vmem>>, vector<1000x128xf32>
    %add3A = arith.addf %get3A_1, %get3A_4 : vector<1000x128xf32>
    %get3A_5 = arith.constant 0 : index
    %get3A_6 = arith.constant 0 : index
    %get3A_7 = vector.load %arg3[%get3A_5, %get3A_6] : memref<1x128xf32, #tpu.memory_space<vmem>>, vector<1x128xf32>
    %add3A_8 = vector.broadcast %get3A_7 : vector<1x128xf32> to vector<1000x128xf32>
    %add3A_9 = arith.addf %add3A, %add3A_8 : vector<1000x128xf32>
    %swap3A = arith.constant 0 : index
    %swap3A_10 = arith.constant 0 : index
    %swap3A_11 = vector.load %arg4[%swap3A, %swap3A_10] : memref<1000x128xf32, #tpu.memory_space<vmem>>, vector<1000x128xf32>
    tpu.vector_store %arg4[%swap3A, %swap3A_10], %add3A_9 {strides = array<i32>} : memref<1000x128xf32, #tpu.memory_space<vmem>>, vector<1000x128xf32>,
    return
  }
  func.func @transform_0(%arg0: i32) -> (i32, i32) {
    %c0_i32 = arith.constant 0 : i32
    %c0_i32_0 = arith.constant 0 : i32
    return %arg0, %c0_i32 : i32, i32
  }
  func.func @transform_1(%arg0: i32) -> (i32, i32) {
    %c0_i32 = arith.constant 0 : i32
    %c0_i32_0 = arith.constant 0 : i32
    return %arg0, %c0_i32 : i32, i32
  }
  func.func @transform_2(%arg0: i32) -> (i32, i32) {
    %c0_i32 = arith.constant 0 : i32
    %c0_i32_0 = arith.constant 0 : i32
    %c0_i32_1 = arith.constant 0 : i32
    return %c0_i32, %c0_i32_0 : i32, i32
  }
  func.func @transform_3(%arg0: i32) -> (i32, i32) {
    %c0_i32 = arith.constant 0 : i32
    %c0_i32_0 = arith.constant 0 : i32
    return %arg0, %c0_i32 : i32, i32
  }
}

</mosaic_0001>

<sc_bundles>
// kernel: kernel.10.cloned.1.call-start
scs
__scs_entry_jumppad:
0x0: {  	(pc) =	sbr.rel $0x88, $3  }
0x1: {  	(tag) =	ssettag $0x0;
	lr =	simm.s32 $0x1  }
0x2: {  	[smem:$0x3F9B] =	sst lr;
	_ =	strace $0xD0000000  }
0x3: {  	_ = 	snop  }
0x4: {  	_ = 	snop  }
0x5: {  	_ = 	snop  }
0x6: {  	_ = 	snop  }
0x7: {  	_ = 	snop  }
__scs_overlays_trampoline_lowered:
0x8: {  	[smem:$0x3FAA] =	sst s0  }
0x9: {  	[smem:$0x3FAB] =	sst s1  }
0xa: {  	[smem:$0x3FAC] =	sst s2  }
0xb: {  	[smem:$0x3FAD] =	sst s3  }
0xc: {  	[smem:$0x3FAE] =	sst s4  }
0xd: {  	[smem:$0x3FAF] =	sst s5  }
0xe: {  	[smem:$0x3FB0] =	sst s6  }
0xf: {  	[smem:$0x3FB1] =	sst s7  }
0x10: {  	[smem:$0x3FB2] =	sst s8  }
0x11: {  	[smem:$0x3FB3] =	sst s9;
	s0 =	simm.s32 @!p0 $0x0  }
0x12: {  	s1 =	sld [smem:$0x3F99];
	s0 =	simm.s32 @p0 $0x1  }
0x13: {  	[smem:$0x3FB4] =	sst s0;
	s0 =	simm.s32 @!p1 $0x0  }
0x14: {  	s2 =	sld [smem:$0x3F98];
	s0 =	simm.s32 @p1 $0x1  }
0x15: {  	[smem:$0x3FB5] =	sst s0;
	s0 =	simm.s32 @!p2 $0x0  }
0x16: {  	s3 =	sld [smem:$0x3FDB];
	s0 =	simm.s32 @p2 $0x1  }
0x17: {  	s4 =	simm.s32 $0x1BF5;
	[smem:$0x3FB7] =	sst s0  }
0x18: {  	s0 =	sld [smem:$0x3F9A];
	_ =	swait.ge [sflag:s4], $0x0  }
0x19: {  	s7 =	sld [smem:$0x3F9B]  }
0x1a: {  	s8 =	sadd.s32 $0xFFFFE003, lr  }
0x1b: {  	s9 =	sadd.s32 $0xFFFFFEF7, lr;
	s5 =	simm.s32 $0xFFFFFFFF;
	p2 =	slt.u32 s8, $0xFFFFF086  }
0x1c: {  	p1 =	slt.u32 s9, $0xF7A;
	s5 =	simm.s32 @!p2 $0x0  }
0x1d: {  	s5 =	simm.s32 @p1 $0x1;
	p0 =	seq.s32 s7, s2  }
0x1e: {  	s7 =	smul.u32 @!p0 $0xF7A, s2;
	p2 =	seq.s32 @!p0 s5, $0x0  }
0x1f: {  	s9 =	smul.u32 $0xF7A, s1;
	s8 =	simm.s32 @!p0 $0x1BF5;
	p2 =	por !p2, p0  }
0x20: {  	[sflag:s8] =	ssyncset.s32 @!p0 $0xFFFFF086;
	s6 =	sadd.s32 @!p0 s3, s7;
	s7 =	simm.s32 @!p0 $0x108  }
0x21: {  	s3 =	sadd.s32 s3, s9;
	s6 =	sadd.s32 @!p0 $0x88, s6;
	s7 =	simm.s32 @p2 $0x1082  }
0x22: {  	[simem:s7], [sflag:s8] =	dma.local @!p0 [hbm:s6], $0xF7A  }
0x23: {  	s9 =	sor.u32 $0xD0000000, s2;
	s6 =	simm.s32 $0x108;
	_ =	swait.ge @!p0 [sflag:s8], $0x0  }
0x24: {  	s3 =	sadd.s32 $0x88, s3;
	s6 =	simm.s32 @!p1 $0x1082;
	[sflag:s4] =	ssyncset.s32 $0xFFFFF086  }
0x25: {  	[simem:s6], [sflag:s4] =	dma.local [hbm:s3], $0xF7A  }
0x26: {  	[smem:$0x3F9B] =	sst s1;
	(tag) =	ssettag s2;
	_ =	strace s9  }
0x27: {  	s1 =	sld [smem:$0x3FAB]  }
0x28: {  	s2 =	sld [smem:$0x3FAC]  }
0x29: {  	s4 =	sld [smem:$0x3FAE]  }
0x2a: {  	p0 =	seq.s32 s5, $0x0;
	s5 =	sld [smem:$0x3FAF]  }
0x2b: {  	s6 =	sld [smem:$0x3FB0]  }
0x2c: {  	s7 =	sld [smem:$0x3FB1]  }
0x2d: {  	s3 =	simm.s32 $0x108;
	s8 =	sld [smem:$0x3FB2]  }
0x2e: {  	s3 =	simm.s32 @!p0 $0x1082;
	s9 =	sld [smem:$0x3FB3]  }
0x2f: {  	lr =	sadd.s32 s0, s3;
	s0 =	sld [smem:$0x3FAA]  }
0x30: {  	s3 =	sld [smem:$0x3FAD]  }
0x31: {  	[smem:$0x3FB6] =	sst s10  }
0x32: {  	s10 =	sld [smem:$0x3FB4];
	_ =	sdelay $0x3  }
0x33: {  	p0 =	seq.s32 s10, $0x1;
	s10 =	sld [smem:$0x3FB6];
	_ =	sdelay $0x3  }
0x34: {  	[smem:$0x3FB6] =	sst s10  }
0x35: {  	s10 =	sld [smem:$0x3FB5];
	_ =	sdelay $0x3  }
0x36: {  	p1 =	seq.s32 s10, $0x1;
	s10 =	sld [smem:$0x3FB6];
	_ =	sdelay $0x3  }
0x37: {  	[smem:$0x3FB6] =	sst s10  }
0x38: {  	s10 =	sld [smem:$0x3FB7]  }
0x39: {  	_ = 	snop;
	(pc) =	sbr.ind lr, $3  }
0x3a: {  	_ = 	snop  }
0x3b: {  	_ = 	snop  }
0x3c: {  	p2 =	seq.s32 s10, $0x1;
	s10 =	sld [smem:$0x3FB6]  }
0x3d: {  	_ =	shalt  }
0x3e: {  	_ =	shalt  }
0x3f: {  	_ =	shalt  }
0x40: {  	_ =	shalt  }
0x41: {  	_ =	shalt  }
0x42: {  	_ =	shalt  }
0x43: {  	_ =	shalt  }
0x44: {  	_ =	shalt  }
0x45: {  	_ =	shalt  }
0x46: {  	_ =	shalt  }
0x47: {  	_ =	shalt  }
0x48: {  	_ =	shalt  }
0x49: {  	_ =	shalt  }
0x4a: {  	_ =	shalt  }
0x4b: {  	_ =	shalt  }
0x4c: {  	_ =	shalt  }
0x4d: {  	_ =	shalt  }
0x4e: {  	_ =	shalt  }
0x4f: {  	_ =	shalt  }
0x50: {  	_ =	shalt  }
0x51: {  	_ =	shalt  }
0x52: {  	_ =	shalt  }
0x53: {  	_ =	shalt  }
0x54: {  	_ =	shalt  }
0x55: {  	_ =	shalt  }
0x56: {  	_ =	shalt  }
0x57: {  	_ =	shalt  }
0x58: {  	_ =	shalt  }
0x59: {  	_ =	shalt  }
0x5a: {  	_ =	shalt  }
0x5b: {  	_ =	shalt  }
0x5c: {  	_ =	shalt  }
0x5d: {  	_ =	shalt  }
0x5e: {  	_ =	shalt  }
0x5f: {  	_ =	shalt  }
0x60: {  	_ =	shalt  }
0x61: {  	_ =	shalt  }
0x62: {  	_ =	shalt  }
0x63: {  	_ =	shalt  }
0x64: {  	_ =	shalt  }
0x65: {  	_ =	shalt  }
0x66: {  	_ =	shalt  }
0x67: {  	_ =	shalt  }
0x68: {  	_ =	shalt  }
0x69: {  	_ =	shalt  }
0x6a: {  	_ =	shalt  }
0x6b: {  	_ =	shalt  }
0x6c: {  	_ =	shalt  }
0x6d: {  	_ =	shalt  }
0x6e: {  	_ =	shalt  }
0x6f: {  	_ =	shalt  }
0x70: {  	_ =	shalt  }
0x71: {  	_ =	shalt  }
0x72: {  	_ =	shalt  }
0x73: {  	_ =	shalt  }
0x74: {  	_ =	shalt  }
0x75: {  	_ =	shalt  }
0x76: {  	_ =	shalt  }
0x77: {  	_ =	shalt  }
0x78: {  	_ =	shalt  }
0x79: {  	_ =	shalt  }
0x7a: {  	_ =	shalt  }
0x7b: {  	_ =	shalt  }
0x7c: {  	_ =	shalt  }
0x7d: {  	_ =	shalt  }
0x7e: {  	_ =	shalt  }
0x7f: {  	_ =	shalt  }
0x80: {  	_ =	shalt  }
0x81: {  	_ =	shalt  }
0x82: {  	_ =	shalt  }
0x83: {  	_ =	shalt  }
0x84: {  	_ =	shalt  }
0x85: {  	_ =	shalt  }
0x86: {  	_ =	shalt  }
0x87: {  	_ =	shalt  }
.Lfunc_end0:
.L_simem_size_0:
called_computation.1_lowered:
.L_overlay_start_0:
0x88: {  	s2 =	sld [smem:$0x3FD9]  }
0x89: {  	s3 =	sld [smem:$0x3FFE];
	_ =	sdelay $0x1  }
0x8a: {  	s1 =	srdreg.scid  }
0x8b: {  	s0 =	sand.u32 $0x1, s1  }
0x8c: {  	s17 =	sshll.u32 s0, $0xA;
	s2 =	sadd.s32 s3, s2  }
0x8d: {  	s2 =	sadd.s32 s2, s17  }
0x8e: {  	[smem:$0x3FC2] =	sst s2  }
0x8f: {  	_ = 	snop  }
0x90: {  	s2 =	sld [smem:$0x3FD0];
	(tm) =	ssettm $0x1  }
0x91: {  	s18 =	sld [smem:$0x3FFB];
	_ =	sdelay $0x3  }
0x92: {  	_ =	strace s18  }
0x93: {  	s3 =	sld [smem:$0x3FFC];
	_ =	sdelay $0x3  }
0x94: {  	_ =	strace s3  }
0x95: {  	s3 =	sld [smem:$0x3FFD];
	_ =	sdelay $0x3  }
0x96: {  	_ =	strace s3  }
0x97: {  	_ =	strace $0x8FFFFFFF  }
0x98: {  	s19 =	sld [smem:$0x3FDB];
	_ =	sdelay $0x1  }
0x99: {  	s4 =	simm.s32 $_scs_section_size  }
0x9a: {  	s5 =	simm.s32 $_size__tile_overlayer_lowered;
	s6 =	simm.s32 $_tile_overlayer_lowered  }
0x9b: {  	s22 =	simm.s32 $0x1BFF;
	s21 =	sshll.u32 s6, $0x1;
	s3 =	sadd.s32 s4, s19  }
0x9c: {  	s7 =	simm.s32 $0x0;
	s20 =	sshll.u32 s5, $0x1;
	s5 =	sadd.s32 s21, s3  }
0x9d: {  	[timem:s7], [sflag:s22] =	dma.local [hbm:s5], s20  }
0x9e: {  	_ =	swait.ge [sflag:s22], s20  }
0x9f: {  	s4 =	ssub.s32 $0x0, s20;
	[sflag:s22] =	ssyncset.done $0x0  }
0xa0: {  	[sflag:s22] =	ssyncadd.s32 s4;
	_ =	sdelay $0x1  }
0xa1: {  	s23 =	simm.s32 $0x1B8B  }
0xa2: {  	_ =	swait.ge [sflag:s23], $0x1  }
0xa3: {  	[sflag:s23] =	ssyncset.done $0x0  }
0xa4: {  	s25 =	simm.s32 $0x1B8E;
	s24 =	sld [smem:$0x3FFE];
	[sflag:s23] =	ssyncadd.s32 $0xFFFFFFFF  }
0xa5: {  	s26 =	simm.s32 $execute0_lowered;
	[smem:$0x3FD2] =	sst s25  }
0xa6: {  	s5 =	sshll.u32 s26, $0x1;
	_ =	strace $0x80000049;
	[dreg:$0x1] =	wrdreg $0xFFFFFFFF  }
0xa7: {  	s28 =	simm.s32 $_size_execute0_lowered;
	s3 =	sadd.s32 s3, s5;
	[dreg:$0x0] =	wrdreg $0x0  }
0xa8: {  	s5 =	sshll.u32 s28, $0x1;
	[dreg:$0x2] =	wrdreg s3  }
0xa9: {  	[dreg:$0x3] =	wrdreg s5  }
0xaa: {  	[dreg:$0x4] =	wrdreg $0xC0  }
0xab: {  	_ =	task [dreg:s7], $0x5FFFF  }
0xac: {  	[dreg:$0x1] =	wrdreg $0xFFFFFFFF  }
0xad: {  	[dreg:$0x0] =	wrdreg $0x60  }
0xae: {  	[dreg:$0x2] =	wrdreg s2  }
0xaf: {  	[dreg:$0x3] =	wrdreg s24  }
0xb0: {  	[dreg:$0x4] =	wrdreg $0xA8000  }
0xb1: {  	[dreg:$0x5] =	wrdreg $0x9  }
0xb2: {  	_ =	task.clear_ibuf [dreg:s7], $0x6FFFF;
	_ =	strace $0x90000049  }
0xb3: {  	s29 =	simm.s32 $0x9;
	_ =	strace $0x8000004B  }
0xb4: {  	_ =	swait.ge [sflag:s29], $0x1  }
0xb5: {  	[sflag:s29] =	ssyncadd.s32 $0xFFFFFFFF  }
0xb6: {  	_ =	strace $0x9000004B  }
0xb7: {  	_ =	sfence  }
0xb8: {  	s30 =	sld [smem:$0x0];
	_ =	sdelay $0x2  }
0xb9: {  	s31 =	sshll.u32 s1, $0xD;
	s1 =	sshrl.u32 s1, $0x2  }
0xba: {  	s3 =	sand.u32 $0x4000, s31;
	s1 =	sadd.s32 s1, s30  }
0xbb: {  	s0 =	sor.u32 s3, s0;
	s1 =	sshll.u32 s1, $0x11  }
0xbc: {  	s0 =	sor.u32 s1, s0  }
0xbd: {  	s0 =	sadd.s32 $0x8F2B, s0  }
0xbe: {  	[sflag:s0] =	ssyncadd.remote.s32 $0x1  }
0xbf: {  	_ =	sfence.sel $0xFFFF  }
0xc0: {  	[dreg:$0x0] =	wrdreg $0xFFFFFFFF;
	(pc) =	sbr.abs _section_cstart, $3  }
0xc1: {  	[dreg:$0x1] =	wrdreg $0xFFFFFFFF  }
0xc2: {  	_ =	task.clear_ibuf [dreg:s7], $0x2FFFF;
	_ =	strace $0x9FFFFFFF  }
0xc3: {  	(tm) =	ssettm $0x7FFFFFFF  }
tec
execute0_lowered:
.L_overlay_start_1:
0x0: {  	(tag) =	ssettag $0x1  }
0x1: {  	s2 =	rddreg [dreg:$0x0]  }
0x2: {  	s8 =	rddreg [dreg:$0x1]  }
0x3: {  	s0 =	srdreg.scid;
	s3 =	rddreg [dreg:$0x2];
	s4 =	simm.s32 $0x0  }
0x4: {  	s19 =	simm.s32 $0x2800;
	s20 =	simm.s32 $0x5000;
	s21 =	simm.s32 $0x7800  }
0x5: {  	s22 =	simm.s32 $0xA000;
	s23 =	simm.s32 $0x1;
	s7 =	sand.u32 $0x1, s0  }
0x6: {  	s24 =	simm.s32 $0x0;
	s0 =	stileid.u32;
	s6 =	smul.u32 $0x140000, s7  }
0x7: {  	[smem:$0x7FF] =	sst s4;
	s1 =	sshll.u32 s7, $0x4;
	s9 =	smul.u32 $0x14000, s0  }
0x8: {  	s11 =	smul.u32 $0x50000, s0;
	s7 =	ssub.s32 $0x2, s7;
	s1 =	sor.u32 s0, s1  }
0x9: {  	s31 =	sshll.u32 s0, $0x6;
	s29 =	sshrl.u32 s7, $0x1;
	s5 =	smul.u32 $0x500, s1  }
0xa: {  	s1 =	rddreg [dreg:$0x3];
	_ =	strace $0x8000004A;
	s6 =	sadd.s32 s9, s6  }
0xb: {  	s30 =	sshrl.u32 s11, $0x2;
	s13 =	ssub.s32 s7, s29;
	s7 =	sor.u32 $0x1C02, s31  }
0xc: {  	s9 =	sshrl.u32 s6, $0x3;
	s6 =	sadd.s32 $0xE00, s8;
	s14 =	sadd.s32 s30, s3  }
0xd: {  	s10 =	sadd.s32 s5, s8;
	s5 =	sadd.s32 $0x15A00, s8;
	s12 =	sadd.s32 s9, s8  }
0xe: {  	s15 =	sadd.s32 $0x4000, s14;
	s16 =	sadd.s32 $0x8000, s14;
	s17 =	sadd.s32 $0xC000, s14  }
0xf: {  	s18 =	sadd.s32 $0x10000, s14;
	s8 =	sadd.s32 $0xBA00, s10;
	s9 =	sadd.s32 $0x1A00, s10  }
0x10: {  	s10 =	sadd.s32 $0x16400, s10;
	s11 =	sadd.s32 $0x20400, s12;
	s12 =	smax.u32 s13, $0x1  }
0x11: {  	s13 =	sshrl.u32 s14, $0x3;
	s14 =	simm.s32 $0x2;
	s15 =	sshrl.u32 s15, $0x3  }
0x12: {  	vm0 =	vmmov $0xffff;
	s16 =	sshrl.u32 s16, $0x3;
	s17 =	sshrl.u32 s17, $0x3;
	s18 =	sshrl.u32 s18, $0x3  }
.LBB2_1:
0x13: {  	[spmem:s13], [sflag:s7] =	dma.local [hbm:s6], $0x800  }
0x14: {  	_ =	swait.ge [sflag:s14], $0x800  }
0x15: {  	[sflag:s14] =	ssyncset.done $0x0  }
0x16: {  	[sflag:s14] =	ssyncadd.s32 $0xFFFFF800  }
0x17: {  	[spmem:s15], [sflag:s7] =	dma.local [hbm:s6], $0x800  }
0x18: {  	_ =	swait.ge [sflag:s14], $0x800  }
0x19: {  	[sflag:s14] =	ssyncset.done $0x0  }
0x1a: {  	[sflag:s14] =	ssyncadd.s32 $0xFFFFF800  }
0x1b: {  	[spmem:s16], [sflag:s7] =	dma.local [hbm:s6], $0x800  }
0x1c: {  	_ =	swait.ge [sflag:s14], $0x800  }
0x1d: {  	[sflag:s14] =	ssyncset.done $0x0  }
0x1e: {  	[sflag:s14] =	ssyncadd.s32 $0xFFFFF800  }
0x1f: {  	[spmem:s17], [sflag:s7] =	dma.local [hbm:s6], $0x800  }
0x20: {  	_ =	swait.ge [sflag:s14], $0x800  }
0x21: {  	[sflag:s14] =	ssyncset.done $0x0  }
0x22: {  	[sflag:s14] =	ssyncadd.s32 $0xFFFFF800  }
0x23: {  	[spmem:s18], [sflag:s7] =	dma.local [hbm:s6], $0x800  }
0x24: {  	_ =	swait.ge [sflag:s14], $0x800  }
0x25: {  	[sflag:s14] =	ssyncset.done $0x0  }
0x26: {  	[sflag:s14] =	ssyncadd.s32 $0xFFFFF800  }
0x27: {  	[tilespmem:s4], [sflag:$0x2] =	stream.linear.gather [hbm4b:s5+s4], $0x2800, $0x38;
	[tilespmem:$0x1E800] =	vst v63  }
0x28: {  	_ =	swait.ge [sflag:s14], $0x2800  }
0x29: {  	[sflag:s14] =	ssyncset.done $0x0  }
0x2a: {  	[sflag:s14] =	ssyncadd.s32 $0xFFFFD800  }
0x2b: {  	[tilespmem:s19], [sflag:$0x2] =	stream.linear.gather [hbm4b:s8+s4], $0x2800, $0x38;
	[tilespmem:$0x1E800] =	vst v63  }
0x2c: {  	_ =	swait.ge [sflag:s14], $0x2800  }
0x2d: {  	[sflag:s14] =	ssyncset.done $0x0  }
0x2e: {  	[sflag:s14] =	ssyncadd.s32 $0xFFFFD800  }
0x2f: {  	[tilespmem:s20], [sflag:$0x2] =	stream.linear.gather [hbm4b:s9+s4], $0x2800, $0x38;
	[tilespmem:$0x1E800] =	vst v63  }
0x30: {  	_ =	swait.ge [sflag:s14], $0x2800  }
0x31: {  	[sflag:s14] =	ssyncset.done $0x0  }
0x32: {  	[sflag:s14] =	ssyncadd.s32 $0xFFFFD800  }
0x33: {  	[tilespmem:s21], [sflag:$0x2] =	stream.linear.gather [hbm4b:s10+s4], $0x2800, $0x38;
	[tilespmem:$0x1E800] =	vst v63  }
0x34: {  	_ =	swait.ge [sflag:s14], $0x2800  }
0x35: {  	[sflag:s14] =	ssyncset.done $0x0  }
0x36: {  	[sflag:s14] =	ssyncadd.s32 $0xFFFFD800  }
0x37: {  	s25 =	simm.s32 $0x0;
	[bflag:$0x0] =	sbarrier.arrive $0xFFFF  }
.LBB2_2:
0x38: {  	s26 =	sshra.s32 s25, $0x2  }
0x39: {  	v1 =	vld [tilespmem:s26+$0x2800];
	_ =	sdelay $0x4  }
0x3a: {  	v0 =	vld [tilespmem:s26+$0x5000];
	_ =	sdelay $0x2  }
0x3b: {  	[tilespmem:s22], [sflag:$0x1] =	stream.indirect_vreg.gather [hbm4b:s2+s4], $0x80, v1, vm0, $0xb8;
	[tilespmem:$0x1E800] =	vst v63  }
0x3c: {  	_ =	swait.ge [sflag:s23], $0x800  }
0x3d: {  	[sflag:s23] =	ssyncset.done $0x0  }
0x3e: {  	[sflag:s23] =	ssyncadd.s32 $0xFFFFF800  }
0x3f: {  	v11 =	vld [tilespmem:s26+$0x7800]  }
0x40: {  	v2 =	vld.idx.msk [tilespmem:v0+s4+$0x0], $0xffff;
	_ =	sdelay $0x3  }
0x41: {  	v3 =	vld [tilespmem:$0xA000]  }
0x42: {  	v12 =	vld [tilespmem:$0xA010];
	v1 =	vmul.f32 v2, v11  }
0x43: {  	v4 =	vld [tilespmem:$0xA020]  }
0x44: {  	v6 =	vld [tilespmem:$0xA030];
	v5 =	vbroadcast v1, $0x0  }
0x45: {  	v7 =	vld [tilespmem:$0xA040]  }
0x46: {  	v8 =	vld [tilespmem:$0xA050];
	v3 =	vmul.f32 v5, v3  }
0x47: {  	v9 =	vld [tilespmem:$0xA060];
	v2 =	vmul.f32 v12, v5  }
0x48: {  	v14 =	vld [tilespmem:$0xA070];
	v13 =	vmul.f32 v4, v5;
	[tilespmem:$0xA000] =	vst v3  }
0x49: {  	v16 =	vld [tilespmem:$0xA080];
	v15 =	vmul.f32 v6, v5;
	[tilespmem:$0xA010] =	vst v2  }
0x4a: {  	v18 =	vld [tilespmem:$0xA090];
	v17 =	vmul.f32 v7, v5;
	[tilespmem:$0xA020] =	vst v13  }
0x4b: {  	v20 =	vld [tilespmem:$0xA0A0];
	v19 =	vmul.f32 v8, v5;
	[tilespmem:$0xA030] =	vst v15  }
0x4c: {  	v10 =	vld [tilespmem:$0xA0B0];
	v22 =	vbroadcast v1, $0x1;
	v21 =	vmul.f32 v9, v5;
	[tilespmem:$0xA040] =	vst v17  }
0x4d: {  	v24 =	vld [tilespmem:$0xA0C0];
	v23 =	vmul.f32 v14, v5;
	[tilespmem:$0xA050] =	vst v19  }
0x4e: {  	v26 =	vld [tilespmem:$0xA0D0];
	v25 =	vmul.f32 v16, v22;
	[tilespmem:$0xA060] =	vst v21  }
0x4f: {  	v28 =	vld [tilespmem:$0xA0E0];
	v27 =	vmul.f32 v18, v22;
	[tilespmem:$0xA070] =	vst v23  }
0x50: {  	v30 =	vld [tilespmem:$0xA0F0];
	v29 =	vmul.f32 v20, v22;
	[tilespmem:$0xA080] =	vst v25  }
0x51: {  	v32 =	vld [tilespmem:$0xA100];
	v31 =	vmul.f32 v10, v22;
	[tilespmem:$0xA090] =	vst v27  }
0x52: {  	v34 =	vld [tilespmem:$0xA110];
	v33 =	vmul.f32 v24, v22;
	[tilespmem:$0xA0A0] =	vst v29  }
0x53: {  	v36 =	vld [tilespmem:$0xA120];
	v35 =	vmul.f32 v26, v22;
	[tilespmem:$0xA0B0] =	vst v31  }
0x54: {  	v39 =	vld [tilespmem:$0xA130];
	v38 =	vbroadcast v1, $0x2;
	v37 =	vmul.f32 v28, v22;
	[tilespmem:$0xA0C0] =	vst v33  }
0x55: {  	v41 =	vld [tilespmem:$0xA140];
	v40 =	vmul.f32 v30, v22;
	[tilespmem:$0xA0D0] =	vst v35  }
0x56: {  	v43 =	vld [tilespmem:$0xA150];
	v42 =	vmul.f32 v32, v38;
	[tilespmem:$0xA0E0] =	vst v37  }
0x57: {  	v45 =	vld [tilespmem:$0xA160];
	v44 =	vmul.f32 v34, v38;
	[tilespmem:$0xA0F0] =	vst v40  }
0x58: {  	v47 =	vld [tilespmem:$0xA170];
	v46 =	vmul.f32 v36, v38;
	[tilespmem:$0xA100] =	vst v42  }
0x59: {  	v49 =	vld [tilespmem:$0xA180];
	v48 =	vmul.f32 v39, v38;
	[tilespmem:$0xA110] =	vst v44  }
0x5a: {  	v51 =	vld [tilespmem:$0xA190];
	v50 =	vmul.f32 v41, v38;
	[tilespmem:$0xA120] =	vst v46  }
0x5b: {  	v53 =	vld [tilespmem:$0xA1A0];
	v52 =	vmul.f32 v43, v38;
	[tilespmem:$0xA130] =	vst v48  }
0x5c: {  	v56 =	vld [tilespmem:$0xA1B0];
	v55 =	vbroadcast v1, $0x3;
	v54 =	vmul.f32 v45, v38;
	[tilespmem:$0xA140] =	vst v50  }
0x5d: {  	v58 =	vld [tilespmem:$0xA1C0];
	v57 =	vmul.f32 v47, v38;
	[tilespmem:$0xA150] =	vst v52  }
0x5e: {  	v60 =	vld [tilespmem:$0xA1D0];
	v59 =	vmul.f32 v49, v55;
	[tilespmem:$0xA160] =	vst v54  }
0x5f: {  	v62 =	vld [tilespmem:$0xA1E0];
	v61 =	vmul.f32 v51, v55;
	[tilespmem:$0xA170] =	vst v57  }
0x60: {  	v63 =	vmul.f32 v53, v55;
	v12 =	vld [tilespmem:$0xA1F0];
	[tilespmem:$0xA180] =	vst v59  }
0x61: {  	v14 =	vld [tilespmem:$0xA200];
	[tilespmem:$0xA190] =	vst v61;
	v13 =	vmul.f32 v56, v55  }
0x62: {  	v16 =	vld [tilespmem:$0xA210];
	[tilespmem:$0xA1A0] =	vst v63;
	v15 =	vmul.f32 v58, v55  }
0x63: {  	v18 =	vld [tilespmem:$0xA220];
	v17 =	vmul.f32 v60, v55;
	[tilespmem:$0xA1B0] =	vst v13  }
0x64: {  	v20 =	vbroadcast v1, $0x4;
	v38 =	vld [tilespmem:$0xA2B0];
	v19 =	vmul.f32 v62, v55;
	[tilespmem:$0xA1C0] =	vst v15  }
0x65: {  	v21 =	vld [tilespmem:$0xA230];
	[tilespmem:$0xA1D0] =	vst v17;
	v22 =	vmul.f32 v12, v55  }
0x66: {  	v23 =	vld [tilespmem:$0xA240];
	[tilespmem:$0xA1E0] =	vst v19;
	v24 =	vmul.f32 v14, v20  }
0x67: {  	v25 =	vld [tilespmem:$0xA250];
	v37 =	vbroadcast v1, $0x5;
	v26 =	vmul.f32 v16, v20;
	[tilespmem:$0xA1F0] =	vst v22  }
0x68: {  	v27 =	vld [tilespmem:$0xA260];
	v28 =	vmul.f32 v18, v20;
	[tilespmem:$0xA200] =	vst v24  }
0x69: {  	v29 =	vld [tilespmem:$0xA270];
	v47 =	vmul.f32 v38, v37;
	[tilespmem:$0xA210] =	vst v26  }
0x6a: {  	v31 =	vld [tilespmem:$0xA280];
	v30 =	vmul.f32 v21, v20;
	[tilespmem:$0xA220] =	vst v28  }
0x6b: {  	v33 =	vld [tilespmem:$0xA290];
	v32 =	vmul.f32 v23, v20;
	[tilespmem:$0xA2B0] =	vst v47  }
0x6c: {  	v35 =	vld [tilespmem:$0xA2A0];
	v34 =	vmul.f32 v25, v20;
	[tilespmem:$0xA230] =	vst v30  }
0x6d: {  	v40 =	vld [tilespmem:$0xA2C0];
	v36 =	vmul.f32 v27, v20;
	[tilespmem:$0xA240] =	vst v32  }
0x6e: {  	v42 =	vld [tilespmem:$0xA2D0];
	v39 =	vmul.f32 v29, v20;
	[tilespmem:$0xA250] =	vst v34  }
0x6f: {  	v44 =	vld [tilespmem:$0xA2E0];
	v41 =	vmul.f32 v31, v37;
	[tilespmem:$0xA260] =	vst v36  }
0x70: {  	v46 =	vld [tilespmem:$0xA2F0];
	v43 =	vmul.f32 v33, v37;
	[tilespmem:$0xA270] =	vst v39  }
0x71: {  	v48 =	vld [tilespmem:$0xA300];
	v45 =	vmul.f32 v35, v37;
	[tilespmem:$0xA280] =	vst v41  }
0x72: {  	v50 =	vld [tilespmem:$0xA310];
	v49 =	vmul.f32 v40, v37;
	[tilespmem:$0xA290] =	vst v43  }
0x73: {  	v52 =	vld [tilespmem:$0xA320];
	v51 =	vmul.f32 v42, v37;
	[tilespmem:$0xA2A0] =	vst v45  }
0x74: {  	v54 =	vbroadcast v1, $0x6;
	v57 =	vld [tilespmem:$0xA340];
	v53 =	vmul.f32 v44, v37;
	[tilespmem:$0xA2C0] =	vst v49  }
0x75: {  	v59 =	vld [tilespmem:$0xA350];
	v56 =	vmul.f32 v46, v37;
	[tilespmem:$0xA2D0] =	vst v51  }
0x76: {  	v61 =	vld [tilespmem:$0xA360];
	v58 =	vmul.f32 v48, v54;
	[tilespmem:$0xA2E0] =	vst v53  }
0x77: {  	v63 =	vld [tilespmem:$0xA370];
	v60 =	vmul.f32 v50, v54;
	[tilespmem:$0xA2F0] =	vst v56  }
0x78: {  	v13 =	vld [tilespmem:$0xA380];
	v62 =	vmul.f32 v52, v54;
	[tilespmem:$0xA300] =	vst v58  }
0x79: {  	v15 =	vld [tilespmem:$0xA390];
	v14 =	vmul.f32 v57, v54;
	[tilespmem:$0xA310] =	vst v60  }
0x7a: {  	v17 =	vld [tilespmem:$0xA3A0];
	v16 =	vmul.f32 v59, v54;
	[tilespmem:$0xA320] =	vst v62  }
0x7b: {  	v19 =	vbroadcast v1, $0x7;
	v55 =	vld [tilespmem:$0xA330];
	v18 =	vmul.f32 v61, v54;
	[tilespmem:$0xA340] =	vst v14  }
0x7c: {  	v20 =	vld [tilespmem:$0xA3B0];
	v21 =	vmul.f32 v63, v54;
	[tilespmem:$0xA350] =	vst v16  }
0x7d: {  	v22 =	vld [tilespmem:$0xA3C0];
	[tilespmem:$0xA360] =	vst v18;
	v23 =	vmul.f32 v13, v19  }
0x7e: {  	v24 =	vld [tilespmem:$0xA3D0];
	[tilespmem:$0xA370] =	vst v21;
	v25 =	vmul.f32 v15, v19  }
0x7f: {  	v26 =	vld [tilespmem:$0xA3E0];
	v27 =	vmul.f32 v17, v19;
	[tilespmem:$0xA380] =	vst v23  }
0x80: {  	v28 =	vld [tilespmem:$0xA3F0];
	v12 =	vmul.f32 v55, v54;
	[tilespmem:$0xA390] =	vst v25  }
0x81: {  	v37 =	vld [tilespmem:$0xA430];
	[tilespmem:$0xA3A0] =	vst v27;
	v29 =	vmul.f32 v20, v19  }
0x82: {  	v47 =	vld [tilespmem:$0xA480];
	[tilespmem:$0xA330] =	vst v12;
	v31 =	vmul.f32 v22, v19  }
0x83: {  	v30 =	vld [tilespmem:$0xA400];
	v33 =	vmul.f32 v24, v19;
	[tilespmem:$0xA3B0] =	vst v29  }
0x84: {  	v32 =	vld [tilespmem:$0xA410];
	v36 =	vbroadcast v1, $0x8;
	v35 =	vmul.f32 v26, v19;
	[tilespmem:$0xA3C0] =	vst v31  }
0x85: {  	v34 =	vld [tilespmem:$0xA420];
	v53 =	vbroadcast v1, $0x9;
	v38 =	vmul.f32 v28, v19;
	[tilespmem:$0xA3D0] =	vst v33  }
0x86: {  	v39 =	vld [tilespmem:$0xA440];
	v46 =	vmul.f32 v37, v36;
	[tilespmem:$0xA3E0] =	vst v35  }
0x87: {  	v41 =	vld [tilespmem:$0xA450];
	v57 =	vmul.f32 v47, v53;
	[tilespmem:$0xA3F0] =	vst v38  }
0x88: {  	v43 =	vld [tilespmem:$0xA460];
	v40 =	vmul.f32 v30, v36;
	[tilespmem:$0xA430] =	vst v46  }
0x89: {  	v45 =	vld [tilespmem:$0xA470];
	v42 =	vmul.f32 v32, v36;
	[tilespmem:$0xA480] =	vst v57  }
0x8a: {  	v49 =	vld [tilespmem:$0xA490];
	v44 =	vmul.f32 v34, v36;
	[tilespmem:$0xA400] =	vst v40  }
0x8b: {  	v51 =	vld [tilespmem:$0xA4A0];
	v48 =	vmul.f32 v39, v36;
	[tilespmem:$0xA410] =	vst v42  }
0x8c: {  	v56 =	vld [tilespmem:$0xA4C0];
	v50 =	vmul.f32 v41, v36;
	[tilespmem:$0xA420] =	vst v44  }
0x8d: {  	v58 =	vld [tilespmem:$0xA4D0];
	v52 =	vmul.f32 v43, v36;
	[tilespmem:$0xA440] =	vst v48  }
0x8e: {  	v60 =	vld [tilespmem:$0xA4E0];
	v55 =	vmul.f32 v45, v36;
	[tilespmem:$0xA450] =	vst v50  }
0x8f: {  	v62 =	vld [tilespmem:$0xA4F0];
	v59 =	vmul.f32 v49, v53;
	[tilespmem:$0xA460] =	vst v52  }
0x90: {  	v14 =	vld [tilespmem:$0xA510];
	v61 =	vmul.f32 v51, v53;
	[tilespmem:$0xA470] =	vst v55  }
0x91: {  	v16 =	vld [tilespmem:$0xA520];
	v13 =	vmul.f32 v56, v53;
	[tilespmem:$0xA490] =	vst v59  }
0x92: {  	v21 =	vld [tilespmem:$0xA540];
	v15 =	vmul.f32 v58, v53;
	[tilespmem:$0xA4A0] =	vst v61  }
0x93: {  	v18 =	vbroadcast v1, $0xA;
	v54 =	vld [tilespmem:$0xA4B0];
	v17 =	vmul.f32 v60, v53;
	[tilespmem:$0xA4C0] =	vst v13  }
0x94: {  	v23 =	vld [tilespmem:$0xA550];
	v20 =	vmul.f32 v62, v53;
	[tilespmem:$0xA4D0] =	vst v15  }
0x95: {  	v25 =	vld [tilespmem:$0xA560];
	v24 =	vmul.f32 v14, v18;
	[tilespmem:$0xA4E0] =	vst v17  }
0x96: {  	v27 =	vld [tilespmem:$0xA570];
	v26 =	vmul.f32 v16, v18;
	[tilespmem:$0xA4F0] =	vst v20  }
0x97: {  	v12 =	vld [tilespmem:$0xA500];
	v30 =	vmul.f32 v21, v18;
	[tilespmem:$0xA510] =	vst v24  }
0x98: {  	v19 =	vld [tilespmem:$0xA530];
	v63 =	vmul.f32 v54, v53;
	[tilespmem:$0xA520] =	vst v26  }
0x99: {  	v29 =	vld [tilespmem:$0xA580];
	v32 =	vmul.f32 v23, v18;
	[tilespmem:$0xA540] =	vst v30  }
0x9a: {  	v31 =	vld [tilespmem:$0xA590];
	v34 =	vmul.f32 v25, v18;
	[tilespmem:$0xA4B0] =	vst v63  }
0x9b: {  	v33 =	vld [tilespmem:$0xA5A0];
	v37 =	vmul.f32 v27, v18;
	[tilespmem:$0xA550] =	vst v32  }
0x9c: {  	v35 =	vbroadcast v1, $0xB;
	v36 =	vld [tilespmem:$0xA5B0];
	v22 =	vmul.f32 v12, v18;
	[tilespmem:$0xA560] =	vst v34  }
0x9d: {  	v38 =	vld [tilespmem:$0xA5C0];
	v28 =	vmul.f32 v19, v18;
	[tilespmem:$0xA570] =	vst v37  }
0x9e: {  	v46 =	vld [tilespmem:$0xA600];
	[tilespmem:$0xA500] =	vst v22;
	v39 =	vmul.f32 v29, v35  }
0x9f: {  	v57 =	vld [tilespmem:$0xA650];
	[tilespmem:$0xA530] =	vst v28;
	v41 =	vmul.f32 v31, v35  }
0xa0: {  	v53 =	vld [tilespmem:$0xA630];
	v43 =	vmul.f32 v33, v35;
	[tilespmem:$0xA580] =	vst v39  }
0xa1: {  	v40 =	vld [tilespmem:$0xA5D0];
	v52 =	vbroadcast v1, $0xC;
	v45 =	vmul.f32 v36, v35;
	[tilespmem:$0xA590] =	vst v41  }
0xa2: {  	v42 =	vld [tilespmem:$0xA5E0];
	v47 =	vmul.f32 v38, v35;
	[tilespmem:$0xA5A0] =	vst v43  }
0xa3: {  	v44 =	vld [tilespmem:$0xA5F0];
	v56 =	vmul.f32 v46, v52;
	[tilespmem:$0xA5B0] =	vst v45  }
0xa4: {  	v48 =	vld [tilespmem:$0xA610];
	v14 =	vmul.f32 v57, v52;
	[tilespmem:$0xA5C0] =	vst v47  }
0xa5: {  	v50 =	vld [tilespmem:$0xA620];
	v62 =	vmul.f32 v53, v52;
	[tilespmem:$0xA600] =	vst v56  }
0xa6: {  	v55 =	vld [tilespmem:$0xA640];
	v49 =	vmul.f32 v40, v35;
	[tilespmem:$0xA650] =	vst v14  }
0xa7: {  	v59 =	vld [tilespmem:$0xA660];
	v51 =	vmul.f32 v42, v35;
	[tilespmem:$0xA630] =	vst v62  }
0xa8: {  	v61 =	vld [tilespmem:$0xA670];
	v54 =	vmul.f32 v44, v35;
	[tilespmem:$0xA5D0] =	vst v49  }
0xa9: {  	v13 =	vld [tilespmem:$0xA690];
	v58 =	vmul.f32 v48, v52;
	[tilespmem:$0xA5E0] =	vst v51  }
0xaa: {  	v15 =	vld [tilespmem:$0xA6A0];
	v60 =	vmul.f32 v50, v52;
	[tilespmem:$0xA5F0] =	vst v54  }
0xab: {  	v20 =	vld [tilespmem:$0xA6C0];
	v12 =	vmul.f32 v55, v52;
	[tilespmem:$0xA610] =	vst v58  }
0xac: {  	v17 =	vbroadcast v1, $0xD;
	v24 =	vld [tilespmem:$0xA6E0];
	v16 =	vmul.f32 v59, v52;
	[tilespmem:$0xA620] =	vst v60  }
0xad: {  	v26 =	vld [tilespmem:$0xA6F0];
	v19 =	vmul.f32 v61, v52;
	[tilespmem:$0xA640] =	vst v12  }
0xae: {  	v30 =	vld [tilespmem:$0xA710];
	v23 =	vmul.f32 v13, v17;
	[tilespmem:$0xA660] =	vst v16  }
0xaf: {  	v63 =	vld [tilespmem:$0xA680];
	v25 =	vmul.f32 v15, v17;
	[tilespmem:$0xA670] =	vst v19  }
0xb0: {  	v18 =	vld [tilespmem:$0xA6B0];
	v29 =	vmul.f32 v20, v17;
	[tilespmem:$0xA690] =	vst v23  }
0xb1: {  	v32 =	vld [tilespmem:$0xA720];
	v34 =	vbroadcast v1, $0xE;
	v33 =	vmul.f32 v24, v17;
	[tilespmem:$0xA6A0] =	vst v25  }
0xb2: {  	v37 =	vld [tilespmem:$0xA740];
	v36 =	vmul.f32 v26, v17;
	[tilespmem:$0xA6C0] =	vst v29  }
0xb3: {  	v22 =	vld [tilespmem:$0xA6D0];
	v40 =	vmul.f32 v30, v34;
	[tilespmem:$0xA6E0] =	vst v33  }
0xb4: {  	v28 =	vld [tilespmem:$0xA700];
	v21 =	vmul.f32 v63, v17;
	[tilespmem:$0xA6F0] =	vst v36  }
0xb5: {  	v57 =	vld [tilespmem:$0xA7E0];
	v27 =	vmul.f32 v18, v17;
	[tilespmem:$0xA710] =	vst v40  }
0xb6: {  	v53 =	vld [tilespmem:$0xA7C0];
	v42 =	vmul.f32 v32, v34;
	[tilespmem:$0xA680] =	vst v21  }
0xb7: {  	v35 =	vld [tilespmem:$0xA730];
	v46 =	vmul.f32 v37, v34;
	[tilespmem:$0xA6B0] =	vst v27  }
0xb8: {  	v1 =	vbroadcast v1, $0xF;
	v39 =	vld [tilespmem:$0xA750];
	v31 =	vmul.f32 v22, v17;
	[tilespmem:$0xA720] =	vst v42  }
0xb9: {  	v41 =	vld [tilespmem:$0xA760];
	v38 =	vmul.f32 v28, v34;
	[tilespmem:$0xA740] =	vst v46  }
0xba: {  	v43 =	vld [tilespmem:$0xA770];
	v63 =	vmul.f32 v57, v1;
	[tilespmem:$0xA6D0] =	vst v31  }
0xbb: {  	v45 =	vld [tilespmem:$0xA780];
	v61 =	vmul.f32 v53, v1;
	[tilespmem:$0xA700] =	vst v38  }
0xbc: {  	v47 =	vld [tilespmem:$0xA790];
	v44 =	vmul.f32 v35, v34;
	[tilespmem:$0xA7E0] =	vst v63  }
0xbd: {  	v55 =	vld [tilespmem:$0xA7D0];
	v48 =	vmul.f32 v39, v34;
	[tilespmem:$0xA7C0] =	vst v61  }
0xbe: {  	v49 =	vld [tilespmem:$0xA7A0];
	v50 =	vmul.f32 v41, v34;
	[tilespmem:$0xA730] =	vst v44  }
0xbf: {  	v51 =	vld [tilespmem:$0xA7B0];
	v52 =	vmul.f32 v43, v34;
	[tilespmem:$0xA750] =	vst v48  }
0xc0: {  	v59 =	vld [tilespmem:$0xA7F0];
	v54 =	vmul.f32 v45, v1;
	[tilespmem:$0xA760] =	vst v50  }
0xc1: {  	v56 =	vmul.f32 v47, v1;
	[tilespmem:$0xA770] =	vst v52  }
0xc2: {  	v62 =	vmul.f32 v55, v1;
	[tilespmem:$0xA780] =	vst v54  }
0xc3: {  	v58 =	vmul.f32 v49, v1;
	[tilespmem:$0xA790] =	vst v56  }
0xc4: {  	v60 =	vmul.f32 v51, v1;
	[tilespmem:$0xA7D0] =	vst v62  }
0xc5: {  	v1 =	vmul.f32 v59, v1;
	[tilespmem:$0xA7A0] =	vst v58  }
0xc6: {  	p0 =	sne.s32 s25, $0x9FC0;
	[tilespmem:$0xA7B0] =	vst v60  }
.Ltmp0:
0xc7: {  	[tilespmem:$0xA7F0] =	vst v1;
	(pc) =	sbr.rel @p0 .LBB2_2-.Ltmp0, $4  }
0xc8: {  	[spmem:s3] =	stream.indirect_vreg.scatter.add.f32 [tilespmem:s22], [sflag:$0x2], $0x80, v0, vm0, $0xb8;
	[tilespmem:$0x1E800] =	vst v63  }
0xc9: {  	_ =	swait.ge [sflag:s14], $0x800  }
0xca: {  	[sflag:s14] =	ssyncset.done $0x0  }
0xcb: {  	s25 =	sadd.s32 $0x40, s25;
	[sflag:s14] =	ssyncadd.s32 $0xFFFFF800  }
0xcc: {  	s24 =	sadd.s32 $0x1, s24  }
0xcd: {  	p0 =	sne.s32 s24, s12  }
.Ltmp1:
0xce: {  	[bflag:$0x0] =	sbarrier.arrive $0xFFFF;
	(pc) =	sbr.rel @p0 .LBB2_1-.Ltmp1, $4  }
0xcf: {  	[hbm:s11], [sflag:s7] =	dma.local [spmem:s13], $0x2800  }
0xd0: {  	_ =	swait.ge [sflag:s14], $0x2800  }
0xd1: {  	[sflag:s14] =	ssyncset.done $0x0  }
0xd2: {  	[sflag:s14] =	ssyncadd.s32 $0xFFFFD800  }
0xd3: {  	_ =	sfence.sel $0x180000  }
0xd4: {  	[bflag:$0x0] =	sbarrier.arrive $0xFFFF  }
0xd5: {  	p0 =	sne.s32 s0, $0x0;
	_ =	strace $0x9000004A  }
0xd6: {  	s0 =	sadd.s32 @!p0 $0x100000, s1;
	[bflag:$0x2] =	sbarrier.arrive $0xFFFF  }
0xd7: {  	[sflag:s0] =	ssyncadd.tile.s32 @!p0 $0x1;
	_ =	shalt  }
.Lfunc_end2:
_tile_overlayer_lowered:
.L_overlay_start_2:
0xd8: {  	(tag) =	ssettag $0x2  }
0xd9: {  	s0 =	rddreg [dreg:$0x0];
	s2 =	stileid.u32  }
0xda: {  	s1 =	rddreg [dreg:$0x1];
	p0 =	sne.s32 s2, $0x0  }
0xdb: {  	s3 =	rddreg [dreg:$0x2];
	[bflag:$0x3] =	sbarrier.arrive $0xFFFF;
	s2 =	simm.s32 @!p0 $0x1C02  }
0xdc: {  	[timem:s3], [sflag:s2] =	dma.local @!p0 [hbm:s0], s1  }
0xdd: {  	s0 =	simm.s32 @!p0 $0x2  }
0xde: {  	_ =	swait.ge @!p0 [sflag:s0], s1  }
0xdf: {  	s1 =	ssub.s32 @!p0 $0x0, s1;
	[sflag:s0] =	ssyncset.done @!p0 $0x0  }
0xe0: {  	[sflag:s0] =	ssyncadd.s32 @!p0 s1  }
0xe1: {  	[bflag:$0x3] =	sbarrier.arrive $0xFFFF  }
0xe2: {  	_ =	shalt  }

// kernel: kernel.7.cloned.1.call-start
scs
__scs_entry_jumppad:
0x0: {  	(pc) =	sbr.rel $0x88, $3  }
0x1: {  	(tag) =	ssettag $0x0;
	lr =	simm.s32 $0x1  }
0x2: {  	[smem:$0x3F9B] =	sst lr;
	_ =	strace $0xD0000000  }
0x3: {  	_ = 	snop  }
0x4: {  	_ = 	snop  }
0x5: {  	_ = 	snop  }
0x6: {  	_ = 	snop  }
0x7: {  	_ = 	snop  }
__scs_overlays_trampoline_lowered:
0x8: {  	[smem:$0x3FAA] =	sst s0  }
0x9: {  	[smem:$0x3FAB] =	sst s1  }
0xa: {  	[smem:$0x3FAC] =	sst s2  }
0xb: {  	[smem:$0x3FAD] =	sst s3  }
0xc: {  	[smem:$0x3FAE] =	sst s4  }
0xd: {  	[smem:$0x3FAF] =	sst s5  }
0xe: {  	[smem:$0x3FB0] =	sst s6  }
0xf: {  	[smem:$0x3FB1] =	sst s7  }
0x10: {  	[smem:$0x3FB2] =	sst s8  }
0x11: {  	[smem:$0x3FB3] =	sst s9;
	s0 =	simm.s32 @!p0 $0x0  }
0x12: {  	s1 =	sld [smem:$0x3F99];
	s0 =	simm.s32 @p0 $0x1  }
0x13: {  	[smem:$0x3FB4] =	sst s0;
	s0 =	simm.s32 @!p1 $0x0  }
0x14: {  	s2 =	sld [smem:$0x3F98];
	s0 =	simm.s32 @p1 $0x1  }
0x15: {  	[smem:$0x3FB5] =	sst s0;
	s0 =	simm.s32 @!p2 $0x0  }
0x16: {  	s3 =	sld [smem:$0x3FDB];
	s0 =	simm.s32 @p2 $0x1  }
0x17: {  	s4 =	simm.s32 $0x1BF5;
	[smem:$0x3FB7] =	sst s0  }
0x18: {  	s0 =	sld [smem:$0x3F9A];
	_ =	swait.ge [sflag:s4], $0x0  }
0x19: {  	s7 =	sld [smem:$0x3F9B]  }
0x1a: {  	s8 =	sadd.s32 $0xFFFFE003, lr  }
0x1b: {  	s9 =	sadd.s32 $0xFFFFFEF7, lr;
	s5 =	simm.s32 $0xFFFFFFFF;
	p2 =	slt.u32 s8, $0xFFFFF086  }
0x1c: {  	p1 =	slt.u32 s9, $0xF7A;
	s5 =	simm.s32 @!p2 $0x0  }
0x1d: {  	s5 =	simm.s32 @p1 $0x1;
	p0 =	seq.s32 s7, s2  }
0x1e: {  	s7 =	smul.u32 @!p0 $0xF7A, s2;
	p2 =	seq.s32 @!p0 s5, $0x0  }
0x1f: {  	s9 =	smul.u32 $0xF7A, s1;
	s8 =	simm.s32 @!p0 $0x1BF5;
	p2 =	por !p2, p0  }
0x20: {  	[sflag:s8] =	ssyncset.s32 @!p0 $0xFFFFF086;
	s6 =	sadd.s32 @!p0 s3, s7;
	s7 =	simm.s32 @!p0 $0x108  }
0x21: {  	s3 =	sadd.s32 s3, s9;
	s6 =	sadd.s32 @!p0 $0x88, s6;
	s7 =	simm.s32 @p2 $0x1082  }
0x22: {  	[simem:s7], [sflag:s8] =	dma.local @!p0 [hbm:s6], $0xF7A  }
0x23: {  	s9 =	sor.u32 $0xD0000000, s2;
	s6 =	simm.s32 $0x108;
	_ =	swait.ge @!p0 [sflag:s8], $0x0  }
0x24: {  	s3 =	sadd.s32 $0x88, s3;
	s6 =	simm.s32 @!p1 $0x1082;
	[sflag:s4] =	ssyncset.s32 $0xFFFFF086  }
0x25: {  	[simem:s6], [sflag:s4] =	dma.local [hbm:s3], $0xF7A  }
0x26: {  	[smem:$0x3F9B] =	sst s1;
	(tag) =	ssettag s2;
	_ =	strace s9  }
0x27: {  	s1 =	sld [smem:$0x3FAB]  }
0x28: {  	s2 =	sld [smem:$0x3FAC]  }
0x29: {  	s4 =	sld [smem:$0x3FAE]  }
0x2a: {  	p0 =	seq.s32 s5, $0x0;
	s5 =	sld [smem:$0x3FAF]  }
0x2b: {  	s6 =	sld [smem:$0x3FB0]  }
0x2c: {  	s7 =	sld [smem:$0x3FB1]  }
0x2d: {  	s3 =	simm.s32 $0x108;
	s8 =	sld [smem:$0x3FB2]  }
0x2e: {  	s3 =	simm.s32 @!p0 $0x1082;
	s9 =	sld [smem:$0x3FB3]  }
0x2f: {  	lr =	sadd.s32 s0, s3;
	s0 =	sld [smem:$0x3FAA]  }
0x30: {  	s3 =	sld [smem:$0x3FAD]  }
0x31: {  	[smem:$0x3FB6] =	sst s10  }
0x32: {  	s10 =	sld [smem:$0x3FB4];
	_ =	sdelay $0x3  }
0x33: {  	p0 =	seq.s32 s10, $0x1;
	s10 =	sld [smem:$0x3FB6];
	_ =	sdelay $0x3  }
0x34: {  	[smem:$0x3FB6] =	sst s10  }
0x35: {  	s10 =	sld [smem:$0x3FB5];
	_ =	sdelay $0x3  }
0x36: {  	p1 =	seq.s32 s10, $0x1;
	s10 =	sld [smem:$0x3FB6];
	_ =	sdelay $0x3  }
0x37: {  	[smem:$0x3FB6] =	sst s10  }
0x38: {  	s10 =	sld [smem:$0x3FB7]  }
0x39: {  	_ = 	snop;
	(pc) =	sbr.ind lr, $3  }
0x3a: {  	_ = 	snop  }
0x3b: {  	_ = 	snop  }
0x3c: {  	p2 =	seq.s32 s10, $0x1;
	s10 =	sld [smem:$0x3FB6]  }
0x3d: {  	_ =	shalt  }
0x3e: {  	_ =	shalt  }
0x3f: {  	_ =	shalt  }
0x40: {  	_ =	shalt  }
0x41: {  	_ =	shalt  }
0x42: {  	_ =	shalt  }
0x43: {  	_ =	shalt  }
0x44: {  	_ =	shalt  }
0x45: {  	_ =	shalt  }
0x46: {  	_ =	shalt  }
0x47: {  	_ =	shalt  }
0x48: {  	_ =	shalt  }
0x49: {  	_ =	shalt  }
0x4a: {  	_ =	shalt  }
0x4b: {  	_ =	shalt  }
0x4c: {  	_ =	shalt  }
0x4d: {  	_ =	shalt  }
0x4e: {  	_ =	shalt  }
0x4f: {  	_ =	shalt  }
0x50: {  	_ =	shalt  }
0x51: {  	_ =	shalt  }
0x52: {  	_ =	shalt  }
0x53: {  	_ =	shalt  }
0x54: {  	_ =	shalt  }
0x55: {  	_ =	shalt  }
0x56: {  	_ =	shalt  }
0x57: {  	_ =	shalt  }
0x58: {  	_ =	shalt  }
0x59: {  	_ =	shalt  }
0x5a: {  	_ =	shalt  }
0x5b: {  	_ =	shalt  }
0x5c: {  	_ =	shalt  }
0x5d: {  	_ =	shalt  }
0x5e: {  	_ =	shalt  }
0x5f: {  	_ =	shalt  }
0x60: {  	_ =	shalt  }
0x61: {  	_ =	shalt  }
0x62: {  	_ =	shalt  }
0x63: {  	_ =	shalt  }
0x64: {  	_ =	shalt  }
0x65: {  	_ =	shalt  }
0x66: {  	_ =	shalt  }
0x67: {  	_ =	shalt  }
0x68: {  	_ =	shalt  }
0x69: {  	_ =	shalt  }
0x6a: {  	_ =	shalt  }
0x6b: {  	_ =	shalt  }
0x6c: {  	_ =	shalt  }
0x6d: {  	_ =	shalt  }
0x6e: {  	_ =	shalt  }
0x6f: {  	_ =	shalt  }
0x70: {  	_ =	shalt  }
0x71: {  	_ =	shalt  }
0x72: {  	_ =	shalt  }
0x73: {  	_ =	shalt  }
0x74: {  	_ =	shalt  }
0x75: {  	_ =	shalt  }
0x76: {  	_ =	shalt  }
0x77: {  	_ =	shalt  }
0x78: {  	_ =	shalt  }
0x79: {  	_ =	shalt  }
0x7a: {  	_ =	shalt  }
0x7b: {  	_ =	shalt  }
0x7c: {  	_ =	shalt  }
0x7d: {  	_ =	shalt  }
0x7e: {  	_ =	shalt  }
0x7f: {  	_ =	shalt  }
0x80: {  	_ =	shalt  }
0x81: {  	_ =	shalt  }
0x82: {  	_ =	shalt  }
0x83: {  	_ =	shalt  }
0x84: {  	_ =	shalt  }
0x85: {  	_ =	shalt  }
0x86: {  	_ =	shalt  }
0x87: {  	_ =	shalt  }
.Lfunc_end0:
.L_simem_size_0:
called_computation_lowered:
.L_overlay_start_0:
0x88: {  	s2 =	sld [smem:$0x3FD9]  }
0x89: {  	s3 =	sld [smem:$0x3FFE];
	_ =	sdelay $0x1  }
0x8a: {  	s1 =	srdreg.scid  }
0x8b: {  	s0 =	sand.u32 $0x1, s1  }
0x8c: {  	s16 =	sshll.u32 s0, $0xA;
	s2 =	sadd.s32 s3, s2  }
0x8d: {  	s2 =	sadd.s32 s2, s16  }
0x8e: {  	[smem:$0x3FC2] =	sst s2  }
0x8f: {  	_ = 	snop  }
0x90: {  	(tm) =	ssettm $0x1  }
0x91: {  	s17 =	sld [smem:$0x3FFB];
	_ =	sdelay $0x3  }
0x92: {  	_ =	strace s17  }
0x93: {  	s2 =	sld [smem:$0x3FFC];
	_ =	sdelay $0x3  }
0x94: {  	_ =	strace s2  }
0x95: {  	s2 =	sld [smem:$0x3FFD];
	_ =	sdelay $0x3  }
0x96: {  	_ =	strace s2  }
0x97: {  	_ =	strace $0x8FFFFFFF  }
0x98: {  	s18 =	sld [smem:$0x3FDB];
	_ =	sdelay $0x1  }
0x99: {  	s19 =	simm.s32 $_scs_section_size  }
0x9a: {  	s4 =	simm.s32 $_size__tile_overlayer_lowered;
	s5 =	simm.s32 $_tile_overlayer_lowered  }
0x9b: {  	s22 =	simm.s32 $0x1BFF;
	s21 =	sshll.u32 s5, $0x1;
	s2 =	sadd.s32 s19, s18  }
0x9c: {  	s6 =	simm.s32 $0x0;
	s20 =	sshll.u32 s4, $0x1;
	s4 =	sadd.s32 s21, s2  }
0x9d: {  	[timem:s6], [sflag:s22] =	dma.local [hbm:s4], s20  }
0x9e: {  	_ =	swait.ge [sflag:s22], s20  }
0x9f: {  	s3 =	ssub.s32 $0x0, s20;
	[sflag:s22] =	ssyncset.done $0x0  }
0xa0: {  	[sflag:s22] =	ssyncadd.s32 s3;
	_ =	sdelay $0x1  }
0xa1: {  	s23 =	simm.s32 $0x1B8B  }
0xa2: {  	_ =	swait.ge [sflag:s23], $0x1  }
0xa3: {  	[sflag:s23] =	ssyncset.done $0x0  }
0xa4: {  	s25 =	simm.s32 $0x1B8E;
	s24 =	sld [smem:$0x3FFE];
	[sflag:s23] =	ssyncadd.s32 $0xFFFFFFFF  }
0xa5: {  	s26 =	simm.s32 $execute0_lowered;
	[smem:$0x3FD2] =	sst s25  }
0xa6: {  	s4 =	sshll.u32 s26, $0x1;
	_ =	strace $0x80000046;
	[dreg:$0x1] =	wrdreg $0xFFFFFFFF  }
0xa7: {  	s28 =	simm.s32 $_size_execute0_lowered;
	s2 =	sadd.s32 s2, s4;
	[dreg:$0x0] =	wrdreg $0x0  }
0xa8: {  	s4 =	sshll.u32 s28, $0x1;
	[dreg:$0x2] =	wrdreg s2  }
0xa9: {  	[dreg:$0x3] =	wrdreg s4  }
0xaa: {  	[dreg:$0x4] =	wrdreg $0xC0  }
0xab: {  	_ =	task [dreg:s6], $0x5FFFF  }
0xac: {  	[dreg:$0x1] =	wrdreg $0xFFFFFFFF  }
0xad: {  	[dreg:$0x0] =	wrdreg $0x60  }
0xae: {  	[dreg:$0x2] =	wrdreg s24  }
0xaf: {  	[dreg:$0x3] =	wrdreg $0xC9800  }
0xb0: {  	[dreg:$0x4] =	wrdreg $0x9  }
0xb1: {  	_ =	task.clear_ibuf [dreg:s6], $0x5FFFF;
	_ =	strace $0x90000046  }
0xb2: {  	s29 =	simm.s32 $0x9;
	_ =	strace $0x80000048  }
0xb3: {  	_ =	swait.ge [sflag:s29], $0x1  }
0xb4: {  	[sflag:s29] =	ssyncadd.s32 $0xFFFFFFFF  }
0xb5: {  	_ =	strace $0x90000048  }
0xb6: {  	_ =	sfence  }
0xb7: {  	s30 =	sld [smem:$0x0];
	_ =	sdelay $0x2  }
0xb8: {  	s31 =	sshll.u32 s1, $0xD;
	s1 =	sshrl.u32 s1, $0x2  }
0xb9: {  	s3 =	sand.u32 $0x4000, s31;
	s1 =	sadd.s32 s1, s30  }
0xba: {  	s0 =	sor.u32 s3, s0;
	s1 =	sshll.u32 s1, $0x11  }
0xbb: {  	s0 =	sor.u32 s1, s0  }
0xbc: {  	s0 =	sadd.s32 $0x8F2B, s0  }
0xbd: {  	[sflag:s0] =	ssyncadd.remote.s32 $0x1  }
0xbe: {  	_ =	sfence.sel $0xFFFF  }
0xbf: {  	[dreg:$0x0] =	wrdreg $0xFFFFFFFF;
	(pc) =	sbr.abs _section_cstart, $3  }
0xc0: {  	[dreg:$0x1] =	wrdreg $0xFFFFFFFF  }
0xc1: {  	_ =	task.clear_ibuf [dreg:s6], $0x2FFFF;
	_ =	strace $0x9FFFFFFF  }
0xc2: {  	(tm) =	ssettm $0x7FFFFFFF  }
0xc3: {  	_ =	shalt  }
tec
execute0_lowered:
.L_overlay_start_1:
0x0: {  	(tag) =	ssettag $0x1  }
0x1: {  	s0 =	srdreg.scid;
	s5 =	rddreg [dreg:$0x0]  }
0x2: {  	s1 =	rddreg [dreg:$0x1];
	s17 =	stileid.u32  }
0x3: {  	s2 =	simm.s32 $0x0;
	s12 =	simm.s32 $0x1;
	s13 =	simm.s32 $0x2780  }
0x4: {  	s14 =	simm.s32 $0x4F00;
	s15 =	simm.s32 $0x7700;
	s16 =	simm.s32 $0x9F00  }
0x5: {  	s19 =	simm.s32 $0x0;
	s6 =	sand.u32 $0x1, s0;
	s0 =	rddreg [dreg:$0x2]  }
0x6: {  	[smem:$0x7FF] =	sst s2;
	s9 =	smul.u32 $0xA00, s17;
	s4 =	sadd.s32 $0x1400, s5  }
0x7: {  	p0 =	sne.s32 s17, $0x0;
	s7 =	sshll.u32 s6, $0x4;
	_ =	strace $0x80000047  }
0x8: {  	s6 =	ssub.s32 $0x2, s6;
	s18 =	sshrl.u32 @!p0 s1, $0x3;
	s3 =	sor.u32 s17, s7  }
0x9: {  	s10 =	sshrl.u32 s6, $0x1;
	s9 =	sshrl.u32 s9, $0x2;
	s8 =	smul.u32 $0x500, s3  }
0xa: {  	s11 =	sadd.s32 s7, s5;
	s17 =	simm.s32 $0x80;
	s10 =	ssub.s32 s6, s10  }
0xb: {  	s3 =	sadd.s32 $0xE00, s5;
	s10 =	smax.u32 s10, $0x1;
	s8 =	sadd.s32 s8, s5  }
0xc: {  	s5 =	sadd.s32 s9, s1;
	s9 =	sadd.s32 $0x15A00, s11;
	s11 =	simm.s32 $0xC700  }
0xd: {  	v0 =	vimm.f32 $0.0e+00;
	s6 =	sadd.s32 $0xBA00, s8;
	s7 =	sadd.s32 $0x1A00, s8;
	s8 =	sadd.s32 $0x16400, s8  }
.LBB2_1:
0xe: {  	[tilespmem:$0xC700] =	vst v0  }
0xf: {  	[tilespmem:$0xC710] =	vst v0  }
0x10: {  	[tilespmem:$0xC720] =	vst v0  }
0x11: {  	[tilespmem:$0xC730] =	vst v0  }
0x12: {  	[tilespmem:$0xC740] =	vst v0  }
0x13: {  	[tilespmem:$0xC750] =	vst v0  }
0x14: {  	[tilespmem:$0xC760] =	vst v0  }
0x15: {  	[tilespmem:$0xC770] =	vst v0  }
0x16: {  	[tilespmem:$0xC780] =	vst v0  }
0x17: {  	[tilespmem:$0xC790] =	vst v0  }
0x18: {  	[tilespmem:$0xC7A0] =	vst v0  }
0x19: {  	[tilespmem:$0xC7B0] =	vst v0  }
0x1a: {  	[tilespmem:$0xC7C0] =	vst v0  }
0x1b: {  	[tilespmem:$0xC7D0] =	vst v0  }
0x1c: {  	[tilespmem:$0xC7E0] =	vst v0  }
0x1d: {  	[tilespmem:$0xC7F0] =	vst v0  }
0x1e: {  	[tilespmem:$0xC800] =	vst v0  }
0x1f: {  	[tilespmem:$0xC810] =	vst v0  }
0x20: {  	[tilespmem:$0xC820] =	vst v0  }
0x21: {  	[tilespmem:$0xC830] =	vst v0  }
0x22: {  	[tilespmem:$0xC840] =	vst v0  }
0x23: {  	[tilespmem:$0xC850] =	vst v0  }
0x24: {  	[tilespmem:$0xC860] =	vst v0  }
0x25: {  	[tilespmem:$0xC870] =	vst v0  }
0x26: {  	[tilespmem:$0xC880] =	vst v0  }
0x27: {  	[tilespmem:$0xC890] =	vst v0  }
0x28: {  	[tilespmem:$0xC8A0] =	vst v0  }
0x29: {  	[tilespmem:$0xC8B0] =	vst v0  }
0x2a: {  	[tilespmem:$0xC8C0] =	vst v0  }
0x2b: {  	[tilespmem:$0xC8D0] =	vst v0  }
0x2c: {  	[tilespmem:$0xC8E0] =	vst v0  }
0x2d: {  	[tilespmem:$0xC8F0] =	vst v0  }
0x2e: {  	[tilespmem:$0xC900] =	vst v0  }
0x2f: {  	[tilespmem:$0xC910] =	vst v0  }
0x30: {  	[tilespmem:$0xC920] =	vst v0  }
0x31: {  	[tilespmem:$0xC930] =	vst v0  }
0x32: {  	[tilespmem:$0xC940] =	vst v0  }
0x33: {  	[tilespmem:$0xC950] =	vst v0  }
0x34: {  	[tilespmem:$0xC960] =	vst v0  }
0x35: {  	[tilespmem:$0xC970] =	vst v0  }
0x36: {  	[spmem:s5] =	stream.linear.scatter [tilespmem:s11], [sflag:$0x1], $0x280, $0x38;
	[tilespmem:$0xCC00] =	vst v63  }
0x37: {  	_ =	swait.ge [sflag:s12], $0x280  }
0x38: {  	[sflag:s12] =	ssyncset.done $0x0  }
0x39: {  	[sflag:s12] =	ssyncadd.s32 $0xFFFFFD80  }
0x3a: {  	[tilespmem:s2], [sflag:$0x1] =	stream.linear.gather [hbm4b:s3+s2], $0x2780, $0x38;
	[tilespmem:$0xCC00] =	vst v63  }
0x3b: {  	_ =	swait.ge [sflag:s12], $0x2780  }
0x3c: {  	[sflag:s12] =	ssyncset.done $0x0  }
0x3d: {  	[sflag:s12] =	ssyncadd.s32 $0xFFFFD880  }
0x3e: {  	[tilespmem:s13], [sflag:$0x1] =	stream.linear.gather [hbm4b:s4+s2], $0x2780, $0x38;
	[tilespmem:$0xCC00] =	vst v63  }
0x3f: {  	_ =	swait.ge [sflag:s12], $0x2780  }
0x40: {  	[sflag:s12] =	ssyncset.done $0x0  }
0x41: {  	[sflag:s12] =	ssyncadd.s32 $0xFFFFD880  }
0x42: {  	[tilespmem:s14], [sflag:$0x1] =	stream.linear.gather [hbm4b:s6+s2], $0x2800, $0x38;
	[tilespmem:$0xCC00] =	vst v63  }
0x43: {  	_ =	swait.ge [sflag:s12], $0x2800  }
0x44: {  	[sflag:s12] =	ssyncset.done $0x0  }
0x45: {  	[sflag:s12] =	ssyncadd.s32 $0xFFFFD800  }
0x46: {  	[tilespmem:s15], [sflag:$0x1] =	stream.linear.gather [hbm4b:s7+s2], $0x2800, $0x38;
	[tilespmem:$0xCC00] =	vst v63  }
0x47: {  	_ =	swait.ge [sflag:s12], $0x2800  }
0x48: {  	[sflag:s12] =	ssyncset.done $0x0  }
0x49: {  	s20 =	simm.s32 $0x0;
	[sflag:s12] =	ssyncadd.s32 $0xFFFFD800  }
0x4a: {  	v1 =	vld [tilespmem:s20+$0x7700]  }
0x4b: {  	v2 =	vld [tilespmem:s20+$0x4F00];
	_ =	sdelay $0x6  }
0x4c: {  	v1 =	vld.idx.msk [tilespmem:v1+s13+$0x0], $0xffff  }
0x4d: {  	v2 =	vld.idx.msk [tilespmem:v2+s2+$0x0], $0xffff;
	_ =	sdelay $0x4  }
0x4e: {  	v1 =	vadd.f32 v1, v2;
	_ =	sdelay $0x1  }
0x4f: {  	v2 =	vmul.f32 $2.000000030e-01, v1  }
0x50: {  	vm0 =	vgt.f32 v1, $0.0e+00  }
0x51: {  	v1 =	vsel vm0, v1, v2  }
0x52: {  	v1 =	vmul.f32 $1.442695020e+00, v1;
	_ =	sdelay $0x1  }
0x53: {  	(erf) = vpow2.f32 v1;
	_ =	sdelay $0x1  }
0x54: {  	s22 =	simm.s32 $0x10  }
0x55: {  	s21 =	simm.s32 $0x80;
	v1 =	vld [tilespmem:s22+$0x7700]  }
.LBB2_2:
0x56: {  	p1 =	sne.s32 s21, $0x9FC0;
	v2 =	vld [tilespmem:s22+$0x4F00];
	_ =	sdelay $0x4  }
0x57: {  	v3 =	vpop (erf)  }
0x58: {  	[tilespmem:s20+$0x9F00] =	vst v3;
	s20 =	smov.u32 s22  }
0x59: {  	v1 =	vld.idx.msk [tilespmem:v1+s13+$0x0], $0xffff  }
0x5a: {  	v2 =	vld.idx.msk [tilespmem:v2+s2+$0x0], $0xffff;
	_ =	sdelay $0x5  }
0x5b: {  	v1 =	vadd.f32 v1, v2;
	_ =	sdelay $0x1  }
0x5c: {  	v2 =	vmul.f32 $2.000000030e-01, v1  }
0x5d: {  	vm0 =	vgt.f32 v1, $0.0e+00  }
0x5e: {  	v1 =	vsel vm0, v1, v2  }
0x5f: {  	v1 =	vmul.f32 $1.442695020e+00, v1  }
.Ltmp0:
0x60: {  	(pc) =	sbr.rel @p1 .LBB2_2-.Ltmp0, $3  }
0x61: {  	(erf) = vpow2.f32 v1;
	_ =	sdelay $0x1  }
0x62: {  	s22 =	sshra.s32 s21, $0x2  }
0x63: {  	s21 =	sadd.s32 $0x40, s21;
	v1 =	vld [tilespmem:s22+$0x7700]  }
0x64: {  	_ = 	snop  }
0x65: {  	v2 =	vld [tilespmem:s22+$0x4F00];
	_ =	sdelay $0x4  }
0x66: {  	v3 =	vpop (erf)  }
0x67: {  	[tilespmem:s20+$0x9F00] =	vst v3  }
0x68: {  	v1 =	vld.idx.msk [tilespmem:v1+s13+$0x0], $0xffff  }
0x69: {  	v2 =	vld.idx.msk [tilespmem:v2+s2+$0x0], $0xffff;
	_ =	sdelay $0x4  }
0x6a: {  	v1 =	vadd.f32 v1, v2;
	_ =	sdelay $0x1  }
0x6b: {  	v2 =	vmul.f32 $2.000000030e-01, v1  }
0x6c: {  	vm0 =	vgt.f32 v1, $0.0e+00  }
0x6d: {  	v1 =	vsel vm0, v1, v2  }
0x6e: {  	v1 =	vmul.f32 $1.442695020e+00, v1;
	_ =	sdelay $0x1  }
0x6f: {  	(erf) = vpow2.f32 v1;
	_ =	sdelay $0x8  }
0x70: {  	v1 =	vpop (erf)  }
0x71: {  	s30 =	simm.s32 $0x0;
	[tilespmem:s22+$0x9F00] =	vst v1  }
0x72: {  	[hbm4b:s8+s30] =	stream.linear.scatter [tilespmem:s16], [sflag:$0x1], $0x2800, $0x38;
	[tilespmem:$0xCC00] =	vst v63  }
0x73: {  	_ =	swait.ge [sflag:s12], $0x2800  }
0x74: {  	[sflag:s12] =	ssyncset.done $0x0  }
0x75: {  	[sflag:s12] =	ssyncadd.s32 $0xFFFFD800  }
0x76: {  	s31 =	simm.s32 $0x9F00;
	s21 =	simm.s32 $0x7700;
	[bflag:$0x0] =	sbarrier.arrive $0xFFFF  }
0x77: {  	[spmem:s1] =	stream.indirect.scatter.add.f32 [tilespmem:s31], [sflag:$0x1], $0x1, s21, s17, $0xb8;
	[tilespmem:$0xCC00] =	vst v63  }
0x78: {  	s20 =	simm.s32 $0x200;
	_ =	swait.ge [sflag:s12], $0x80  }
.LBB2_4:
0x79: {  	s21 =	sshra.s32 s20, $0x2  }
0x7a: {  	[sflag:s12] =	ssyncset.done $0x0;
	p1 =	sne.s32 s20, $0x9E00;
	s22 =	sadd.s32 $0x9F00, s21  }
.Ltmp1:
0x7b: {  	s21 =	sadd.s32 $0x7700, s21;
	[sflag:s12] =	ssyncadd.s32 $0xFFFFFF80;
	(pc) =	sbr.rel @p1 .LBB2_4-.Ltmp1, $3  }
0x7c: {  	[spmem:s1] =	stream.indirect.scatter.add.f32 [tilespmem:s22], [sflag:$0x1], $0x1, s21, s17, $0xb8;
	[tilespmem:$0xCC00] =	vst v63  }
0x7d: {  	s20 =	sadd.s32 $0x200, s20;
	_ =	sdelay $0x1  }
0x7e: {  	_ =	swait.ge [sflag:s12], $0x80  }
0x7f: {  	[sflag:s12] =	ssyncset.done $0x0  }
0x80: {  	s20 =	simm.s32 @!p0 $0x1;
	s21 =	simm.s32 @!p0 $0x20;
	s19 =	sadd.s32 $0x1, s19  }
0x81: {  	s22 =	simm.s32 @!p0 $0x10;
	[sflag:s12] =	ssyncadd.s32 $0xFFFFFF80;
	p1 =	sne.s32 s19, s10  }
.Ltmp2:
0x82: {  	s23 =	simm.s32 @!p0 $0x1C01;
	[bflag:$0x0] =	sbarrier.arrive $0xFFFF;
	(pc) =	sbr.rel @p1 .LBB2_1-.Ltmp2, $4  }
0x83: {  	[hbm:s9@s21], [sflag:s23] =	dma.strided @!p0 [spmem:s18@s22], $0x500, s20, $0x10   }
0x84: {  	_ =	swait.ge @!p0 [sflag:s20], $0x500  }
0x85: {  	[sflag:s20] =	ssyncset.done @!p0 $0x0  }
0x86: {  	[sflag:s20] =	ssyncadd.s32 @!p0 $0xFFFFFB00  }
0x87: {  	_ =	sfence.sel $0x180000  }
0x88: {  	[bflag:$0x0] =	sbarrier.arrive $0xFFFF  }
0x89: {  	_ =	strace $0x90000047  }
0x8a: {  	s0 =	sadd.s32 @!p0 $0x100000, s0;
	[bflag:$0x2] =	sbarrier.arrive $0xFFFF  }
0x8b: {  	[sflag:s0] =	ssyncadd.tile.s32 @!p0 $0x1;
	_ =	shalt  }
.Lfunc_end2:
_tile_overlayer_lowered:
.L_overlay_start_2:
0x8c: {  	(tag) =	ssettag $0x2  }
0x8d: {  	s0 =	rddreg [dreg:$0x0];
	s2 =	stileid.u32  }
0x8e: {  	s1 =	rddreg [dreg:$0x1];
	p0 =	sne.s32 s2, $0x0  }
0x8f: {  	s3 =	rddreg [dreg:$0x2];
	[bflag:$0x3] =	sbarrier.arrive $0xFFFF;
	s2 =	simm.s32 @!p0 $0x1C01  }
0x90: {  	[timem:s3], [sflag:s2] =	dma.local @!p0 [hbm:s0], s1  }
0x91: {  	s0 =	simm.s32 @!p0 $0x1  }
0x92: {  	_ =	swait.ge @!p0 [sflag:s0], s1  }
0x93: {  	s1 =	ssub.s32 @!p0 $0x0, s1;
	[sflag:s0] =	ssyncset.done @!p0 $0x0  }
0x94: {  	[sflag:s0] =	ssyncadd.s32 @!p0 s1  }
0x95: {  	[bflag:$0x3] =	sbarrier.arrive $0xFFFF  }
0x96: {  	_ =	shalt  }

</sc_bundles>
